<compile_context>
chip_gen: v7x
topology: tpu7x:2x2x1
jax: 0.10.2.dev20260603
libtpu: 0.0.44.dev20260713+nightly
codegen_flags: <defaults>
</compile_context>

<pallas_src>
import functools

import jax
import jax.numpy as jnp
from jax import lax
from jax.experimental import pallas as pl
from jax.experimental.pallas import tpu as pltpu
from jax.experimental.pallas import tpu_sc as plsc

_N = 10000
_E = 320000
_F_IN = 128
_H = 32
_F_OUT = 64

_NC = 2
_NS = 16
_NW = _NC * _NS
_EPW = _E // _NW
_C = 400
_CH = _EPW // _C


def _sc_mesh():
    return plsc.VectorSubcoreMesh(core_axis_name="c", subcore_axis_name="s")


@functools.partial(
    pl.kernel,
    mesh=_sc_mesh(),
    compiler_params=pltpu.CompilerParams(use_tc_tiling_on_sc=False),
    out_type=jax.ShapeDtypeStruct((_NC, 2, _N), jnp.float32),
    scratch_types=[
        pltpu.VMEM((_EPW,), jnp.int32),
        pltpu.VMEM((_EPW,), jnp.int32),
        pltpu.VMEM((_C,), jnp.float32),
        pltpu.VMEM_SHARED((_N,), jnp.float32),
        pltpu.VMEM_SHARED((_N,), jnp.float32),
        pltpu.SemaphoreType.DMA,
        pltpu.SemaphoreType.DMA,
    ],
)
def _deg_kernel(ei, zeros2, out, src_v, dst_v, ones_v, din, dout, sem_i,
                sem_o):
    c = lax.axis_index("c")
    s = lax.axis_index("s")
    w = c * _NS + s
    pltpu.sync_copy(ei.at[0, pl.ds(w * _EPW, _EPW)], src_v)
    pltpu.sync_copy(ei.at[1, pl.ds(w * _EPW, _EPW)], dst_v)

    ones = jnp.ones((16,), jnp.float32)
    for g in range(_C // 16):
        ones_v[pl.ds(g * 16, 16)] = ones

    @pl.when(s == 0)
    def _init():
        pltpu.sync_copy(zeros2.at[0], din)
        pltpu.sync_copy(zeros2.at[1], dout)

    plsc.subcore_barrier()

    def fire(k, carry):
        pltpu.async_copy(ones_v, din.at[dst_v.at[pl.ds(k * _C, _C)]], sem_i,
                         add=True)
        pltpu.async_copy(ones_v, dout.at[src_v.at[pl.ds(k * _C, _C)]], sem_o,
                         add=True)
        return carry

    lax.fori_loop(0, _CH, fire, 0)

    def drain(k, carry):
        pltpu.make_async_copy(ones_v, din.at[dst_v.at[pl.ds(k * _C, _C)]],
                              sem_i).wait()
        pltpu.make_async_copy(ones_v, dout.at[src_v.at[pl.ds(k * _C, _C)]],
                              sem_o).wait()
        return carry

    lax.fori_loop(0, _CH, drain, 0)
    plsc.subcore_barrier()

    @pl.when(s == 0)
    def _writeback():
        pltpu.sync_copy(din, out.at[c, 0])
        pltpu.sync_copy(dout, out.at[c, 1])


def _make_edge_kernel(F, C=200):
    CH = _EPW // C

    @functools.partial(
        pl.kernel,
        mesh=_sc_mesh(),
        compiler_params=pltpu.CompilerParams(use_tc_tiling_on_sc=False),
        out_type=jax.ShapeDtypeStruct((_NC, _N, F), jnp.float32),
        scratch_types=[
            pltpu.VMEM((_EPW,), jnp.int32),
            pltpu.VMEM((_EPW,), jnp.int32),
            pltpu.VMEM((4, C, F), jnp.float32),
            pltpu.VMEM_SHARED((_N, F), jnp.float32),
            pltpu.SemaphoreType.DMA,
            pltpu.SemaphoreType.DMA,
            pltpu.SemaphoreType.DMA,
            pltpu.SemaphoreType.DMA,
        ],
    )
    def _edge_kernel(table, ei, zeros, out, src_v, dst_v, rows_v, acc,
                     sem0, sem1, sem2, sem3):
        c = lax.axis_index("c")
        s = lax.axis_index("s")
        w = c * _NS + s
        sems = (sem0, sem1, sem2, sem3)
        pltpu.sync_copy(ei.at[0, pl.ds(w * _EPW, _EPW)], src_v)
        pltpu.sync_copy(ei.at[1, pl.ds(w * _EPW, _EPW)], dst_v)

        rpt = _N // _NS
        pltpu.sync_copy(zeros.at[pl.ds(s * rpt, rpt)],
                        acc.at[pl.ds(s * rpt, rpt)])
        plsc.subcore_barrier()

        def gstart(k, b):
            pltpu.async_copy(table.at[src_v.at[pl.ds(k * C, C)]],
                             rows_v.at[b], sems[b])

        def gwait(k, b):
            pltpu.make_async_copy(table.at[src_v.at[pl.ds(k * C, C)]],
                                  rows_v.at[b], sems[b]).wait()

        def sstart(k, b):
            pltpu.async_copy(rows_v.at[b],
                             acc.at[dst_v.at[pl.ds(k * C, C)]], sems[b],
                             add=True)

        def swait(k, b):
            pltpu.make_async_copy(rows_v.at[b],
                                  acc.at[dst_v.at[pl.ds(k * C, C)]],
                                  sems[b]).wait()

        for k in range(4):
            gstart(k, k)
        gwait(0, 0)
        sstart(0, 0)
        gwait(1, 1)
        sstart(1, 1)

        ngroups = (CH - 5) // 4

        def body(j, carry):
            for bi in range(4):
                k = 4 * j + 2 + bi
                swait(k - 2, bi)
                gstart(k + 2, bi)
                gwait(k, (2 + bi) % 4)
                sstart(k, (2 + bi) % 4)
            return carry

        lax.fori_loop(0, ngroups, body, 0)
        for k in range(4 * ngroups + 2, CH):
            swait(k - 2, (k - 2) % 4)
            if k + 2 < CH:
                gstart(k + 2, (k + 2) % 4)
            gwait(k, k % 4)
            sstart(k, k % 4)
        swait(CH - 2, (CH - 2) % 4)
        swait(CH - 1, (CH - 1) % 4)
        plsc.subcore_barrier()
        pltpu.sync_copy(acc.at[pl.ds(s * rpt, rpt)],
                        out.at[c, pl.ds(s * rpt, rpt)])

    return _edge_kernel


_edge32 = _make_edge_kernel(_H)
_edge64 = _make_edge_kernel(_F_OUT)


_BN = 1000
_G = _N // _BN


def _pre(parts, x, W1):
    def body(p_ref, x_ref, w_ref, st_ref, hs_ref):
        i = pl.program_id(0)

        @pl.when(i == 0)
        def _():
            d = p_ref[0, 0] + p_ref[0, 1]
            st_ref[...] = lax.rsqrt(jnp.maximum(d, 1.0)).T

        h = jnp.dot(x_ref[...], w_ref[...], preferred_element_type=jnp.float32)
        hs_ref[...] = h * st_ref[pl.ds(i * _BN, _BN), 1:2]

    return pl.pallas_call(
        body,
        grid=(_G,),
        in_specs=[
            pl.BlockSpec((1, 2, 2, _N), lambda i: (0, 0, 0, 0)),
            pl.BlockSpec((_BN, _F_IN), lambda i: (i, 0)),
            pl.BlockSpec((_F_IN, _H), lambda i: (0, 0)),
        ],
        out_specs=[
            pl.BlockSpec((_N, 2), lambda i: (0, 0)),
            pl.BlockSpec((_BN, _H), lambda i: (i, 0)),
        ],
        out_shape=(jax.ShapeDtypeStruct((_N, 2), jnp.float32),
                   jax.ShapeDtypeStruct((_N, _H), jnp.float32)))(
            parts.reshape(1, 2, 2, _N), x, W1)


def _mid(p1, st, b1, W2):
    def body(p_ref, st_ref, b1_ref, w_ref, o_ref):
        h1 = jnp.maximum(
            (p_ref[0] + p_ref[1]) * st_ref[:, 0:1] + b1_ref[...], 0.0)
        o_ref[...] = jnp.dot(h1, w_ref[...],
                             preferred_element_type=jnp.float32) * st_ref[:, 1:2]

    return pl.pallas_call(
        body,
        grid=(_G,),
        in_specs=[
            pl.BlockSpec((2, _BN, _H), lambda i: (0, i, 0)),
            pl.BlockSpec((_BN, 2), lambda i: (i, 0)),
            pl.BlockSpec((1, _H), lambda i: (0, 0)),
            pl.BlockSpec((_H, _F_OUT), lambda i: (0, 0)),
        ],
        out_specs=pl.BlockSpec((_BN, _F_OUT), lambda i: (i, 0)),
        out_shape=jax.ShapeDtypeStruct((_N, _F_OUT), jnp.float32))(
            p1, st, b1.reshape(1, _H), W2)


def _final(p2, st, b2):
    def body(p_ref, st_ref, b2_ref, o_ref):
        o_ref[...] = (p_ref[0] + p_ref[1]) * st_ref[:, 0:1] + b2_ref[...]

    return pl.pallas_call(
        body,
        grid=(_G,),
        in_specs=[
            pl.BlockSpec((2, _BN, _F_OUT), lambda i: (0, i, 0)),
            pl.BlockSpec((_BN, 2), lambda i: (i, 0)),
            pl.BlockSpec((1, _F_OUT), lambda i: (0, 0)),
        ],
        out_specs=pl.BlockSpec((_BN, _F_OUT), lambda i: (i, 0)),
        out_shape=jax.ShapeDtypeStruct((_N, _F_OUT), jnp.float32))(
            p2, st, b2.reshape(1, _F_OUT))


def kernel(x, edge_index, W1, b1, W2, b2):
    parts = _deg_kernel(edge_index, jnp.zeros((2, _N), jnp.float32))
    st, hs = _pre(parts, x, W1)
    p1 = _edge32(hs, edge_index, jnp.zeros((_N, _H), jnp.float32))
    hs2 = _mid(p1, st, b1, W2)
    p2 = _edge64(hs2, edge_index, jnp.zeros((_N, _F_OUT), jnp.float32))
    return _final(p2, st, b2)

# --- scband reference (transcript-rebuilt; emitter-appended) ---
"""Pipeline reference for scband-model-77120432767020 (READ-ONLY COPY).

The authoritative reference and input builder live on the scoring server;
editing this copy changes nothing except your own understanding.
"""

import jax, jax.numpy as jnp
import numpy as np

N = 10000
E = 320000
F_IN = 128
H = 32
F_OUT = 64


def setup_inputs(seed: int = 0) -> dict:
    key = jax.random.key(seed)
    k1, k2, k3, k4, k5, k6 = jax.random.split(key, 6)
    x = jax.random.normal(k1, (N, F_IN), dtype=jnp.float32)
    edge_index = jax.random.randint(k2, (2, E), 0, N, dtype=jnp.int32)
    s1 = 1.0 / np.sqrt(F_IN)
    s2 = 1.0 / np.sqrt(H)
    W1 = jax.random.uniform(k3, (F_IN, H), dtype=jnp.float32, minval=-s1, maxval=s1)
    b1 = jax.random.uniform(k4, (H,), dtype=jnp.float32, minval=-s1, maxval=s1)
    W2 = jax.random.uniform(k5, (H, F_OUT), dtype=jnp.float32, minval=-s2, maxval=s2)
    b2 = jax.random.uniform(k6, (F_OUT,), dtype=jnp.float32, minval=-s2, maxval=s2)
    return {"x": x, "edge_index": edge_index, "W1": W1, "b1": b1, "W2": W2, "b2": b2}


def _gcn_layer(x, edge_index, W, b):
    # GCN-style message passing with symmetric degree normalization.
    # DropMessage is a no-op in eval mode, so the deterministic reference
    # computes the plain normalized aggregation.
    src = edge_index[0]
    dst = edge_index[1]
    n = x.shape[0]
    deg_in = jnp.zeros((n,), jnp.float32).at[dst].add(1.0)
    deg_out = jnp.zeros((n,), jnp.float32).at[src].add(1.0)
    norm = jax.lax.rsqrt(jnp.maximum(deg_in[dst], 1.0)) * jax.lax.rsqrt(jnp.maximum(deg_out[src], 1.0))
    h = x @ W
    msg = h[src] * norm[:, None]
    agg = jnp.zeros((n, W.shape[1]), jnp.float32).at[dst].add(msg)
    return agg + b


def reference(x, edge_index, W1, b1, W2, b2):
    h = _gcn_layer(x, edge_index, W1, b1)
    h = jax.nn.relu(h)
    out = _gcn_layer(h, edge_index, W2, b2)
    return out

if __name__ == "__main__":
    import jax
    _d = setup_inputs()
    print(jax.jit(kernel)(*tuple(_d.values())))

</pallas_src>

<mosaic_0001>
#map = affine_map<(d0, d1) -> (0, 0)>
#map1 = affine_map<(d0, d1) -> (0, 0, 0)>
module attributes {stable_mosaic.version = 14 : i64} {
  func.func @_edge_kernel(%arg0: i32, %arg1: i32, %arg2: memref<10000x64xf32, #tpu.memory_space<hbm>>, %arg3: memref<2x320000xi32, #tpu.memory_space<hbm>>, %arg4: memref<10000x64xf32, #tpu.memory_space<hbm>>, %arg5: memref<2x10000x64xf32, #tpu.memory_space<hbm>>, %arg6: memref<10000xi32, #tpu.memory_space<vmem>>, %arg7: memref<10000xi32, #tpu.memory_space<vmem>>, %arg8: memref<4x200x64xf32, #tpu.memory_space<vmem>>, %arg9: memref<10000x64xf32, #tpu.memory_space<vmem_shared>>, %arg10: memref<!tpu.dma_semaphore, #tpu.memory_space<semaphore_mem>>, %arg11: memref<!tpu.dma_semaphore, #tpu.memory_space<semaphore_mem>>, %arg12: memref<!tpu.dma_semaphore, #tpu.memory_space<semaphore_mem>>, %arg13: memref<!tpu.dma_semaphore, #tpu.memory_space<semaphore_mem>>) attributes {dimension_semantics = [#tpu.dimension_semantics<core_parallel>, #tpu.dimension_semantics<subcore_parallel>], iteration_bounds = array<i64: 2, 16>, scalar_prefetch = 0 : i64, scratch_operands = 8 : i64, tpu.core_type = #tpu.core_type<sc_vector_subcore>, window_params = [{transform_indices = #map}, {transform_indices = #map}, {transform_indices = #map}, {transform_indices = #map1}]} {
    %mul3A = arith.constant 16 : i32
    %mul3A_0 = arith.muli %arg0, %mul3A : i32
    %add3A = arith.addi %mul3A_0, %arg1 : i32
    %mul3A_1 = arith.constant 10000 : i32
    %mul3A_2 = arith.muli %add3A, %mul3A_1 : i32
    %run_scoped3A = arith.constant 0 : i32
    "tpu.region"() ({
      %run_scoped3A_258 = tpu.sem_alloc : memref<!tpu.dma_semaphore, #tpu.memory_space<semaphore_mem>>
      %dma_start3A_259 = tpu.memref_slice %arg3[%run_scoped3A, %mul3A_2] : memref<2x320000xi32, #tpu.memory_space<hbm>> -> memref<1x10000xi32, #tpu.memory_space<hbm>>
      %dma_start3A_260 = tpu.memref_squeeze %dma_start3A_259 : memref<1x10000xi32, #tpu.memory_space<hbm>> -> memref<10000xi32, #tpu.memory_space<hbm>>
      %dma_start3A_261 = tpu.memref_slice %arg3[%run_scoped3A, %mul3A_2] : memref<2x320000xi32, #tpu.memory_space<hbm>> -> memref<1x10000xi32, #tpu.memory_space<hbm>>
      %dma_start3A_262 = tpu.memref_squeeze %dma_start3A_261 : memref<1x10000xi32, #tpu.memory_space<hbm>> -> memref<10000xi32, #tpu.memory_space<hbm>>
      tpu.enqueue_dma source(%dma_start3A_262 : memref<10000xi32, #tpu.memory_space<hbm>>) target(%arg6 : memref<10000xi32, #tpu.memory_space<vmem>>) target_semaphore(%run_scoped3A_258 : memref<!tpu.dma_semaphore, #tpu.memory_space<semaphore_mem>>)
      %dma_wait3A_263 = tpu.memref_slice %arg3[%run_scoped3A, %mul3A_2] : memref<2x320000xi32, #tpu.memory_space<hbm>> -> memref<1x10000xi32, #tpu.memory_space<hbm>>
      %dma_wait3A_264 = tpu.memref_squeeze %dma_wait3A_263 : memref<1x10000xi32, #tpu.memory_space<hbm>> -> memref<10000xi32, #tpu.memory_space<hbm>>
      %dma_wait3A_265 = tpu.memref_slice %arg3[%run_scoped3A, %mul3A_2] : memref<2x320000xi32, #tpu.memory_space<hbm>> -> memref<1x10000xi32, #tpu.memory_space<hbm>>
      %dma_wait3A_266 = tpu.memref_squeeze %dma_wait3A_265 : memref<1x10000xi32, #tpu.memory_space<hbm>> -> memref<10000xi32, #tpu.memory_space<hbm>>
      tpu.wait_dma2 semaphore(%run_scoped3A_258 : memref<!tpu.dma_semaphore, #tpu.memory_space<semaphore_mem>>) src(%dma_wait3A_266 : memref<10000xi32, #tpu.memory_space<hbm>>) dst(%arg6 : memref<10000xi32, #tpu.memory_space<vmem>>)
      tpu.yield
    }) : () -> ()
    %mul3A_3 = arith.constant 10000 : i32
    %mul3A_4 = arith.muli %add3A, %mul3A_3 : i32
    %run_scoped3A_5 = arith.constant 1 : i32
    "tpu.region"() ({
      %run_scoped3A_258 = tpu.sem_alloc : memref<!tpu.dma_semaphore, #tpu.memory_space<semaphore_mem>>
      %dma_start3A_259 = tpu.memref_slice %arg3[%run_scoped3A_5, %mul3A_4] : memref<2x320000xi32, #tpu.memory_space<hbm>> -> memref<1x10000xi32, #tpu.memory_space<hbm>>
      %dma_start3A_260 = tpu.memref_squeeze %dma_start3A_259 : memref<1x10000xi32, #tpu.memory_space<hbm>> -> memref<10000xi32, #tpu.memory_space<hbm>>
      %dma_start3A_261 = tpu.memref_slice %arg3[%run_scoped3A_5, %mul3A_4] : memref<2x320000xi32, #tpu.memory_space<hbm>> -> memref<1x10000xi32, #tpu.memory_space<hbm>>
      %dma_start3A_262 = tpu.memref_squeeze %dma_start3A_261 : memref<1x10000xi32, #tpu.memory_space<hbm>> -> memref<10000xi32, #tpu.memory_space<hbm>>
      tpu.enqueue_dma source(%dma_start3A_262 : memref<10000xi32, #tpu.memory_space<hbm>>) target(%arg7 : memref<10000xi32, #tpu.memory_space<vmem>>) target_semaphore(%run_scoped3A_258 : memref<!tpu.dma_semaphore, #tpu.memory_space<semaphore_mem>>)
      %dma_wait3A_263 = tpu.memref_slice %arg3[%run_scoped3A_5, %mul3A_4] : memref<2x320000xi32, #tpu.memory_space<hbm>> -> memref<1x10000xi32, #tpu.memory_space<hbm>>
      %dma_wait3A_264 = tpu.memref_squeeze %dma_wait3A_263 : memref<1x10000xi32, #tpu.memory_space<hbm>> -> memref<10000xi32, #tpu.memory_space<hbm>>
      %dma_wait3A_265 = tpu.memref_slice %arg3[%run_scoped3A_5, %mul3A_4] : memref<2x320000xi32, #tpu.memory_space<hbm>> -> memref<1x10000xi32, #tpu.memory_space<hbm>>
      %dma_wait3A_266 = tpu.memref_squeeze %dma_wait3A_265 : memref<1x10000xi32, #tpu.memory_space<hbm>> -> memref<10000xi32, #tpu.memory_space<hbm>>
      tpu.wait_dma2 semaphore(%run_scoped3A_258 : memref<!tpu.dma_semaphore, #tpu.memory_space<semaphore_mem>>) src(%dma_wait3A_266 : memref<10000xi32, #tpu.memory_space<hbm>>) dst(%arg7 : memref<10000xi32, #tpu.memory_space<vmem>>)
      tpu.yield
    }) : () -> ()
    %mul3A_6 = arith.constant 625 : i32
    %mul3A_7 = arith.muli %arg1, %mul3A_6 : i32
    %mul3A_8 = arith.constant 625 : i32
    %mul3A_9 = arith.muli %arg1, %mul3A_8 : i32
    "tpu.region"() ({
      %run_scoped3A_258 = tpu.sem_alloc : memref<!tpu.dma_semaphore, #tpu.memory_space<semaphore_mem>>
      %dma_start3A_259 = arith.constant 0 : i32
      %dma_start3A_260 = tpu.memref_slice %arg9[%mul3A_9, %dma_start3A_259] : memref<10000x64xf32, #tpu.memory_space<vmem_shared>> -> memref<625x64xf32, #tpu.memory_space<vmem_shared>>
      %dma_start3A_261 = arith.constant 0 : i32
      %dma_start3A_262 = tpu.memref_slice %arg4[%mul3A_7, %dma_start3A_261] : memref<10000x64xf32, #tpu.memory_space<hbm>> -> memref<625x64xf32, #tpu.memory_space<hbm>>
      tpu.enqueue_dma source(%dma_start3A_262 : memref<625x64xf32, #tpu.memory_space<hbm>>) target(%dma_start3A_260 : memref<625x64xf32, #tpu.memory_space<vmem_shared>>) target_semaphore(%run_scoped3A_258 : memref<!tpu.dma_semaphore, #tpu.memory_space<semaphore_mem>>)
      %dma_wait3A_263 = arith.constant 0 : i32
      %dma_wait3A_264 = tpu.memref_slice %arg9[%mul3A_9, %dma_wait3A_263] : memref<10000x64xf32, #tpu.memory_space<vmem_shared>> -> memref<625x64xf32, #tpu.memory_space<vmem_shared>>
      %dma_wait3A_265 = arith.constant 0 : i32
      %dma_wait3A_266 = tpu.memref_slice %arg4[%mul3A_7, %dma_wait3A_265] : memref<10000x64xf32, #tpu.memory_space<hbm>> -> memref<625x64xf32, #tpu.memory_space<hbm>>
      tpu.wait_dma2 semaphore(%run_scoped3A_258 : memref<!tpu.dma_semaphore, #tpu.memory_space<semaphore_mem>>) src(%dma_wait3A_266 : memref<625x64xf32, #tpu.memory_space<hbm>>) dst(%dma_wait3A_264 : memref<625x64xf32, #tpu.memory_space<vmem_shared>>)
      tpu.yield
    }) : () -> ()
    %barrier3A = arith.constant 0 : index
    tpu.barrier barrier_id(%barrier3A)
    %dma_start3A = arith.constant 0 : i32
    %dma_start3A_10 = arith.constant 0 : i32
    %dma_start3A_11 = arith.constant 0 : i32
    %dma_start3A_12 = tpu.memref_slice %arg8[%dma_start3A, %dma_start3A_10, %dma_start3A_11] : memref<4x200x64xf32, #tpu.memory_space<vmem>> -> memref<1x200x64xf32, #tpu.memory_space<vmem>>
    %dma_start3A_13 = tpu.memref_squeeze %dma_start3A_12 : memref<1x200x64xf32, #tpu.memory_space<vmem>> -> memref<200x64xf32, #tpu.memory_space<vmem>>
    %dma_start3A_14 = arith.constant 0 : i32
    %dma_start3A_15 = tpu.memref_slice %arg6[%dma_start3A_14] : memref<10000xi32, #tpu.memory_space<vmem>> -> memref<200xi32, #tpu.memory_space<vmem>>
    %dma_start3A_16 = arith.constant 0 : i32
    %dma_start3A_17 = arith.constant 0 : i32
    %dma_start3A_18 = tpu.memref_slice %arg2[%dma_start3A_16, %dma_start3A_17] : memref<10000x64xf32, #tpu.memory_space<hbm>> -> memref<10000x64xf32, #tpu.memory_space<hbm>>
    tpu.enqueue_indirect_dma source(%dma_start3A_18 : memref<10000x64xf32, #tpu.memory_space<hbm>>) target(%dma_start3A_13 : memref<200x64xf32, #tpu.memory_space<vmem>>) offsets(%dma_start3A_15 : memref<200xi32, #tpu.memory_space<vmem>>) semaphore(%arg10 : memref<!tpu.dma_semaphore, #tpu.memory_space<semaphore_mem>>)
    %dma_start3A_19 = arith.constant 1 : i32
    %dma_start3A_20 = arith.constant 0 : i32
    %dma_start3A_21 = arith.constant 0 : i32
    %dma_start3A_22 = tpu.memref_slice %arg8[%dma_start3A_19, %dma_start3A_20, %dma_start3A_21] : memref<4x200x64xf32, #tpu.memory_space<vmem>> -> memref<1x200x64xf32, #tpu.memory_space<vmem>>
    %dma_start3A_23 = tpu.memref_squeeze %dma_start3A_22 : memref<1x200x64xf32, #tpu.memory_space<vmem>> -> memref<200x64xf32, #tpu.memory_space<vmem>>
    %dma_start3A_24 = arith.constant 200 : i32
    %dma_start3A_25 = tpu.memref_slice %arg6[%dma_start3A_24] : memref<10000xi32, #tpu.memory_space<vmem>> -> memref<200xi32, #tpu.memory_space<vmem>>
    %dma_start3A_26 = arith.constant 0 : i32
    %dma_start3A_27 = arith.constant 0 : i32
    %dma_start3A_28 = tpu.memref_slice %arg2[%dma_start3A_26, %dma_start3A_27] : memref<10000x64xf32, #tpu.memory_space<hbm>> -> memref<10000x64xf32, #tpu.memory_space<hbm>>
    tpu.enqueue_indirect_dma source(%dma_start3A_28 : memref<10000x64xf32, #tpu.memory_space<hbm>>) target(%dma_start3A_23 : memref<200x64xf32, #tpu.memory_space<vmem>>) offsets(%dma_start3A_25 : memref<200xi32, #tpu.memory_space<vmem>>) semaphore(%arg11 : memref<!tpu.dma_semaphore, #tpu.memory_space<semaphore_mem>>)
    %dma_start3A_29 = arith.constant 2 : i32
    %dma_start3A_30 = arith.constant 0 : i32
    %dma_start3A_31 = arith.constant 0 : i32
    %dma_start3A_32 = tpu.memref_slice %arg8[%dma_start3A_29, %dma_start3A_30, %dma_start3A_31] : memref<4x200x64xf32, #tpu.memory_space<vmem>> -> memref<1x200x64xf32, #tpu.memory_space<vmem>>
    %dma_start3A_33 = tpu.memref_squeeze %dma_start3A_32 : memref<1x200x64xf32, #tpu.memory_space<vmem>> -> memref<200x64xf32, #tpu.memory_space<vmem>>
    %dma_start3A_34 = arith.constant 400 : i32
    %dma_start3A_35 = tpu.memref_slice %arg6[%dma_start3A_34] : memref<10000xi32, #tpu.memory_space<vmem>> -> memref<200xi32, #tpu.memory_space<vmem>>
    %dma_start3A_36 = arith.constant 0 : i32
    %dma_start3A_37 = arith.constant 0 : i32
    %dma_start3A_38 = tpu.memref_slice %arg2[%dma_start3A_36, %dma_start3A_37] : memref<10000x64xf32, #tpu.memory_space<hbm>> -> memref<10000x64xf32, #tpu.memory_space<hbm>>
    tpu.enqueue_indirect_dma source(%dma_start3A_38 : memref<10000x64xf32, #tpu.memory_space<hbm>>) target(%dma_start3A_33 : memref<200x64xf32, #tpu.memory_space<vmem>>) offsets(%dma_start3A_35 : memref<200xi32, #tpu.memory_space<vmem>>) semaphore(%arg12 : memref<!tpu.dma_semaphore, #tpu.memory_space<semaphore_mem>>)
    %dma_start3A_39 = arith.constant 3 : i32
    %dma_start3A_40 = arith.constant 0 : i32
    %dma_start3A_41 = arith.constant 0 : i32
    %dma_start3A_42 = tpu.memref_slice %arg8[%dma_start3A_39, %dma_start3A_40, %dma_start3A_41] : memref<4x200x64xf32, #tpu.memory_space<vmem>> -> memref<1x200x64xf32, #tpu.memory_space<vmem>>
    %dma_start3A_43 = tpu.memref_squeeze %dma_start3A_42 : memref<1x200x64xf32, #tpu.memory_space<vmem>> -> memref<200x64xf32, #tpu.memory_space<vmem>>
    %dma_start3A_44 = arith.constant 600 : i32
    %dma_start3A_45 = tpu.memref_slice %arg6[%dma_start3A_44] : memref<10000xi32, #tpu.memory_space<vmem>> -> memref<200xi32, #tpu.memory_space<vmem>>
    %dma_start3A_46 = arith.constant 0 : i32
    %dma_start3A_47 = arith.constant 0 : i32
    %dma_start3A_48 = tpu.memref_slice %arg2[%dma_start3A_46, %dma_start3A_47] : memref<10000x64xf32, #tpu.memory_space<hbm>> -> memref<10000x64xf32, #tpu.memory_space<hbm>>
    tpu.enqueue_indirect_dma source(%dma_start3A_48 : memref<10000x64xf32, #tpu.memory_space<hbm>>) target(%dma_start3A_43 : memref<200x64xf32, #tpu.memory_space<vmem>>) offsets(%dma_start3A_45 : memref<200xi32, #tpu.memory_space<vmem>>) semaphore(%arg13 : memref<!tpu.dma_semaphore, #tpu.memory_space<semaphore_mem>>)
    %dma_wait3A = arith.constant 0 : i32
    %dma_wait3A_49 = arith.constant 0 : i32
    %dma_wait3A_50 = arith.constant 0 : i32
    %dma_wait3A_51 = tpu.memref_slice %arg8[%dma_wait3A, %dma_wait3A_49, %dma_wait3A_50] : memref<4x200x64xf32, #tpu.memory_space<vmem>> -> memref<1x200x64xf32, #tpu.memory_space<vmem>>
    %dma_wait3A_52 = tpu.memref_squeeze %dma_wait3A_51 : memref<1x200x64xf32, #tpu.memory_space<vmem>> -> memref<200x64xf32, #tpu.memory_space<vmem>>
    %dma_wait3A_53 = arith.constant 0 : i32
    %dma_wait3A_54 = tpu.memref_slice %arg6[%dma_wait3A_53] : memref<10000xi32, #tpu.memory_space<vmem>> -> memref<200xi32, #tpu.memory_space<vmem>>
    %dma_wait3A_55 = arith.constant 0 : i32
    %dma_wait3A_56 = arith.constant 0 : i32
    %dma_wait3A_57 = tpu.memref_slice %arg2[%dma_wait3A_55, %dma_wait3A_56] : memref<10000x64xf32, #tpu.memory_space<hbm>> -> memref<10000x64xf32, #tpu.memory_space<hbm>>
    tpu.wait_indirect_dma semaphore(%arg10 : memref<!tpu.dma_semaphore, #tpu.memory_space<semaphore_mem>>) src(%dma_wait3A_57 : memref<10000x64xf32, #tpu.memory_space<hbm>>) dst(%dma_wait3A_52 : memref<200x64xf32, #tpu.memory_space<vmem>>)
    %dma_start3A_58 = arith.constant 0 : i32
    %dma_start3A_59 = arith.constant 0 : i32
    %dma_start3A_60 = arith.constant 0 : i32
    %dma_start3A_61 = tpu.memref_slice %arg8[%dma_start3A_58, %dma_start3A_59, %dma_start3A_60] : memref<4x200x64xf32, #tpu.memory_space<vmem>> -> memref<1x200x64xf32, #tpu.memory_space<vmem>>
    %dma_start3A_62 = tpu.memref_squeeze %dma_start3A_61 : memref<1x200x64xf32, #tpu.memory_space<vmem>> -> memref<200x64xf32, #tpu.memory_space<vmem>>
    %dma_start3A_63 = arith.constant 0 : i32
    %dma_start3A_64 = tpu.memref_slice %arg7[%dma_start3A_63] : memref<10000xi32, #tpu.memory_space<vmem>> -> memref<200xi32, #tpu.memory_space<vmem>>
    %dma_start3A_65 = arith.constant 0 : i32
    %dma_start3A_66 = arith.constant 0 : i32
    %dma_start3A_67 = tpu.memref_slice %arg9[%dma_start3A_65, %dma_start3A_66] : memref<10000x64xf32, #tpu.memory_space<vmem_shared>> -> memref<10000x64xf32, #tpu.memory_space<vmem_shared>>
    tpu.enqueue_indirect_dma source(%dma_start3A_62 : memref<200x64xf32, #tpu.memory_space<vmem>>) target(%dma_start3A_67 : memref<10000x64xf32, #tpu.memory_space<vmem_shared>>) offsets(%dma_start3A_64 : memref<200xi32, #tpu.memory_space<vmem>>) semaphore(%arg10 : memref<!tpu.dma_semaphore, #tpu.memory_space<semaphore_mem>>) {add = true}
    %dma_wait3A_68 = arith.constant 1 : i32
    %dma_wait3A_69 = arith.constant 0 : i32
    %dma_wait3A_70 = arith.constant 0 : i32
    %dma_wait3A_71 = tpu.memref_slice %arg8[%dma_wait3A_68, %dma_wait3A_69, %dma_wait3A_70] : memref<4x200x64xf32, #tpu.memory_space<vmem>> -> memref<1x200x64xf32, #tpu.memory_space<vmem>>
    %dma_wait3A_72 = tpu.memref_squeeze %dma_wait3A_71 : memref<1x200x64xf32, #tpu.memory_space<vmem>> -> memref<200x64xf32, #tpu.memory_space<vmem>>
    %dma_wait3A_73 = arith.constant 200 : i32
    %dma_wait3A_74 = tpu.memref_slice %arg6[%dma_wait3A_73] : memref<10000xi32, #tpu.memory_space<vmem>> -> memref<200xi32, #tpu.memory_space<vmem>>
    %dma_wait3A_75 = arith.constant 0 : i32
    %dma_wait3A_76 = arith.constant 0 : i32
    %dma_wait3A_77 = tpu.memref_slice %arg2[%dma_wait3A_75, %dma_wait3A_76] : memref<10000x64xf32, #tpu.memory_space<hbm>> -> memref<10000x64xf32, #tpu.memory_space<hbm>>
    tpu.wait_indirect_dma semaphore(%arg11 : memref<!tpu.dma_semaphore, #tpu.memory_space<semaphore_mem>>) src(%dma_wait3A_77 : memref<10000x64xf32, #tpu.memory_space<hbm>>) dst(%dma_wait3A_72 : memref<200x64xf32, #tpu.memory_space<vmem>>)
    %dma_start3A_78 = arith.constant 1 : i32
    %dma_start3A_79 = arith.constant 0 : i32
    %dma_start3A_80 = arith.constant 0 : i32
    %dma_start3A_81 = tpu.memref_slice %arg8[%dma_start3A_78, %dma_start3A_79, %dma_start3A_80] : memref<4x200x64xf32, #tpu.memory_space<vmem>> -> memref<1x200x64xf32, #tpu.memory_space<vmem>>
    %dma_start3A_82 = tpu.memref_squeeze %dma_start3A_81 : memref<1x200x64xf32, #tpu.memory_space<vmem>> -> memref<200x64xf32, #tpu.memory_space<vmem>>
    %dma_start3A_83 = arith.constant 200 : i32
    %dma_start3A_84 = tpu.memref_slice %arg7[%dma_start3A_83] : memref<10000xi32, #tpu.memory_space<vmem>> -> memref<200xi32, #tpu.memory_space<vmem>>
    %dma_start3A_85 = arith.constant 0 : i32
    %dma_start3A_86 = arith.constant 0 : i32
    %dma_start3A_87 = tpu.memref_slice %arg9[%dma_start3A_85, %dma_start3A_86] : memref<10000x64xf32, #tpu.memory_space<vmem_shared>> -> memref<10000x64xf32, #tpu.memory_space<vmem_shared>>
    tpu.enqueue_indirect_dma source(%dma_start3A_82 : memref<200x64xf32, #tpu.memory_space<vmem>>) target(%dma_start3A_87 : memref<10000x64xf32, #tpu.memory_space<vmem_shared>>) offsets(%dma_start3A_84 : memref<200xi32, #tpu.memory_space<vmem>>) semaphore(%arg11 : memref<!tpu.dma_semaphore, #tpu.memory_space<semaphore_mem>>) {add = true}
    %scan3A = arith.constant 0 : i32
    %scan3A_88 = arith.constant 0 : i32
    %scan3A_89 = arith.constant 11 : i32
    %scan3A_90 = arith.addi %scan3A_88, %scan3A_89 : i32
    %scan3A_91 = arith.constant 1 : i32
    scf.for %scan3A_258 = %scan3A_88 to %scan3A_90 step %scan3A_91  : i32 {
      %mul3A_259 = arith.constant 4 : i32
      %mul3A_260 = arith.muli %mul3A_259, %scan3A_258 : i32
      %add3A_261 = arith.constant 2 : i32
      %add3A_262 = arith.addi %mul3A_260, %add3A_261 : i32
      %add3A_263 = arith.constant 0 : i32
      %add3A_264 = arith.addi %add3A_262, %add3A_263 : i32
      %sub3A = arith.constant 2 : i32
      %sub3A_265 = arith.subi %add3A_264, %sub3A : i32
      %mul3A_266 = arith.constant 200 : i32
      %mul3A_267 = arith.muli %sub3A_265, %mul3A_266 : i32
      %dma_wait3A_268 = arith.constant 0 : i32
      %dma_wait3A_269 = arith.constant 0 : i32
      %dma_wait3A_270 = arith.constant 0 : i32
      %dma_wait3A_271 = tpu.memref_slice %arg8[%dma_wait3A_268, %dma_wait3A_269, %dma_wait3A_270] : memref<4x200x64xf32, #tpu.memory_space<vmem>> -> memref<1x200x64xf32, #tpu.memory_space<vmem>>
      %dma_wait3A_272 = tpu.memref_squeeze %dma_wait3A_271 : memref<1x200x64xf32, #tpu.memory_space<vmem>> -> memref<200x64xf32, #tpu.memory_space<vmem>>
      %dma_wait3A_273 = tpu.memref_slice %arg7[%mul3A_267] : memref<10000xi32, #tpu.memory_space<vmem>> -> memref<200xi32, #tpu.memory_space<vmem>>
      %dma_wait3A_274 = arith.constant 0 : i32
      %dma_wait3A_275 = arith.constant 0 : i32
      %dma_wait3A_276 = tpu.memref_slice %arg9[%dma_wait3A_274, %dma_wait3A_275] : memref<10000x64xf32, #tpu.memory_space<vmem_shared>> -> memref<10000x64xf32, #tpu.memory_space<vmem_shared>>
      tpu.wait_indirect_dma semaphore(%arg10 : memref<!tpu.dma_semaphore, #tpu.memory_space<semaphore_mem>>) src(%dma_wait3A_272 : memref<200x64xf32, #tpu.memory_space<vmem>>) dst(%dma_wait3A_276 : memref<10000x64xf32, #tpu.memory_space<vmem_shared>>)
      %add3A_277 = arith.constant 2 : i32
      %add3A_278 = arith.addi %add3A_264, %add3A_277 : i32
      %mul3A_279 = arith.constant 200 : i32
      %mul3A_280 = arith.muli %add3A_278, %mul3A_279 : i32
      %dma_start3A_281 = arith.constant 0 : i32
      %dma_start3A_282 = arith.constant 0 : i32
      %dma_start3A_283 = arith.constant 0 : i32
      %dma_start3A_284 = tpu.memref_slice %arg8[%dma_start3A_281, %dma_start3A_282, %dma_start3A_283] : memref<4x200x64xf32, #tpu.memory_space<vmem>> -> memref<1x200x64xf32, #tpu.memory_space<vmem>>
      %dma_start3A_285 = tpu.memref_squeeze %dma_start3A_284 : memref<1x200x64xf32, #tpu.memory_space<vmem>> -> memref<200x64xf32, #tpu.memory_space<vmem>>
      %dma_start3A_286 = tpu.memref_slice %arg6[%mul3A_280] : memref<10000xi32, #tpu.memory_space<vmem>> -> memref<200xi32, #tpu.memory_space<vmem>>
      %dma_start3A_287 = arith.constant 0 : i32
      %dma_start3A_288 = arith.constant 0 : i32
      %dma_start3A_289 = tpu.memref_slice %arg2[%dma_start3A_287, %dma_start3A_288] : memref<10000x64xf32, #tpu.memory_space<hbm>> -> memref<10000x64xf32, #tpu.memory_space<hbm>>
      tpu.enqueue_indirect_dma source(%dma_start3A_289 : memref<10000x64xf32, #tpu.memory_space<hbm>>) target(%dma_start3A_285 : memref<200x64xf32, #tpu.memory_space<vmem>>) offsets(%dma_start3A_286 : memref<200xi32, #tpu.memory_space<vmem>>) semaphore(%arg10 : memref<!tpu.dma_semaphore, #tpu.memory_space<semaphore_mem>>)
      %mul3A_290 = arith.constant 200 : i32
      %mul3A_291 = arith.muli %add3A_264, %mul3A_290 : i32
      %dma_wait3A_292 = arith.constant 2 : i32
      %dma_wait3A_293 = arith.constant 0 : i32
      %dma_wait3A_294 = arith.constant 0 : i32
      %dma_wait3A_295 = tpu.memref_slice %arg8[%dma_wait3A_292, %dma_wait3A_293, %dma_wait3A_294] : memref<4x200x64xf32, #tpu.memory_space<vmem>> -> memref<1x200x64xf32, #tpu.memory_space<vmem>>
      %dma_wait3A_296 = tpu.memref_squeeze %dma_wait3A_295 : memref<1x200x64xf32, #tpu.memory_space<vmem>> -> memref<200x64xf32, #tpu.memory_space<vmem>>
      %dma_wait3A_297 = tpu.memref_slice %arg6[%mul3A_291] : memref<10000xi32, #tpu.memory_space<vmem>> -> memref<200xi32, #tpu.memory_space<vmem>>
      %dma_wait3A_298 = arith.constant 0 : i32
      %dma_wait3A_299 = arith.constant 0 : i32
      %dma_wait3A_300 = tpu.memref_slice %arg2[%dma_wait3A_298, %dma_wait3A_299] : memref<10000x64xf32, #tpu.memory_space<hbm>> -> memref<10000x64xf32, #tpu.memory_space<hbm>>
      tpu.wait_indirect_dma semaphore(%arg12 : memref<!tpu.dma_semaphore, #tpu.memory_space<semaphore_mem>>) src(%dma_wait3A_300 : memref<10000x64xf32, #tpu.memory_space<hbm>>) dst(%dma_wait3A_296 : memref<200x64xf32, #tpu.memory_space<vmem>>)
      %mul3A_301 = arith.constant 200 : i32
      %mul3A_302 = arith.muli %add3A_264, %mul3A_301 : i32
      %dma_start3A_303 = arith.constant 2 : i32
      %dma_start3A_304 = arith.constant 0 : i32
      %dma_start3A_305 = arith.constant 0 : i32
      %dma_start3A_306 = tpu.memref_slice %arg8[%dma_start3A_303, %dma_start3A_304, %dma_start3A_305] : memref<4x200x64xf32, #tpu.memory_space<vmem>> -> memref<1x200x64xf32, #tpu.memory_space<vmem>>
      %dma_start3A_307 = tpu.memref_squeeze %dma_start3A_306 : memref<1x200x64xf32, #tpu.memory_space<vmem>> -> memref<200x64xf32, #tpu.memory_space<vmem>>
      %dma_start3A_308 = tpu.memref_slice %arg7[%mul3A_302] : memref<10000xi32, #tpu.memory_space<vmem>> -> memref<200xi32, #tpu.memory_space<vmem>>
      %dma_start3A_309 = arith.constant 0 : i32
      %dma_start3A_310 = arith.constant 0 : i32
      %dma_start3A_311 = tpu.memref_slice %arg9[%dma_start3A_309, %dma_start3A_310] : memref<10000x64xf32, #tpu.memory_space<vmem_shared>> -> memref<10000x64xf32, #tpu.memory_space<vmem_shared>>
      tpu.enqueue_indirect_dma source(%dma_start3A_307 : memref<200x64xf32, #tpu.memory_space<vmem>>) target(%dma_start3A_311 : memref<10000x64xf32, #tpu.memory_space<vmem_shared>>) offsets(%dma_start3A_308 : memref<200xi32, #tpu.memory_space<vmem>>) semaphore(%arg12 : memref<!tpu.dma_semaphore, #tpu.memory_space<semaphore_mem>>) {add = true}
      %mul3A_312 = arith.constant 4 : i32
      %mul3A_313 = arith.muli %mul3A_312, %scan3A_258 : i32
      %add3A_314 = arith.constant 2 : i32
      %add3A_315 = arith.addi %mul3A_313, %add3A_314 : i32
      %add3A_316 = arith.constant 1 : i32
      %add3A_317 = arith.addi %add3A_315, %add3A_316 : i32
      %sub3A_318 = arith.constant 2 : i32
      %sub3A_319 = arith.subi %add3A_317, %sub3A_318 : i32
      %mul3A_320 = arith.constant 200 : i32
      %mul3A_321 = arith.muli %sub3A_319, %mul3A_320 : i32
      %dma_wait3A_322 = arith.constant 1 : i32
      %dma_wait3A_323 = arith.constant 0 : i32
      %dma_wait3A_324 = arith.constant 0 : i32
      %dma_wait3A_325 = tpu.memref_slice %arg8[%dma_wait3A_322, %dma_wait3A_323, %dma_wait3A_324] : memref<4x200x64xf32, #tpu.memory_space<vmem>> -> memref<1x200x64xf32, #tpu.memory_space<vmem>>
      %dma_wait3A_326 = tpu.memref_squeeze %dma_wait3A_325 : memref<1x200x64xf32, #tpu.memory_space<vmem>> -> memref<200x64xf32, #tpu.memory_space<vmem>>
      %dma_wait3A_327 = tpu.memref_slice %arg7[%mul3A_321] : memref<10000xi32, #tpu.memory_space<vmem>> -> memref<200xi32, #tpu.memory_space<vmem>>
      %dma_wait3A_328 = arith.constant 0 : i32
      %dma_wait3A_329 = arith.constant 0 : i32
      %dma_wait3A_330 = tpu.memref_slice %arg9[%dma_wait3A_328, %dma_wait3A_329] : memref<10000x64xf32, #tpu.memory_space<vmem_shared>> -> memref<10000x64xf32, #tpu.memory_space<vmem_shared>>
      tpu.wait_indirect_dma semaphore(%arg11 : memref<!tpu.dma_semaphore, #tpu.memory_space<semaphore_mem>>) src(%dma_wait3A_326 : memref<200x64xf32, #tpu.memory_space<vmem>>) dst(%dma_wait3A_330 : memref<10000x64xf32, #tpu.memory_space<vmem_shared>>)
      %add3A_331 = arith.constant 2 : i32
      %add3A_332 = arith.addi %add3A_317, %add3A_331 : i32
      %mul3A_333 = arith.constant 200 : i32
      %mul3A_334 = arith.muli %add3A_332, %mul3A_333 : i32
      %dma_start3A_335 = arith.constant 1 : i32
      %dma_start3A_336 = arith.constant 0 : i32
      %dma_start3A_337 = arith.constant 0 : i32
      %dma_start3A_338 = tpu.memref_slice %arg8[%dma_start3A_335, %dma_start3A_336, %dma_start3A_337] : memref<4x200x64xf32, #tpu.memory_space<vmem>> -> memref<1x200x64xf32, #tpu.memory_space<vmem>>
      %dma_start3A_339 = tpu.memref_squeeze %dma_start3A_338 : memref<1x200x64xf32, #tpu.memory_space<vmem>> -> memref<200x64xf32, #tpu.memory_space<vmem>>
      %dma_start3A_340 = tpu.memref_slice %arg6[%mul3A_334] : memref<10000xi32, #tpu.memory_space<vmem>> -> memref<200xi32, #tpu.memory_space<vmem>>
      %dma_start3A_341 = arith.constant 0 : i32
      %dma_start3A_342 = arith.constant 0 : i32
      %dma_start3A_343 = tpu.memref_slice %arg2[%dma_start3A_341, %dma_start3A_342] : memref<10000x64xf32, #tpu.memory_space<hbm>> -> memref<10000x64xf32, #tpu.memory_space<hbm>>
      tpu.enqueue_indirect_dma source(%dma_start3A_343 : memref<10000x64xf32, #tpu.memory_space<hbm>>) target(%dma_start3A_339 : memref<200x64xf32, #tpu.memory_space<vmem>>) offsets(%dma_start3A_340 : memref<200xi32, #tpu.memory_space<vmem>>) semaphore(%arg11 : memref<!tpu.dma_semaphore, #tpu.memory_space<semaphore_mem>>)
      %mul3A_344 = arith.constant 200 : i32
      %mul3A_345 = arith.muli %add3A_317, %mul3A_344 : i32
      %dma_wait3A_346 = arith.constant 3 : i32
      %dma_wait3A_347 = arith.constant 0 : i32
      %dma_wait3A_348 = arith.constant 0 : i32
      %dma_wait3A_349 = tpu.memref_slice %arg8[%dma_wait3A_346, %dma_wait3A_347, %dma_wait3A_348] : memref<4x200x64xf32, #tpu.memory_space<vmem>> -> memref<1x200x64xf32, #tpu.memory_space<vmem>>
      %dma_wait3A_350 = tpu.memref_squeeze %dma_wait3A_349 : memref<1x200x64xf32, #tpu.memory_space<vmem>> -> memref<200x64xf32, #tpu.memory_space<vmem>>
      %dma_wait3A_351 = tpu.memref_slice %arg6[%mul3A_345] : memref<10000xi32, #tpu.memory_space<vmem>> -> memref<200xi32, #tpu.memory_space<vmem>>
      %dma_wait3A_352 = arith.constant 0 : i32
      %dma_wait3A_353 = arith.constant 0 : i32
      %dma_wait3A_354 = tpu.memref_slice %arg2[%dma_wait3A_352, %dma_wait3A_353] : memref<10000x64xf32, #tpu.memory_space<hbm>> -> memref<10000x64xf32, #tpu.memory_space<hbm>>
      tpu.wait_indirect_dma semaphore(%arg13 : memref<!tpu.dma_semaphore, #tpu.memory_space<semaphore_mem>>) src(%dma_wait3A_354 : memref<10000x64xf32, #tpu.memory_space<hbm>>) dst(%dma_wait3A_350 : memref<200x64xf32, #tpu.memory_space<vmem>>)
      %mul3A_355 = arith.constant 200 : i32
      %mul3A_356 = arith.muli %add3A_317, %mul3A_355 : i32
      %dma_start3A_357 = arith.constant 3 : i32
      %dma_start3A_358 = arith.constant 0 : i32
      %dma_start3A_359 = arith.constant 0 : i32
      %dma_start3A_360 = tpu.memref_slice %arg8[%dma_start3A_357, %dma_start3A_358, %dma_start3A_359] : memref<4x200x64xf32, #tpu.memory_space<vmem>> -> memref<1x200x64xf32, #tpu.memory_space<vmem>>
      %dma_start3A_361 = tpu.memref_squeeze %dma_start3A_360 : memref<1x200x64xf32, #tpu.memory_space<vmem>> -> memref<200x64xf32, #tpu.memory_space<vmem>>
      %dma_start3A_362 = tpu.memref_slice %arg7[%mul3A_356] : memref<10000xi32, #tpu.memory_space<vmem>> -> memref<200xi32, #tpu.memory_space<vmem>>
      %dma_start3A_363 = arith.constant 0 : i32
      %dma_start3A_364 = arith.constant 0 : i32
      %dma_start3A_365 = tpu.memref_slice %arg9[%dma_start3A_363, %dma_start3A_364] : memref<10000x64xf32, #tpu.memory_space<vmem_shared>> -> memref<10000x64xf32, #tpu.memory_space<vmem_shared>>
      tpu.enqueue_indirect_dma source(%dma_start3A_361 : memref<200x64xf32, #tpu.memory_space<vmem>>) target(%dma_start3A_365 : memref<10000x64xf32, #tpu.memory_space<vmem_shared>>) offsets(%dma_start3A_362 : memref<200xi32, #tpu.memory_space<vmem>>) semaphore(%arg13 : memref<!tpu.dma_semaphore, #tpu.memory_space<semaphore_mem>>) {add = true}
      %mul3A_366 = arith.constant 4 : i32
      %mul3A_367 = arith.muli %mul3A_366, %scan3A_258 : i32
      %add3A_368 = arith.constant 2 : i32
      %add3A_369 = arith.addi %mul3A_367, %add3A_368 : i32
      %add3A_370 = arith.constant 2 : i32
      %add3A_371 = arith.addi %add3A_369, %add3A_370 : i32
      %sub3A_372 = arith.constant 2 : i32
      %sub3A_373 = arith.subi %add3A_371, %sub3A_372 : i32
      %mul3A_374 = arith.constant 200 : i32
      %mul3A_375 = arith.muli %sub3A_373, %mul3A_374 : i32
      %dma_wait3A_376 = arith.constant 2 : i32
      %dma_wait3A_377 = arith.constant 0 : i32
      %dma_wait3A_378 = arith.constant 0 : i32
      %dma_wait3A_379 = tpu.memref_slice %arg8[%dma_wait3A_376, %dma_wait3A_377, %dma_wait3A_378] : memref<4x200x64xf32, #tpu.memory_space<vmem>> -> memref<1x200x64xf32, #tpu.memory_space<vmem>>
      %dma_wait3A_380 = tpu.memref_squeeze %dma_wait3A_379 : memref<1x200x64xf32, #tpu.memory_space<vmem>> -> memref<200x64xf32, #tpu.memory_space<vmem>>
      %dma_wait3A_381 = tpu.memref_slice %arg7[%mul3A_375] : memref<10000xi32, #tpu.memory_space<vmem>> -> memref<200xi32, #tpu.memory_space<vmem>>
      %dma_wait3A_382 = arith.constant 0 : i32
      %dma_wait3A_383 = arith.constant 0 : i32
      %dma_wait3A_384 = tpu.memref_slice %arg9[%dma_wait3A_382, %dma_wait3A_383] : memref<10000x64xf32, #tpu.memory_space<vmem_shared>> -> memref<10000x64xf32, #tpu.memory_space<vmem_shared>>
      tpu.wait_indirect_dma semaphore(%arg12 : memref<!tpu.dma_semaphore, #tpu.memory_space<semaphore_mem>>) src(%dma_wait3A_380 : memref<200x64xf32, #tpu.memory_space<vmem>>) dst(%dma_wait3A_384 : memref<10000x64xf32, #tpu.memory_space<vmem_shared>>)
      %add3A_385 = arith.constant 2 : i32
      %add3A_386 = arith.addi %add3A_371, %add3A_385 : i32
      %mul3A_387 = arith.constant 200 : i32
      %mul3A_388 = arith.muli %add3A_386, %mul3A_387 : i32
      %dma_start3A_389 = arith.constant 2 : i32
      %dma_start3A_390 = arith.constant 0 : i32
      %dma_start3A_391 = arith.constant 0 : i32
      %dma_start3A_392 = tpu.memref_slice %arg8[%dma_start3A_389, %dma_start3A_390, %dma_start3A_391] : memref<4x200x64xf32, #tpu.memory_space<vmem>> -> memref<1x200x64xf32, #tpu.memory_space<vmem>>
      %dma_start3A_393 = tpu.memref_squeeze %dma_start3A_392 : memref<1x200x64xf32, #tpu.memory_space<vmem>> -> memref<200x64xf32, #tpu.memory_space<vmem>>
      %dma_start3A_394 = tpu.memref_slice %arg6[%mul3A_388] : memref<10000xi32, #tpu.memory_space<vmem>> -> memref<200xi32, #tpu.memory_space<vmem>>
      %dma_start3A_395 = arith.constant 0 : i32
      %dma_start3A_396 = arith.constant 0 : i32
      %dma_start3A_397 = tpu.memref_slice %arg2[%dma_start3A_395, %dma_start3A_396] : memref<10000x64xf32, #tpu.memory_space<hbm>> -> memref<10000x64xf32, #tpu.memory_space<hbm>>
      tpu.enqueue_indirect_dma source(%dma_start3A_397 : memref<10000x64xf32, #tpu.memory_space<hbm>>) target(%dma_start3A_393 : memref<200x64xf32, #tpu.memory_space<vmem>>) offsets(%dma_start3A_394 : memref<200xi32, #tpu.memory_space<vmem>>) semaphore(%arg12 : memref<!tpu.dma_semaphore, #tpu.memory_space<semaphore_mem>>)
      %mul3A_398 = arith.constant 200 : i32
      %mul3A_399 = arith.muli %add3A_371, %mul3A_398 : i32
      %dma_wait3A_400 = arith.constant 0 : i32
      %dma_wait3A_401 = arith.constant 0 : i32
      %dma_wait3A_402 = arith.constant 0 : i32
      %dma_wait3A_403 = tpu.memref_slice %arg8[%dma_wait3A_400, %dma_wait3A_401, %dma_wait3A_402] : memref<4x200x64xf32, #tpu.memory_space<vmem>> -> memref<1x200x64xf32, #tpu.memory_space<vmem>>
      %dma_wait3A_404 = tpu.memref_squeeze %dma_wait3A_403 : memref<1x200x64xf32, #tpu.memory_space<vmem>> -> memref<200x64xf32, #tpu.memory_space<vmem>>
      %dma_wait3A_405 = tpu.memref_slice %arg6[%mul3A_399] : memref<10000xi32, #tpu.memory_space<vmem>> -> memref<200xi32, #tpu.memory_space<vmem>>
      %dma_wait3A_406 = arith.constant 0 : i32
      %dma_wait3A_407 = arith.constant 0 : i32
      %dma_wait3A_408 = tpu.memref_slice %arg2[%dma_wait3A_406, %dma_wait3A_407] : memref<10000x64xf32, #tpu.memory_space<hbm>> -> memref<10000x64xf32, #tpu.memory_space<hbm>>
      tpu.wait_indirect_dma semaphore(%arg10 : memref<!tpu.dma_semaphore, #tpu.memory_space<semaphore_mem>>) src(%dma_wait3A_408 : memref<10000x64xf32, #tpu.memory_space<hbm>>) dst(%dma_wait3A_404 : memref<200x64xf32, #tpu.memory_space<vmem>>)
      %mul3A_409 = arith.constant 200 : i32
      %mul3A_410 = arith.muli %add3A_371, %mul3A_409 : i32
      %dma_start3A_411 = arith.constant 0 : i32
      %dma_start3A_412 = arith.constant 0 : i32
      %dma_start3A_413 = arith.constant 0 : i32
      %dma_start3A_414 = tpu.memref_slice %arg8[%dma_start3A_411, %dma_start3A_412, %dma_start3A_413] : memref<4x200x64xf32, #tpu.memory_space<vmem>> -> memref<1x200x64xf32, #tpu.memory_space<vmem>>
      %dma_start3A_415 = tpu.memref_squeeze %dma_start3A_414 : memref<1x200x64xf32, #tpu.memory_space<vmem>> -> memref<200x64xf32, #tpu.memory_space<vmem>>
      %dma_start3A_416 = tpu.memref_slice %arg7[%mul3A_410] : memref<10000xi32, #tpu.memory_space<vmem>> -> memref<200xi32, #tpu.memory_space<vmem>>
      %dma_start3A_417 = arith.constant 0 : i32
      %dma_start3A_418 = arith.constant 0 : i32
      %dma_start3A_419 = tpu.memref_slice %arg9[%dma_start3A_417, %dma_start3A_418] : memref<10000x64xf32, #tpu.memory_space<vmem_shared>> -> memref<10000x64xf32, #tpu.memory_space<vmem_shared>>
      tpu.enqueue_indirect_dma source(%dma_start3A_415 : memref<200x64xf32, #tpu.memory_space<vmem>>) target(%dma_start3A_419 : memref<10000x64xf32, #tpu.memory_space<vmem_shared>>) offsets(%dma_start3A_416 : memref<200xi32, #tpu.memory_space<vmem>>) semaphore(%arg10 : memref<!tpu.dma_semaphore, #tpu.memory_space<semaphore_mem>>) {add = true}
      %mul3A_420 = arith.constant 4 : i32
      %mul3A_421 = arith.muli %mul3A_420, %scan3A_258 : i32
      %add3A_422 = arith.constant 2 : i32
      %add3A_423 = arith.addi %mul3A_421, %add3A_422 : i32
      %add3A_424 = arith.constant 3 : i32
      %add3A_425 = arith.addi %add3A_423, %add3A_424 : i32
      %sub3A_426 = arith.constant 2 : i32
      %sub3A_427 = arith.subi %add3A_425, %sub3A_426 : i32
      %mul3A_428 = arith.constant 200 : i32
      %mul3A_429 = arith.muli %sub3A_427, %mul3A_428 : i32
      %dma_wait3A_430 = arith.constant 3 : i32
      %dma_wait3A_431 = arith.constant 0 : i32
      %dma_wait3A_432 = arith.constant 0 : i32
      %dma_wait3A_433 = tpu.memref_slice %arg8[%dma_wait3A_430, %dma_wait3A_431, %dma_wait3A_432] : memref<4x200x64xf32, #tpu.memory_space<vmem>> -> memref<1x200x64xf32, #tpu.memory_space<vmem>>
      %dma_wait3A_434 = tpu.memref_squeeze %dma_wait3A_433 : memref<1x200x64xf32, #tpu.memory_space<vmem>> -> memref<200x64xf32, #tpu.memory_space<vmem>>
      %dma_wait3A_435 = tpu.memref_slice %arg7[%mul3A_429] : memref<10000xi32, #tpu.memory_space<vmem>> -> memref<200xi32, #tpu.memory_space<vmem>>
      %dma_wait3A_436 = arith.constant 0 : i32
      %dma_wait3A_437 = arith.constant 0 : i32
      %dma_wait3A_438 = tpu.memref_slice %arg9[%dma_wait3A_436, %dma_wait3A_437] : memref<10000x64xf32, #tpu.memory_space<vmem_shared>> -> memref<10000x64xf32, #tpu.memory_space<vmem_shared>>
      tpu.wait_indirect_dma semaphore(%arg13 : memref<!tpu.dma_semaphore, #tpu.memory_space<semaphore_mem>>) src(%dma_wait3A_434 : memref<200x64xf32, #tpu.memory_space<vmem>>) dst(%dma_wait3A_438 : memref<10000x64xf32, #tpu.memory_space<vmem_shared>>)
      %add3A_439 = arith.constant 2 : i32
      %add3A_440 = arith.addi %add3A_425, %add3A_439 : i32
      %mul3A_441 = arith.constant 200 : i32
      %mul3A_442 = arith.muli %add3A_440, %mul3A_441 : i32
      %dma_start3A_443 = arith.constant 3 : i32
      %dma_start3A_444 = arith.constant 0 : i32
      %dma_start3A_445 = arith.constant 0 : i32
      %dma_start3A_446 = tpu.memref_slice %arg8[%dma_start3A_443, %dma_start3A_444, %dma_start3A_445] : memref<4x200x64xf32, #tpu.memory_space<vmem>> -> memref<1x200x64xf32, #tpu.memory_space<vmem>>
      %dma_start3A_447 = tpu.memref_squeeze %dma_start3A_446 : memref<1x200x64xf32, #tpu.memory_space<vmem>> -> memref<200x64xf32, #tpu.memory_space<vmem>>
      %dma_start3A_448 = tpu.memref_slice %arg6[%mul3A_442] : memref<10000xi32, #tpu.memory_space<vmem>> -> memref<200xi32, #tpu.memory_space<vmem>>
      %dma_start3A_449 = arith.constant 0 : i32
      %dma_start3A_450 = arith.constant 0 : i32
      %dma_start3A_451 = tpu.memref_slice %arg2[%dma_start3A_449, %dma_start3A_450] : memref<10000x64xf32, #tpu.memory_space<hbm>> -> memref<10000x64xf32, #tpu.memory_space<hbm>>
      tpu.enqueue_indirect_dma source(%dma_start3A_451 : memref<10000x64xf32, #tpu.memory_space<hbm>>) target(%dma_start3A_447 : memref<200x64xf32, #tpu.memory_space<vmem>>) offsets(%dma_start3A_448 : memref<200xi32, #tpu.memory_space<vmem>>) semaphore(%arg13 : memref<!tpu.dma_semaphore, #tpu.memory_space<semaphore_mem>>)
      %mul3A_452 = arith.constant 200 : i32
      %mul3A_453 = arith.muli %add3A_425, %mul3A_452 : i32
      %dma_wait3A_454 = arith.constant 1 : i32
      %dma_wait3A_455 = arith.constant 0 : i32
      %dma_wait3A_456 = arith.constant 0 : i32
      %dma_wait3A_457 = tpu.memref_slice %arg8[%dma_wait3A_454, %dma_wait3A_455, %dma_wait3A_456] : memref<4x200x64xf32, #tpu.memory_space<vmem>> -> memref<1x200x64xf32, #tpu.memory_space<vmem>>
      %dma_wait3A_458 = tpu.memref_squeeze %dma_wait3A_457 : memref<1x200x64xf32, #tpu.memory_space<vmem>> -> memref<200x64xf32, #tpu.memory_space<vmem>>
      %dma_wait3A_459 = tpu.memref_slice %arg6[%mul3A_453] : memref<10000xi32, #tpu.memory_space<vmem>> -> memref<200xi32, #tpu.memory_space<vmem>>
      %dma_wait3A_460 = arith.constant 0 : i32
      %dma_wait3A_461 = arith.constant 0 : i32
      %dma_wait3A_462 = tpu.memref_slice %arg2[%dma_wait3A_460, %dma_wait3A_461] : memref<10000x64xf32, #tpu.memory_space<hbm>> -> memref<10000x64xf32, #tpu.memory_space<hbm>>
      tpu.wait_indirect_dma semaphore(%arg11 : memref<!tpu.dma_semaphore, #tpu.memory_space<semaphore_mem>>) src(%dma_wait3A_462 : memref<10000x64xf32, #tpu.memory_space<hbm>>) dst(%dma_wait3A_458 : memref<200x64xf32, #tpu.memory_space<vmem>>)
      %mul3A_463 = arith.constant 200 : i32
      %mul3A_464 = arith.muli %add3A_425, %mul3A_463 : i32
      %dma_start3A_465 = arith.constant 1 : i32
      %dma_start3A_466 = arith.constant 0 : i32
      %dma_start3A_467 = arith.constant 0 : i32
      %dma_start3A_468 = tpu.memref_slice %arg8[%dma_start3A_465, %dma_start3A_466, %dma_start3A_467] : memref<4x200x64xf32, #tpu.memory_space<vmem>> -> memref<1x200x64xf32, #tpu.memory_space<vmem>>
      %dma_start3A_469 = tpu.memref_squeeze %dma_start3A_468 : memref<1x200x64xf32, #tpu.memory_space<vmem>> -> memref<200x64xf32, #tpu.memory_space<vmem>>
      %dma_start3A_470 = tpu.memref_slice %arg7[%mul3A_464] : memref<10000xi32, #tpu.memory_space<vmem>> -> memref<200xi32, #tpu.memory_space<vmem>>
      %dma_start3A_471 = arith.constant 0 : i32
      %dma_start3A_472 = arith.constant 0 : i32
      %dma_start3A_473 = tpu.memref_slice %arg9[%dma_start3A_471, %dma_start3A_472] : memref<10000x64xf32, #tpu.memory_space<vmem_shared>> -> memref<10000x64xf32, #tpu.memory_space<vmem_shared>>
      tpu.enqueue_indirect_dma source(%dma_start3A_469 : memref<200x64xf32, #tpu.memory_space<vmem>>) target(%dma_start3A_473 : memref<10000x64xf32, #tpu.memory_space<vmem_shared>>) offsets(%dma_start3A_470 : memref<200xi32, #tpu.memory_space<vmem>>) semaphore(%arg11 : memref<!tpu.dma_semaphore, #tpu.memory_space<semaphore_mem>>) {add = true}
    }
    %scan3A_92 = arith.constant 11 : i32
    %dma_wait3A_93 = arith.constant 0 : i32
    %dma_wait3A_94 = arith.constant 0 : i32
    %dma_wait3A_95 = arith.constant 0 : i32
    %dma_wait3A_96 = tpu.memref_slice %arg8[%dma_wait3A_93, %dma_wait3A_94, %dma_wait3A_95] : memref<4x200x64xf32, #tpu.memory_space<vmem>> -> memref<1x200x64xf32, #tpu.memory_space<vmem>>
    %dma_wait3A_97 = tpu.memref_squeeze %dma_wait3A_96 : memref<1x200x64xf32, #tpu.memory_space<vmem>> -> memref<200x64xf32, #tpu.memory_space<vmem>>
    %dma_wait3A_98 = arith.constant 8800 : i32
    %dma_wait3A_99 = tpu.memref_slice %arg7[%dma_wait3A_98] : memref<10000xi32, #tpu.memory_space<vmem>> -> memref<200xi32, #tpu.memory_space<vmem>>
    %dma_wait3A_100 = arith.constant 0 : i32
    %dma_wait3A_101 = arith.constant 0 : i32
    %dma_wait3A_102 = tpu.memref_slice %arg9[%dma_wait3A_100, %dma_wait3A_101] : memref<10000x64xf32, #tpu.memory_space<vmem_shared>> -> memref<10000x64xf32, #tpu.memory_space<vmem_shared>>
    tpu.wait_indirect_dma semaphore(%arg10 : memref<!tpu.dma_semaphore, #tpu.memory_space<semaphore_mem>>) src(%dma_wait3A_97 : memref<200x64xf32, #tpu.memory_space<vmem>>) dst(%dma_wait3A_102 : memref<10000x64xf32, #tpu.memory_space<vmem_shared>>)
    %dma_start3A_103 = arith.constant 0 : i32
    %dma_start3A_104 = arith.constant 0 : i32
    %dma_start3A_105 = arith.constant 0 : i32
    %dma_start3A_106 = tpu.memref_slice %arg8[%dma_start3A_103, %dma_start3A_104, %dma_start3A_105] : memref<4x200x64xf32, #tpu.memory_space<vmem>> -> memref<1x200x64xf32, #tpu.memory_space<vmem>>
    %dma_start3A_107 = tpu.memref_squeeze %dma_start3A_106 : memref<1x200x64xf32, #tpu.memory_space<vmem>> -> memref<200x64xf32, #tpu.memory_space<vmem>>
    %dma_start3A_108 = arith.constant 9600 : i32
    %dma_start3A_109 = tpu.memref_slice %arg6[%dma_start3A_108] : memref<10000xi32, #tpu.memory_space<vmem>> -> memref<200xi32, #tpu.memory_space<vmem>>
    %dma_start3A_110 = arith.constant 0 : i32
    %dma_start3A_111 = arith.constant 0 : i32
    %dma_start3A_112 = tpu.memref_slice %arg2[%dma_start3A_110, %dma_start3A_111] : memref<10000x64xf32, #tpu.memory_space<hbm>> -> memref<10000x64xf32, #tpu.memory_space<hbm>>
    tpu.enqueue_indirect_dma source(%dma_start3A_112 : memref<10000x64xf32, #tpu.memory_space<hbm>>) target(%dma_start3A_107 : memref<200x64xf32, #tpu.memory_space<vmem>>) offsets(%dma_start3A_109 : memref<200xi32, #tpu.memory_space<vmem>>) semaphore(%arg10 : memref<!tpu.dma_semaphore, #tpu.memory_space<semaphore_mem>>)
    %dma_wait3A_113 = arith.constant 2 : i32
    %dma_wait3A_114 = arith.constant 0 : i32
    %dma_wait3A_115 = arith.constant 0 : i32
    %dma_wait3A_116 = tpu.memref_slice %arg8[%dma_wait3A_113, %dma_wait3A_114, %dma_wait3A_115] : memref<4x200x64xf32, #tpu.memory_space<vmem>> -> memref<1x200x64xf32, #tpu.memory_space<vmem>>
    %dma_wait3A_117 = tpu.memref_squeeze %dma_wait3A_116 : memref<1x200x64xf32, #tpu.memory_space<vmem>> -> memref<200x64xf32, #tpu.memory_space<vmem>>
    %dma_wait3A_118 = arith.constant 9200 : i32
    %dma_wait3A_119 = tpu.memref_slice %arg6[%dma_wait3A_118] : memref<10000xi32, #tpu.memory_space<vmem>> -> memref<200xi32, #tpu.memory_space<vmem>>
    %dma_wait3A_120 = arith.constant 0 : i32
    %dma_wait3A_121 = arith.constant 0 : i32
    %dma_wait3A_122 = tpu.memref_slice %arg2[%dma_wait3A_120, %dma_wait3A_121] : memref<10000x64xf32, #tpu.memory_space<hbm>> -> memref<10000x64xf32, #tpu.memory_space<hbm>>
    tpu.wait_indirect_dma semaphore(%arg12 : memref<!tpu.dma_semaphore, #tpu.memory_space<semaphore_mem>>) src(%dma_wait3A_122 : memref<10000x64xf32, #tpu.memory_space<hbm>>) dst(%dma_wait3A_117 : memref<200x64xf32, #tpu.memory_space<vmem>>)
    %dma_start3A_123 = arith.constant 2 : i32
    %dma_start3A_124 = arith.constant 0 : i32
    %dma_start3A_125 = arith.constant 0 : i32
    %dma_start3A_126 = tpu.memref_slice %arg8[%dma_start3A_123, %dma_start3A_124, %dma_start3A_125] : memref<4x200x64xf32, #tpu.memory_space<vmem>> -> memref<1x200x64xf32, #tpu.memory_space<vmem>>
    %dma_start3A_127 = tpu.memref_squeeze %dma_start3A_126 : memref<1x200x64xf32, #tpu.memory_space<vmem>> -> memref<200x64xf32, #tpu.memory_space<vmem>>
    %dma_start3A_128 = arith.constant 9200 : i32
    %dma_start3A_129 = tpu.memref_slice %arg7[%dma_start3A_128] : memref<10000xi32, #tpu.memory_space<vmem>> -> memref<200xi32, #tpu.memory_space<vmem>>
    %dma_start3A_130 = arith.constant 0 : i32
    %dma_start3A_131 = arith.constant 0 : i32
    %dma_start3A_132 = tpu.memref_slice %arg9[%dma_start3A_130, %dma_start3A_131] : memref<10000x64xf32, #tpu.memory_space<vmem_shared>> -> memref<10000x64xf32, #tpu.memory_space<vmem_shared>>
    tpu.enqueue_indirect_dma source(%dma_start3A_127 : memref<200x64xf32, #tpu.memory_space<vmem>>) target(%dma_start3A_132 : memref<10000x64xf32, #tpu.memory_space<vmem_shared>>) offsets(%dma_start3A_129 : memref<200xi32, #tpu.memory_space<vmem>>) semaphore(%arg12 : memref<!tpu.dma_semaphore, #tpu.memory_space<semaphore_mem>>) {add = true}
    %dma_wait3A_133 = arith.constant 1 : i32
    %dma_wait3A_134 = arith.constant 0 : i32
    %dma_wait3A_135 = arith.constant 0 : i32
    %dma_wait3A_136 = tpu.memref_slice %arg8[%dma_wait3A_133, %dma_wait3A_134, %dma_wait3A_135] : memref<4x200x64xf32, #tpu.memory_space<vmem>> -> memref<1x200x64xf32, #tpu.memory_space<vmem>>
    %dma_wait3A_137 = tpu.memref_squeeze %dma_wait3A_136 : memref<1x200x64xf32, #tpu.memory_space<vmem>> -> memref<200x64xf32, #tpu.memory_space<vmem>>
    %dma_wait3A_138 = arith.constant 9000 : i32
    %dma_wait3A_139 = tpu.memref_slice %arg7[%dma_wait3A_138] : memref<10000xi32, #tpu.memory_space<vmem>> -> memref<200xi32, #tpu.memory_space<vmem>>
    %dma_wait3A_140 = arith.constant 0 : i32
    %dma_wait3A_141 = arith.constant 0 : i32
    %dma_wait3A_142 = tpu.memref_slice %arg9[%dma_wait3A_140, %dma_wait3A_141] : memref<10000x64xf32, #tpu.memory_space<vmem_shared>> -> memref<10000x64xf32, #tpu.memory_space<vmem_shared>>
    tpu.wait_indirect_dma semaphore(%arg11 : memref<!tpu.dma_semaphore, #tpu.memory_space<semaphore_mem>>) src(%dma_wait3A_137 : memref<200x64xf32, #tpu.memory_space<vmem>>) dst(%dma_wait3A_142 : memref<10000x64xf32, #tpu.memory_space<vmem_shared>>)
    %dma_start3A_143 = arith.constant 1 : i32
    %dma_start3A_144 = arith.constant 0 : i32
    %dma_start3A_145 = arith.constant 0 : i32
    %dma_start3A_146 = tpu.memref_slice %arg8[%dma_start3A_143, %dma_start3A_144, %dma_start3A_145] : memref<4x200x64xf32, #tpu.memory_space<vmem>> -> memref<1x200x64xf32, #tpu.memory_space<vmem>>
    %dma_start3A_147 = tpu.memref_squeeze %dma_start3A_146 : memref<1x200x64xf32, #tpu.memory_space<vmem>> -> memref<200x64xf32, #tpu.memory_space<vmem>>
    %dma_start3A_148 = arith.constant 9800 : i32
    %dma_start3A_149 = tpu.memref_slice %arg6[%dma_start3A_148] : memref<10000xi32, #tpu.memory_space<vmem>> -> memref<200xi32, #tpu.memory_space<vmem>>
    %dma_start3A_150 = arith.constant 0 : i32
    %dma_start3A_151 = arith.constant 0 : i32
    %dma_start3A_152 = tpu.memref_slice %arg2[%dma_start3A_150, %dma_start3A_151] : memref<10000x64xf32, #tpu.memory_space<hbm>> -> memref<10000x64xf32, #tpu.memory_space<hbm>>
    tpu.enqueue_indirect_dma source(%dma_start3A_152 : memref<10000x64xf32, #tpu.memory_space<hbm>>) target(%dma_start3A_147 : memref<200x64xf32, #tpu.memory_space<vmem>>) offsets(%dma_start3A_149 : memref<200xi32, #tpu.memory_space<vmem>>) semaphore(%arg11 : memref<!tpu.dma_semaphore, #tpu.memory_space<semaphore_mem>>)
    %dma_wait3A_153 = arith.constant 3 : i32
    %dma_wait3A_154 = arith.constant 0 : i32
    %dma_wait3A_155 = arith.constant 0 : i32
    %dma_wait3A_156 = tpu.memref_slice %arg8[%dma_wait3A_153, %dma_wait3A_154, %dma_wait3A_155] : memref<4x200x64xf32, #tpu.memory_space<vmem>> -> memref<1x200x64xf32, #tpu.memory_space<vmem>>
    %dma_wait3A_157 = tpu.memref_squeeze %dma_wait3A_156 : memref<1x200x64xf32, #tpu.memory_space<vmem>> -> memref<200x64xf32, #tpu.memory_space<vmem>>
    %dma_wait3A_158 = arith.constant 9400 : i32
    %dma_wait3A_159 = tpu.memref_slice %arg6[%dma_wait3A_158] : memref<10000xi32, #tpu.memory_space<vmem>> -> memref<200xi32, #tpu.memory_space<vmem>>
    %dma_wait3A_160 = arith.constant 0 : i32
    %dma_wait3A_161 = arith.constant 0 : i32
    %dma_wait3A_162 = tpu.memref_slice %arg2[%dma_wait3A_160, %dma_wait3A_161] : memref<10000x64xf32, #tpu.memory_space<hbm>> -> memref<10000x64xf32, #tpu.memory_space<hbm>>
    tpu.wait_indirect_dma semaphore(%arg13 : memref<!tpu.dma_semaphore, #tpu.memory_space<semaphore_mem>>) src(%dma_wait3A_162 : memref<10000x64xf32, #tpu.memory_space<hbm>>) dst(%dma_wait3A_157 : memref<200x64xf32, #tpu.memory_space<vmem>>)
    %dma_start3A_163 = arith.constant 3 : i32
    %dma_start3A_164 = arith.constant 0 : i32
    %dma_start3A_165 = arith.constant 0 : i32
    %dma_start3A_166 = tpu.memref_slice %arg8[%dma_start3A_163, %dma_start3A_164, %dma_start3A_165] : memref<4x200x64xf32, #tpu.memory_space<vmem>> -> memref<1x200x64xf32, #tpu.memory_space<vmem>>
    %dma_start3A_167 = tpu.memref_squeeze %dma_start3A_166 : memref<1x200x64xf32, #tpu.memory_space<vmem>> -> memref<200x64xf32, #tpu.memory_space<vmem>>
    %dma_start3A_168 = arith.constant 9400 : i32
    %dma_start3A_169 = tpu.memref_slice %arg7[%dma_start3A_168] : memref<10000xi32, #tpu.memory_space<vmem>> -> memref<200xi32, #tpu.memory_space<vmem>>
    %dma_start3A_170 = arith.constant 0 : i32
    %dma_start3A_171 = arith.constant 0 : i32
    %dma_start3A_172 = tpu.memref_slice %arg9[%dma_start3A_170, %dma_start3A_171] : memref<10000x64xf32, #tpu.memory_space<vmem_shared>> -> memref<10000x64xf32, #tpu.memory_space<vmem_shared>>
    tpu.enqueue_indirect_dma source(%dma_start3A_167 : memref<200x64xf32, #tpu.memory_space<vmem>>) target(%dma_start3A_172 : memref<10000x64xf32, #tpu.memory_space<vmem_shared>>) offsets(%dma_start3A_169 : memref<200xi32, #tpu.memory_space<vmem>>) semaphore(%arg13 : memref<!tpu.dma_semaphore, #tpu.memory_space<semaphore_mem>>) {add = true}
    %dma_wait3A_173 = arith.constant 2 : i32
    %dma_wait3A_174 = arith.constant 0 : i32
    %dma_wait3A_175 = arith.constant 0 : i32
    %dma_wait3A_176 = tpu.memref_slice %arg8[%dma_wait3A_173, %dma_wait3A_174, %dma_wait3A_175] : memref<4x200x64xf32, #tpu.memory_space<vmem>> -> memref<1x200x64xf32, #tpu.memory_space<vmem>>
    %dma_wait3A_177 = tpu.memref_squeeze %dma_wait3A_176 : memref<1x200x64xf32, #tpu.memory_space<vmem>> -> memref<200x64xf32, #tpu.memory_space<vmem>>
    %dma_wait3A_178 = arith.constant 9200 : i32
    %dma_wait3A_179 = tpu.memref_slice %arg7[%dma_wait3A_178] : memref<10000xi32, #tpu.memory_space<vmem>> -> memref<200xi32, #tpu.memory_space<vmem>>
    %dma_wait3A_180 = arith.constant 0 : i32
    %dma_wait3A_181 = arith.constant 0 : i32
    %dma_wait3A_182 = tpu.memref_slice %arg9[%dma_wait3A_180, %dma_wait3A_181] : memref<10000x64xf32, #tpu.memory_space<vmem_shared>> -> memref<10000x64xf32, #tpu.memory_space<vmem_shared>>
    tpu.wait_indirect_dma semaphore(%arg12 : memref<!tpu.dma_semaphore, #tpu.memory_space<semaphore_mem>>) src(%dma_wait3A_177 : memref<200x64xf32, #tpu.memory_space<vmem>>) dst(%dma_wait3A_182 : memref<10000x64xf32, #tpu.memory_space<vmem_shared>>)
    %dma_wait3A_183 = arith.constant 0 : i32
    %dma_wait3A_184 = arith.constant 0 : i32
    %dma_wait3A_185 = arith.constant 0 : i32
    %dma_wait3A_186 = tpu.memref_slice %arg8[%dma_wait3A_183, %dma_wait3A_184, %dma_wait3A_185] : memref<4x200x64xf32, #tpu.memory_space<vmem>> -> memref<1x200x64xf32, #tpu.memory_space<vmem>>
    %dma_wait3A_187 = tpu.memref_squeeze %dma_wait3A_186 : memref<1x200x64xf32, #tpu.memory_space<vmem>> -> memref<200x64xf32, #tpu.memory_space<vmem>>
    %dma_wait3A_188 = arith.constant 9600 : i32
    %dma_wait3A_189 = tpu.memref_slice %arg6[%dma_wait3A_188] : memref<10000xi32, #tpu.memory_space<vmem>> -> memref<200xi32, #tpu.memory_space<vmem>>
    %dma_wait3A_190 = arith.constant 0 : i32
    %dma_wait3A_191 = arith.constant 0 : i32
    %dma_wait3A_192 = tpu.memref_slice %arg2[%dma_wait3A_190, %dma_wait3A_191] : memref<10000x64xf32, #tpu.memory_space<hbm>> -> memref<10000x64xf32, #tpu.memory_space<hbm>>
    tpu.wait_indirect_dma semaphore(%arg10 : memref<!tpu.dma_semaphore, #tpu.memory_space<semaphore_mem>>) src(%dma_wait3A_192 : memref<10000x64xf32, #tpu.memory_space<hbm>>) dst(%dma_wait3A_187 : memref<200x64xf32, #tpu.memory_space<vmem>>)
    %dma_start3A_193 = arith.constant 0 : i32
    %dma_start3A_194 = arith.constant 0 : i32
    %dma_start3A_195 = arith.constant 0 : i32
    %dma_start3A_196 = tpu.memref_slice %arg8[%dma_start3A_193, %dma_start3A_194, %dma_start3A_195] : memref<4x200x64xf32, #tpu.memory_space<vmem>> -> memref<1x200x64xf32, #tpu.memory_space<vmem>>
    %dma_start3A_197 = tpu.memref_squeeze %dma_start3A_196 : memref<1x200x64xf32, #tpu.memory_space<vmem>> -> memref<200x64xf32, #tpu.memory_space<vmem>>
    %dma_start3A_198 = arith.constant 9600 : i32
    %dma_start3A_199 = tpu.memref_slice %arg7[%dma_start3A_198] : memref<10000xi32, #tpu.memory_space<vmem>> -> memref<200xi32, #tpu.memory_space<vmem>>
    %dma_start3A_200 = arith.constant 0 : i32
    %dma_start3A_201 = arith.constant 0 : i32
    %dma_start3A_202 = tpu.memref_slice %arg9[%dma_start3A_200, %dma_start3A_201] : memref<10000x64xf32, #tpu.memory_space<vmem_shared>> -> memref<10000x64xf32, #tpu.memory_space<vmem_shared>>
    tpu.enqueue_indirect_dma source(%dma_start3A_197 : memref<200x64xf32, #tpu.memory_space<vmem>>) target(%dma_start3A_202 : memref<10000x64xf32, #tpu.memory_space<vmem_shared>>) offsets(%dma_start3A_199 : memref<200xi32, #tpu.memory_space<vmem>>) semaphore(%arg10 : memref<!tpu.dma_semaphore, #tpu.memory_space<semaphore_mem>>) {add = true}
    %dma_wait3A_203 = arith.constant 3 : i32
    %dma_wait3A_204 = arith.constant 0 : i32
    %dma_wait3A_205 = arith.constant 0 : i32
    %dma_wait3A_206 = tpu.memref_slice %arg8[%dma_wait3A_203, %dma_wait3A_204, %dma_wait3A_205] : memref<4x200x64xf32, #tpu.memory_space<vmem>> -> memref<1x200x64xf32, #tpu.memory_space<vmem>>
    %dma_wait3A_207 = tpu.memref_squeeze %dma_wait3A_206 : memref<1x200x64xf32, #tpu.memory_space<vmem>> -> memref<200x64xf32, #tpu.memory_space<vmem>>
    %dma_wait3A_208 = arith.constant 9400 : i32
    %dma_wait3A_209 = tpu.memref_slice %arg7[%dma_wait3A_208] : memref<10000xi32, #tpu.memory_space<vmem>> -> memref<200xi32, #tpu.memory_space<vmem>>
    %dma_wait3A_210 = arith.constant 0 : i32
    %dma_wait3A_211 = arith.constant 0 : i32
    %dma_wait3A_212 = tpu.memref_slice %arg9[%dma_wait3A_210, %dma_wait3A_211] : memref<10000x64xf32, #tpu.memory_space<vmem_shared>> -> memref<10000x64xf32, #tpu.memory_space<vmem_shared>>
    tpu.wait_indirect_dma semaphore(%arg13 : memref<!tpu.dma_semaphore, #tpu.memory_space<semaphore_mem>>) src(%dma_wait3A_207 : memref<200x64xf32, #tpu.memory_space<vmem>>) dst(%dma_wait3A_212 : memref<10000x64xf32, #tpu.memory_space<vmem_shared>>)
    %dma_wait3A_213 = arith.constant 1 : i32
    %dma_wait3A_214 = arith.constant 0 : i32
    %dma_wait3A_215 = arith.constant 0 : i32
    %dma_wait3A_216 = tpu.memref_slice %arg8[%dma_wait3A_213, %dma_wait3A_214, %dma_wait3A_215] : memref<4x200x64xf32, #tpu.memory_space<vmem>> -> memref<1x200x64xf32, #tpu.memory_space<vmem>>
    %dma_wait3A_217 = tpu.memref_squeeze %dma_wait3A_216 : memref<1x200x64xf32, #tpu.memory_space<vmem>> -> memref<200x64xf32, #tpu.memory_space<vmem>>
    %dma_wait3A_218 = arith.constant 9800 : i32
    %dma_wait3A_219 = tpu.memref_slice %arg6[%dma_wait3A_218] : memref<10000xi32, #tpu.memory_space<vmem>> -> memref<200xi32, #tpu.memory_space<vmem>>
    %dma_wait3A_220 = arith.constant 0 : i32
    %dma_wait3A_221 = arith.constant 0 : i32
    %dma_wait3A_222 = tpu.memref_slice %arg2[%dma_wait3A_220, %dma_wait3A_221] : memref<10000x64xf32, #tpu.memory_space<hbm>> -> memref<10000x64xf32, #tpu.memory_space<hbm>>
    tpu.wait_indirect_dma semaphore(%arg11 : memref<!tpu.dma_semaphore, #tpu.memory_space<semaphore_mem>>) src(%dma_wait3A_222 : memref<10000x64xf32, #tpu.memory_space<hbm>>) dst(%dma_wait3A_217 : memref<200x64xf32, #tpu.memory_space<vmem>>)
    %dma_start3A_223 = arith.constant 1 : i32
    %dma_start3A_224 = arith.constant 0 : i32
    %dma_start3A_225 = arith.constant 0 : i32
    %dma_start3A_226 = tpu.memref_slice %arg8[%dma_start3A_223, %dma_start3A_224, %dma_start3A_225] : memref<4x200x64xf32, #tpu.memory_space<vmem>> -> memref<1x200x64xf32, #tpu.memory_space<vmem>>
    %dma_start3A_227 = tpu.memref_squeeze %dma_start3A_226 : memref<1x200x64xf32, #tpu.memory_space<vmem>> -> memref<200x64xf32, #tpu.memory_space<vmem>>
    %dma_start3A_228 = arith.constant 9800 : i32
    %dma_start3A_229 = tpu.memref_slice %arg7[%dma_start3A_228] : memref<10000xi32, #tpu.memory_space<vmem>> -> memref<200xi32, #tpu.memory_space<vmem>>
    %dma_start3A_230 = arith.constant 0 : i32
    %dma_start3A_231 = arith.constant 0 : i32
    %dma_start3A_232 = tpu.memref_slice %arg9[%dma_start3A_230, %dma_start3A_231] : memref<10000x64xf32, #tpu.memory_space<vmem_shared>> -> memref<10000x64xf32, #tpu.memory_space<vmem_shared>>
    tpu.enqueue_indirect_dma source(%dma_start3A_227 : memref<200x64xf32, #tpu.memory_space<vmem>>) target(%dma_start3A_232 : memref<10000x64xf32, #tpu.memory_space<vmem_shared>>) offsets(%dma_start3A_229 : memref<200xi32, #tpu.memory_space<vmem>>) semaphore(%arg11 : memref<!tpu.dma_semaphore, #tpu.memory_space<semaphore_mem>>) {add = true}
    %dma_wait3A_233 = arith.constant 0 : i32
    %dma_wait3A_234 = arith.constant 0 : i32
    %dma_wait3A_235 = arith.constant 0 : i32
    %dma_wait3A_236 = tpu.memref_slice %arg8[%dma_wait3A_233, %dma_wait3A_234, %dma_wait3A_235] : memref<4x200x64xf32, #tpu.memory_space<vmem>> -> memref<1x200x64xf32, #tpu.memory_space<vmem>>
    %dma_wait3A_237 = tpu.memref_squeeze %dma_wait3A_236 : memref<1x200x64xf32, #tpu.memory_space<vmem>> -> memref<200x64xf32, #tpu.memory_space<vmem>>
    %dma_wait3A_238 = arith.constant 9600 : i32
    %dma_wait3A_239 = tpu.memref_slice %arg7[%dma_wait3A_238] : memref<10000xi32, #tpu.memory_space<vmem>> -> memref<200xi32, #tpu.memory_space<vmem>>
    %dma_wait3A_240 = arith.constant 0 : i32
    %dma_wait3A_241 = arith.constant 0 : i32
    %dma_wait3A_242 = tpu.memref_slice %arg9[%dma_wait3A_240, %dma_wait3A_241] : memref<10000x64xf32, #tpu.memory_space<vmem_shared>> -> memref<10000x64xf32, #tpu.memory_space<vmem_shared>>
    tpu.wait_indirect_dma semaphore(%arg10 : memref<!tpu.dma_semaphore, #tpu.memory_space<semaphore_mem>>) src(%dma_wait3A_237 : memref<200x64xf32, #tpu.memory_space<vmem>>) dst(%dma_wait3A_242 : memref<10000x64xf32, #tpu.memory_space<vmem_shared>>)
    %dma_wait3A_243 = arith.constant 1 : i32
    %dma_wait3A_244 = arith.constant 0 : i32
    %dma_wait3A_245 = arith.constant 0 : i32
    %dma_wait3A_246 = tpu.memref_slice %arg8[%dma_wait3A_243, %dma_wait3A_244, %dma_wait3A_245] : memref<4x200x64xf32, #tpu.memory_space<vmem>> -> memref<1x200x64xf32, #tpu.memory_space<vmem>>
    %dma_wait3A_247 = tpu.memref_squeeze %dma_wait3A_246 : memref<1x200x64xf32, #tpu.memory_space<vmem>> -> memref<200x64xf32, #tpu.memory_space<vmem>>
    %dma_wait3A_248 = arith.constant 9800 : i32
    %dma_wait3A_249 = tpu.memref_slice %arg7[%dma_wait3A_248] : memref<10000xi32, #tpu.memory_space<vmem>> -> memref<200xi32, #tpu.memory_space<vmem>>
    %dma_wait3A_250 = arith.constant 0 : i32
    %dma_wait3A_251 = arith.constant 0 : i32
    %dma_wait3A_252 = tpu.memref_slice %arg9[%dma_wait3A_250, %dma_wait3A_251] : memref<10000x64xf32, #tpu.memory_space<vmem_shared>> -> memref<10000x64xf32, #tpu.memory_space<vmem_shared>>
    tpu.wait_indirect_dma semaphore(%arg11 : memref<!tpu.dma_semaphore, #tpu.memory_space<semaphore_mem>>) src(%dma_wait3A_247 : memref<200x64xf32, #tpu.memory_space<vmem>>) dst(%dma_wait3A_252 : memref<10000x64xf32, #tpu.memory_space<vmem_shared>>)
    %barrier3A_253 = arith.constant 0 : index
    tpu.barrier barrier_id(%barrier3A_253)
    %mul3A_254 = arith.constant 625 : i32
    %mul3A_255 = arith.muli %arg1, %mul3A_254 : i32
    %mul3A_256 = arith.constant 625 : i32
    %mul3A_257 = arith.muli %arg1, %mul3A_256 : i32
    "tpu.region"() ({
      %run_scoped3A_258 = tpu.sem_alloc : memref<!tpu.dma_semaphore, #tpu.memory_space<semaphore_mem>>
      %dma_start3A_259 = arith.constant 0 : i32
      %dma_start3A_260 = tpu.memref_slice %arg5[%arg0, %mul3A_257, %dma_start3A_259] : memref<2x10000x64xf32, #tpu.memory_space<hbm>> -> memref<1x625x64xf32, #tpu.memory_space<hbm>>
      %dma_start3A_261 = tpu.memref_squeeze %dma_start3A_260 : memref<1x625x64xf32, #tpu.memory_space<hbm>> -> memref<625x64xf32, #tpu.memory_space<hbm>>
      %dma_start3A_262 = arith.constant 0 : i32
      %dma_start3A_263 = tpu.memref_slice %arg9[%mul3A_255, %dma_start3A_262] : memref<10000x64xf32, #tpu.memory_space<vmem_shared>> -> memref<625x64xf32, #tpu.memory_space<vmem_shared>>
      tpu.enqueue_dma source(%dma_start3A_263 : memref<625x64xf32, #tpu.memory_space<vmem_shared>>) target(%dma_start3A_261 : memref<625x64xf32, #tpu.memory_space<hbm>>) target_semaphore(%run_scoped3A_258 : memref<!tpu.dma_semaphore, #tpu.memory_space<semaphore_mem>>)
      %dma_wait3A_264 = arith.constant 0 : i32
      %dma_wait3A_265 = tpu.memref_slice %arg5[%arg0, %mul3A_257, %dma_wait3A_264] : memref<2x10000x64xf32, #tpu.memory_space<hbm>> -> memref<1x625x64xf32, #tpu.memory_space<hbm>>
      %dma_wait3A_266 = tpu.memref_squeeze %dma_wait3A_265 : memref<1x625x64xf32, #tpu.memory_space<hbm>> -> memref<625x64xf32, #tpu.memory_space<hbm>>
      %dma_wait3A_267 = arith.constant 0 : i32
      %dma_wait3A_268 = tpu.memref_slice %arg9[%mul3A_255, %dma_wait3A_267] : memref<10000x64xf32, #tpu.memory_space<vmem_shared>> -> memref<625x64xf32, #tpu.memory_space<vmem_shared>>
      tpu.wait_dma2 semaphore(%run_scoped3A_258 : memref<!tpu.dma_semaphore, #tpu.memory_space<semaphore_mem>>) src(%dma_wait3A_268 : memref<625x64xf32, #tpu.memory_space<vmem_shared>>) dst(%dma_wait3A_266 : memref<625x64xf32, #tpu.memory_space<hbm>>)
      tpu.yield
    }) : () -> ()
    return
  }
}

#map = affine_map<(d0, d1) -> (0, 0)>
#map1 = affine_map<(d0, d1) -> (0, 0, 0)>
module attributes {stable_mosaic.version = 14 : i64} {
  func.func @_deg_kernel(%arg0: i32, %arg1: i32, %arg2: memref<2x320000xi32, #tpu.memory_space<hbm>>, %arg3: memref<2x10000xf32, #tpu.memory_space<hbm>>, %arg4: memref<2x2x10000xf32, #tpu.memory_space<hbm>>, %arg5: memref<10000xi32, #tpu.memory_space<vmem>>, %arg6: memref<10000xi32, #tpu.memory_space<vmem>>, %arg7: memref<400xf32, #tpu.memory_space<vmem>>, %arg8: memref<10000xf32, #tpu.memory_space<vmem_shared>>, %arg9: memref<10000xf32, #tpu.memory_space<vmem_shared>>, %arg10: memref<!tpu.dma_semaphore, #tpu.memory_space<semaphore_mem>>, %arg11: memref<!tpu.dma_semaphore, #tpu.memory_space<semaphore_mem>>) attributes {dimension_semantics = [#tpu.dimension_semantics<core_parallel>, #tpu.dimension_semantics<subcore_parallel>], iteration_bounds = array<i64: 2, 16>, scalar_prefetch = 0 : i64, scratch_operands = 7 : i64, tpu.core_type = #tpu.core_type<sc_vector_subcore>, window_params = [{transform_indices = #map}, {transform_indices = #map}, {transform_indices = #map1}]} {
    %mul3A = arith.constant 16 : i32
    %mul3A_0 = arith.muli %arg0, %mul3A : i32
    %add3A = arith.addi %mul3A_0, %arg1 : i32
    %mul3A_1 = arith.constant 10000 : i32
    %mul3A_2 = arith.muli %add3A, %mul3A_1 : i32
    %run_scoped3A = arith.constant 0 : i32
    "tpu.region"() ({
      %run_scoped3A_125 = tpu.sem_alloc : memref<!tpu.dma_semaphore, #tpu.memory_space<semaphore_mem>>
      %dma_start3A = tpu.memref_slice %arg2[%run_scoped3A, %mul3A_2] : memref<2x320000xi32, #tpu.memory_space<hbm>> -> memref<1x10000xi32, #tpu.memory_space<hbm>>
      %dma_start3A_126 = tpu.memref_squeeze %dma_start3A : memref<1x10000xi32, #tpu.memory_space<hbm>> -> memref<10000xi32, #tpu.memory_space<hbm>>
      %dma_start3A_127 = tpu.memref_slice %arg2[%run_scoped3A, %mul3A_2] : memref<2x320000xi32, #tpu.memory_space<hbm>> -> memref<1x10000xi32, #tpu.memory_space<hbm>>
      %dma_start3A_128 = tpu.memref_squeeze %dma_start3A_127 : memref<1x10000xi32, #tpu.memory_space<hbm>> -> memref<10000xi32, #tpu.memory_space<hbm>>
      tpu.enqueue_dma source(%dma_start3A_128 : memref<10000xi32, #tpu.memory_space<hbm>>) target(%arg5 : memref<10000xi32, #tpu.memory_space<vmem>>) target_semaphore(%run_scoped3A_125 : memref<!tpu.dma_semaphore, #tpu.memory_space<semaphore_mem>>)
      %dma_wait3A = tpu.memref_slice %arg2[%run_scoped3A, %mul3A_2] : memref<2x320000xi32, #tpu.memory_space<hbm>> -> memref<1x10000xi32, #tpu.memory_space<hbm>>
      %dma_wait3A_129 = tpu.memref_squeeze %dma_wait3A : memref<1x10000xi32, #tpu.memory_space<hbm>> -> memref<10000xi32, #tpu.memory_space<hbm>>
      %dma_wait3A_130 = tpu.memref_slice %arg2[%run_scoped3A, %mul3A_2] : memref<2x320000xi32, #tpu.memory_space<hbm>> -> memref<1x10000xi32, #tpu.memory_space<hbm>>
      %dma_wait3A_131 = tpu.memref_squeeze %dma_wait3A_130 : memref<1x10000xi32, #tpu.memory_space<hbm>> -> memref<10000xi32, #tpu.memory_space<hbm>>
      tpu.wait_dma2 semaphore(%run_scoped3A_125 : memref<!tpu.dma_semaphore, #tpu.memory_space<semaphore_mem>>) src(%dma_wait3A_131 : memref<10000xi32, #tpu.memory_space<hbm>>) dst(%arg5 : memref<10000xi32, #tpu.memory_space<vmem>>)
      tpu.yield
    }) : () -> ()
    %mul3A_3 = arith.constant 10000 : i32
    %mul3A_4 = arith.muli %add3A, %mul3A_3 : i32
    %run_scoped3A_5 = arith.constant 1 : i32
    "tpu.region"() ({
      %run_scoped3A_125 = tpu.sem_alloc : memref<!tpu.dma_semaphore, #tpu.memory_space<semaphore_mem>>
      %dma_start3A = tpu.memref_slice %arg2[%run_scoped3A_5, %mul3A_4] : memref<2x320000xi32, #tpu.memory_space<hbm>> -> memref<1x10000xi32, #tpu.memory_space<hbm>>
      %dma_start3A_126 = tpu.memref_squeeze %dma_start3A : memref<1x10000xi32, #tpu.memory_space<hbm>> -> memref<10000xi32, #tpu.memory_space<hbm>>
      %dma_start3A_127 = tpu.memref_slice %arg2[%run_scoped3A_5, %mul3A_4] : memref<2x320000xi32, #tpu.memory_space<hbm>> -> memref<1x10000xi32, #tpu.memory_space<hbm>>
      %dma_start3A_128 = tpu.memref_squeeze %dma_start3A_127 : memref<1x10000xi32, #tpu.memory_space<hbm>> -> memref<10000xi32, #tpu.memory_space<hbm>>
      tpu.enqueue_dma source(%dma_start3A_128 : memref<10000xi32, #tpu.memory_space<hbm>>) target(%arg6 : memref<10000xi32, #tpu.memory_space<vmem>>) target_semaphore(%run_scoped3A_125 : memref<!tpu.dma_semaphore, #tpu.memory_space<semaphore_mem>>)
      %dma_wait3A = tpu.memref_slice %arg2[%run_scoped3A_5, %mul3A_4] : memref<2x320000xi32, #tpu.memory_space<hbm>> -> memref<1x10000xi32, #tpu.memory_space<hbm>>
      %dma_wait3A_129 = tpu.memref_squeeze %dma_wait3A : memref<1x10000xi32, #tpu.memory_space<hbm>> -> memref<10000xi32, #tpu.memory_space<hbm>>
      %dma_wait3A_130 = tpu.memref_slice %arg2[%run_scoped3A_5, %mul3A_4] : memref<2x320000xi32, #tpu.memory_space<hbm>> -> memref<1x10000xi32, #tpu.memory_space<hbm>>
      %dma_wait3A_131 = tpu.memref_squeeze %dma_wait3A_130 : memref<1x10000xi32, #tpu.memory_space<hbm>> -> memref<10000xi32, #tpu.memory_space<hbm>>
      tpu.wait_dma2 semaphore(%run_scoped3A_125 : memref<!tpu.dma_semaphore, #tpu.memory_space<semaphore_mem>>) src(%dma_wait3A_131 : memref<10000xi32, #tpu.memory_space<hbm>>) dst(%arg6 : memref<10000xi32, #tpu.memory_space<vmem>>)
      tpu.yield
    }) : () -> ()
    %broadcast_in_dim3A = arith.constant 1.000000e+00 : f32
    %broadcast_in_dim3A_6 = vector.broadcast %broadcast_in_dim3A : f32 to vector<16xf32>
    %swap3A = arith.constant 0 : index
    %swap3A_7 = tpu.vector_load %arg7[%swap3A] {strides = array<i32>} : memref<400xf32, #tpu.memory_space<vmem>>, vector<16xf32>,
    %swap3A_8 = vector.shape_cast %swap3A_7 : vector<16xf32> to vector<16xf32>
    %swap3A_9 = vector.shape_cast %broadcast_in_dim3A_6 : vector<16xf32> to vector<16xf32>
    tpu.vector_store %arg7[%swap3A], %swap3A_9 {strides = array<i32>} : memref<400xf32, #tpu.memory_space<vmem>>, vector<16xf32>,
    %swap3A_10 = arith.constant 16 : index
    %swap3A_11 = tpu.vector_load %arg7[%swap3A_10] {strides = array<i32>} : memref<400xf32, #tpu.memory_space<vmem>>, vector<16xf32>,
    %swap3A_12 = vector.shape_cast %swap3A_11 : vector<16xf32> to vector<16xf32>
    %swap3A_13 = vector.shape_cast %broadcast_in_dim3A_6 : vector<16xf32> to vector<16xf32>
    tpu.vector_store %arg7[%swap3A_10], %swap3A_13 {strides = array<i32>} : memref<400xf32, #tpu.memory_space<vmem>>, vector<16xf32>,
    %swap3A_14 = arith.constant 32 : index
    %swap3A_15 = tpu.vector_load %arg7[%swap3A_14] {strides = array<i32>} : memref<400xf32, #tpu.memory_space<vmem>>, vector<16xf32>,
    %swap3A_16 = vector.shape_cast %swap3A_15 : vector<16xf32> to vector<16xf32>
    %swap3A_17 = vector.shape_cast %broadcast_in_dim3A_6 : vector<16xf32> to vector<16xf32>
    tpu.vector_store %arg7[%swap3A_14], %swap3A_17 {strides = array<i32>} : memref<400xf32, #tpu.memory_space<vmem>>, vector<16xf32>,
    %swap3A_18 = arith.constant 48 : index
    %swap3A_19 = tpu.vector_load %arg7[%swap3A_18] {strides = array<i32>} : memref<400xf32, #tpu.memory_space<vmem>>, vector<16xf32>,
    %swap3A_20 = vector.shape_cast %swap3A_19 : vector<16xf32> to vector<16xf32>
    %swap3A_21 = vector.shape_cast %broadcast_in_dim3A_6 : vector<16xf32> to vector<16xf32>
    tpu.vector_store %arg7[%swap3A_18], %swap3A_21 {strides = array<i32>} : memref<400xf32, #tpu.memory_space<vmem>>, vector<16xf32>,
    %swap3A_22 = arith.constant 64 : index
    %swap3A_23 = tpu.vector_load %arg7[%swap3A_22] {strides = array<i32>} : memref<400xf32, #tpu.memory_space<vmem>>, vector<16xf32>,
    %swap3A_24 = vector.shape_cast %swap3A_23 : vector<16xf32> to vector<16xf32>
    %swap3A_25 = vector.shape_cast %broadcast_in_dim3A_6 : vector<16xf32> to vector<16xf32>
    tpu.vector_store %arg7[%swap3A_22], %swap3A_25 {strides = array<i32>} : memref<400xf32, #tpu.memory_space<vmem>>, vector<16xf32>,
    %swap3A_26 = arith.constant 80 : index
    %swap3A_27 = tpu.vector_load %arg7[%swap3A_26] {strides = array<i32>} : memref<400xf32, #tpu.memory_space<vmem>>, vector<16xf32>,
    %swap3A_28 = vector.shape_cast %swap3A_27 : vector<16xf32> to vector<16xf32>
    %swap3A_29 = vector.shape_cast %broadcast_in_dim3A_6 : vector<16xf32> to vector<16xf32>
    tpu.vector_store %arg7[%swap3A_26], %swap3A_29 {strides = array<i32>} : memref<400xf32, #tpu.memory_space<vmem>>, vector<16xf32>,
    %swap3A_30 = arith.constant 96 : index
    %swap3A_31 = tpu.vector_load %arg7[%swap3A_30] {strides = array<i32>} : memref<400xf32, #tpu.memory_space<vmem>>, vector<16xf32>,
    %swap3A_32 = vector.shape_cast %swap3A_31 : vector<16xf32> to vector<16xf32>
    %swap3A_33 = vector.shape_cast %broadcast_in_dim3A_6 : vector<16xf32> to vector<16xf32>
    tpu.vector_store %arg7[%swap3A_30], %swap3A_33 {strides = array<i32>} : memref<400xf32, #tpu.memory_space<vmem>>, vector<16xf32>,
    %swap3A_34 = arith.constant 112 : index
    %swap3A_35 = tpu.vector_load %arg7[%swap3A_34] {strides = array<i32>} : memref<400xf32, #tpu.memory_space<vmem>>, vector<16xf32>,
    %swap3A_36 = vector.shape_cast %swap3A_35 : vector<16xf32> to vector<16xf32>
    %swap3A_37 = vector.shape_cast %broadcast_in_dim3A_6 : vector<16xf32> to vector<16xf32>
    tpu.vector_store %arg7[%swap3A_34], %swap3A_37 {strides = array<i32>} : memref<400xf32, #tpu.memory_space<vmem>>, vector<16xf32>,
    %swap3A_38 = arith.constant 128 : index
    %swap3A_39 = tpu.vector_load %arg7[%swap3A_38] {strides = array<i32>} : memref<400xf32, #tpu.memory_space<vmem>>, vector<16xf32>,
    %swap3A_40 = vector.shape_cast %swap3A_39 : vector<16xf32> to vector<16xf32>
    %swap3A_41 = vector.shape_cast %broadcast_in_dim3A_6 : vector<16xf32> to vector<16xf32>
    tpu.vector_store %arg7[%swap3A_38], %swap3A_41 {strides = array<i32>} : memref<400xf32, #tpu.memory_space<vmem>>, vector<16xf32>,
    %swap3A_42 = arith.constant 144 : index
    %swap3A_43 = tpu.vector_load %arg7[%swap3A_42] {strides = array<i32>} : memref<400xf32, #tpu.memory_space<vmem>>, vector<16xf32>,
    %swap3A_44 = vector.shape_cast %swap3A_43 : vector<16xf32> to vector<16xf32>
    %swap3A_45 = vector.shape_cast %broadcast_in_dim3A_6 : vector<16xf32> to vector<16xf32>
    tpu.vector_store %arg7[%swap3A_42], %swap3A_45 {strides = array<i32>} : memref<400xf32, #tpu.memory_space<vmem>>, vector<16xf32>,
    %swap3A_46 = arith.constant 160 : index
    %swap3A_47 = tpu.vector_load %arg7[%swap3A_46] {strides = array<i32>} : memref<400xf32, #tpu.memory_space<vmem>>, vector<16xf32>,
    %swap3A_48 = vector.shape_cast %swap3A_47 : vector<16xf32> to vector<16xf32>
    %swap3A_49 = vector.shape_cast %broadcast_in_dim3A_6 : vector<16xf32> to vector<16xf32>
    tpu.vector_store %arg7[%swap3A_46], %swap3A_49 {strides = array<i32>} : memref<400xf32, #tpu.memory_space<vmem>>, vector<16xf32>,
    %swap3A_50 = arith.constant 176 : index
    %swap3A_51 = tpu.vector_load %arg7[%swap3A_50] {strides = array<i32>} : memref<400xf32, #tpu.memory_space<vmem>>, vector<16xf32>,
    %swap3A_52 = vector.shape_cast %swap3A_51 : vector<16xf32> to vector<16xf32>
    %swap3A_53 = vector.shape_cast %broadcast_in_dim3A_6 : vector<16xf32> to vector<16xf32>
    tpu.vector_store %arg7[%swap3A_50], %swap3A_53 {strides = array<i32>} : memref<400xf32, #tpu.memory_space<vmem>>, vector<16xf32>,
    %swap3A_54 = arith.constant 192 : index
    %swap3A_55 = tpu.vector_load %arg7[%swap3A_54] {strides = array<i32>} : memref<400xf32, #tpu.memory_space<vmem>>, vector<16xf32>,
    %swap3A_56 = vector.shape_cast %swap3A_55 : vector<16xf32> to vector<16xf32>
    %swap3A_57 = vector.shape_cast %broadcast_in_dim3A_6 : vector<16xf32> to vector<16xf32>
    tpu.vector_store %arg7[%swap3A_54], %swap3A_57 {strides = array<i32>} : memref<400xf32, #tpu.memory_space<vmem>>, vector<16xf32>,
    %swap3A_58 = arith.constant 208 : index
    %swap3A_59 = tpu.vector_load %arg7[%swap3A_58] {strides = array<i32>} : memref<400xf32, #tpu.memory_space<vmem>>, vector<16xf32>,
    %swap3A_60 = vector.shape_cast %swap3A_59 : vector<16xf32> to vector<16xf32>
    %swap3A_61 = vector.shape_cast %broadcast_in_dim3A_6 : vector<16xf32> to vector<16xf32>
    tpu.vector_store %arg7[%swap3A_58], %swap3A_61 {strides = array<i32>} : memref<400xf32, #tpu.memory_space<vmem>>, vector<16xf32>,
    %swap3A_62 = arith.constant 224 : index
    %swap3A_63 = tpu.vector_load %arg7[%swap3A_62] {strides = array<i32>} : memref<400xf32, #tpu.memory_space<vmem>>, vector<16xf32>,
    %swap3A_64 = vector.shape_cast %swap3A_63 : vector<16xf32> to vector<16xf32>
    %swap3A_65 = vector.shape_cast %broadcast_in_dim3A_6 : vector<16xf32> to vector<16xf32>
    tpu.vector_store %arg7[%swap3A_62], %swap3A_65 {strides = array<i32>} : memref<400xf32, #tpu.memory_space<vmem>>, vector<16xf32>,
    %swap3A_66 = arith.constant 240 : index
    %swap3A_67 = tpu.vector_load %arg7[%swap3A_66] {strides = array<i32>} : memref<400xf32, #tpu.memory_space<vmem>>, vector<16xf32>,
    %swap3A_68 = vector.shape_cast %swap3A_67 : vector<16xf32> to vector<16xf32>
    %swap3A_69 = vector.shape_cast %broadcast_in_dim3A_6 : vector<16xf32> to vector<16xf32>
    tpu.vector_store %arg7[%swap3A_66], %swap3A_69 {strides = array<i32>} : memref<400xf32, #tpu.memory_space<vmem>>, vector<16xf32>,
    %swap3A_70 = arith.constant 256 : index
    %swap3A_71 = tpu.vector_load %arg7[%swap3A_70] {strides = array<i32>} : memref<400xf32, #tpu.memory_space<vmem>>, vector<16xf32>,
    %swap3A_72 = vector.shape_cast %swap3A_71 : vector<16xf32> to vector<16xf32>
    %swap3A_73 = vector.shape_cast %broadcast_in_dim3A_6 : vector<16xf32> to vector<16xf32>
    tpu.vector_store %arg7[%swap3A_70], %swap3A_73 {strides = array<i32>} : memref<400xf32, #tpu.memory_space<vmem>>, vector<16xf32>,
    %swap3A_74 = arith.constant 272 : index
    %swap3A_75 = tpu.vector_load %arg7[%swap3A_74] {strides = array<i32>} : memref<400xf32, #tpu.memory_space<vmem>>, vector<16xf32>,
    %swap3A_76 = vector.shape_cast %swap3A_75 : vector<16xf32> to vector<16xf32>
    %swap3A_77 = vector.shape_cast %broadcast_in_dim3A_6 : vector<16xf32> to vector<16xf32>
    tpu.vector_store %arg7[%swap3A_74], %swap3A_77 {strides = array<i32>} : memref<400xf32, #tpu.memory_space<vmem>>, vector<16xf32>,
    %swap3A_78 = arith.constant 288 : index
    %swap3A_79 = tpu.vector_load %arg7[%swap3A_78] {strides = array<i32>} : memref<400xf32, #tpu.memory_space<vmem>>, vector<16xf32>,
    %swap3A_80 = vector.shape_cast %swap3A_79 : vector<16xf32> to vector<16xf32>
    %swap3A_81 = vector.shape_cast %broadcast_in_dim3A_6 : vector<16xf32> to vector<16xf32>
    tpu.vector_store %arg7[%swap3A_78], %swap3A_81 {strides = array<i32>} : memref<400xf32, #tpu.memory_space<vmem>>, vector<16xf32>,
    %swap3A_82 = arith.constant 304 : index
    %swap3A_83 = tpu.vector_load %arg7[%swap3A_82] {strides = array<i32>} : memref<400xf32, #tpu.memory_space<vmem>>, vector<16xf32>,
    %swap3A_84 = vector.shape_cast %swap3A_83 : vector<16xf32> to vector<16xf32>
    %swap3A_85 = vector.shape_cast %broadcast_in_dim3A_6 : vector<16xf32> to vector<16xf32>
    tpu.vector_store %arg7[%swap3A_82], %swap3A_85 {strides = array<i32>} : memref<400xf32, #tpu.memory_space<vmem>>, vector<16xf32>,
    %swap3A_86 = arith.constant 320 : index
    %swap3A_87 = tpu.vector_load %arg7[%swap3A_86] {strides = array<i32>} : memref<400xf32, #tpu.memory_space<vmem>>, vector<16xf32>,
    %swap3A_88 = vector.shape_cast %swap3A_87 : vector<16xf32> to vector<16xf32>
    %swap3A_89 = vector.shape_cast %broadcast_in_dim3A_6 : vector<16xf32> to vector<16xf32>
    tpu.vector_store %arg7[%swap3A_86], %swap3A_89 {strides = array<i32>} : memref<400xf32, #tpu.memory_space<vmem>>, vector<16xf32>,
    %swap3A_90 = arith.constant 336 : index
    %swap3A_91 = tpu.vector_load %arg7[%swap3A_90] {strides = array<i32>} : memref<400xf32, #tpu.memory_space<vmem>>, vector<16xf32>,
    %swap3A_92 = vector.shape_cast %swap3A_91 : vector<16xf32> to vector<16xf32>
    %swap3A_93 = vector.shape_cast %broadcast_in_dim3A_6 : vector<16xf32> to vector<16xf32>
    tpu.vector_store %arg7[%swap3A_90], %swap3A_93 {strides = array<i32>} : memref<400xf32, #tpu.memory_space<vmem>>, vector<16xf32>,
    %swap3A_94 = arith.constant 352 : index
    %swap3A_95 = tpu.vector_load %arg7[%swap3A_94] {strides = array<i32>} : memref<400xf32, #tpu.memory_space<vmem>>, vector<16xf32>,
    %swap3A_96 = vector.shape_cast %swap3A_95 : vector<16xf32> to vector<16xf32>
    %swap3A_97 = vector.shape_cast %broadcast_in_dim3A_6 : vector<16xf32> to vector<16xf32>
    tpu.vector_store %arg7[%swap3A_94], %swap3A_97 {strides = array<i32>} : memref<400xf32, #tpu.memory_space<vmem>>, vector<16xf32>,
    %swap3A_98 = arith.constant 368 : index
    %swap3A_99 = tpu.vector_load %arg7[%swap3A_98] {strides = array<i32>} : memref<400xf32, #tpu.memory_space<vmem>>, vector<16xf32>,
    %swap3A_100 = vector.shape_cast %swap3A_99 : vector<16xf32> to vector<16xf32>
    %swap3A_101 = vector.shape_cast %broadcast_in_dim3A_6 : vector<16xf32> to vector<16xf32>
    tpu.vector_store %arg7[%swap3A_98], %swap3A_101 {strides = array<i32>} : memref<400xf32, #tpu.memory_space<vmem>>, vector<16xf32>,
    %swap3A_102 = arith.constant 384 : index
    %swap3A_103 = tpu.vector_load %arg7[%swap3A_102] {strides = array<i32>} : memref<400xf32, #tpu.memory_space<vmem>>, vector<16xf32>,
    %swap3A_104 = vector.shape_cast %swap3A_103 : vector<16xf32> to vector<16xf32>
    %swap3A_105 = vector.shape_cast %broadcast_in_dim3A_6 : vector<16xf32> to vector<16xf32>
    tpu.vector_store %arg7[%swap3A_102], %swap3A_105 {strides = array<i32>} : memref<400xf32, #tpu.memory_space<vmem>>, vector<16xf32>,
    %eq3A = arith.constant 0 : i32
    %eq3A_106 = arith.cmpi eq, %arg1, %eq3A : i32
    %convert_element_type3A = arith.extui %eq3A_106 : i1 to i32
    %cond3A = arith.constant 0 : i32
    %cond3A_107 = arith.cmpi ne, %convert_element_type3A, %cond3A : i32
    scf.if %cond3A_107 {
      %run_scoped3A_125 = arith.constant 0 : i32
      "tpu.region"() ({
        %run_scoped3A_127 = tpu.sem_alloc : memref<!tpu.dma_semaphore, #tpu.memory_space<semaphore_mem>>
        %dma_start3A = arith.constant 0 : i32
        %dma_start3A_128 = tpu.memref_slice %arg3[%run_scoped3A_125, %dma_start3A] : memref<2x10000xf32, #tpu.memory_space<hbm>> -> memref<1x10000xf32, #tpu.memory_space<hbm>>
        %dma_start3A_129 = tpu.memref_squeeze %dma_start3A_128 : memref<1x10000xf32, #tpu.memory_space<hbm>> -> memref<10000xf32, #tpu.memory_space<hbm>>
        tpu.enqueue_dma source(%dma_start3A_129 : memref<10000xf32, #tpu.memory_space<hbm>>) target(%arg8 : memref<10000xf32, #tpu.memory_space<vmem_shared>>) target_semaphore(%run_scoped3A_127 : memref<!tpu.dma_semaphore, #tpu.memory_space<semaphore_mem>>)
        %dma_wait3A = arith.constant 0 : i32
        %dma_wait3A_130 = tpu.memref_slice %arg3[%run_scoped3A_125, %dma_wait3A] : memref<2x10000xf32, #tpu.memory_space<hbm>> -> memref<1x10000xf32, #tpu.memory_space<hbm>>
        %dma_wait3A_131 = tpu.memref_squeeze %dma_wait3A_130 : memref<1x10000xf32, #tpu.memory_space<hbm>> -> memref<10000xf32, #tpu.memory_space<hbm>>
        tpu.wait_dma2 semaphore(%run_scoped3A_127 : memref<!tpu.dma_semaphore, #tpu.memory_space<semaphore_mem>>) src(%dma_wait3A_131 : memref<10000xf32, #tpu.memory_space<hbm>>) dst(%arg8 : memref<10000xf32, #tpu.memory_space<vmem_shared>>)
        tpu.yield
      }) : () -> ()
      %run_scoped3A_126 = arith.constant 1 : i32
      "tpu.region"() ({
        %run_scoped3A_127 = tpu.sem_alloc : memref<!tpu.dma_semaphore, #tpu.memory_space<semaphore_mem>>
        %dma_start3A = arith.constant 0 : i32
        %dma_start3A_128 = tpu.memref_slice %arg3[%run_scoped3A_126, %dma_start3A] : memref<2x10000xf32, #tpu.memory_space<hbm>> -> memref<1x10000xf32, #tpu.memory_space<hbm>>
        %dma_start3A_129 = tpu.memref_squeeze %dma_start3A_128 : memref<1x10000xf32, #tpu.memory_space<hbm>> -> memref<10000xf32, #tpu.memory_space<hbm>>
        tpu.enqueue_dma source(%dma_start3A_129 : memref<10000xf32, #tpu.memory_space<hbm>>) target(%arg9 : memref<10000xf32, #tpu.memory_space<vmem_shared>>) target_semaphore(%run_scoped3A_127 : memref<!tpu.dma_semaphore, #tpu.memory_space<semaphore_mem>>)
        %dma_wait3A = arith.constant 0 : i32
        %dma_wait3A_130 = tpu.memref_slice %arg3[%run_scoped3A_126, %dma_wait3A] : memref<2x10000xf32, #tpu.memory_space<hbm>> -> memref<1x10000xf32, #tpu.memory_space<hbm>>
        %dma_wait3A_131 = tpu.memref_squeeze %dma_wait3A_130 : memref<1x10000xf32, #tpu.memory_space<hbm>> -> memref<10000xf32, #tpu.memory_space<hbm>>
        tpu.wait_dma2 semaphore(%run_scoped3A_127 : memref<!tpu.dma_semaphore, #tpu.memory_space<semaphore_mem>>) src(%dma_wait3A_131 : memref<10000xf32, #tpu.memory_space<hbm>>) dst(%arg9 : memref<10000xf32, #tpu.memory_space<vmem_shared>>)
        tpu.yield
      }) : () -> ()
    } else {
    }
    %barrier3A = arith.constant 0 : index
    tpu.barrier barrier_id(%barrier3A)
    %scan3A = arith.constant 0 : i32
    %scan3A_108 = arith.constant 0 : i32
    %scan3A_109 = arith.constant 25 : i32
    %scan3A_110 = arith.addi %scan3A_108, %scan3A_109 : i32
    %scan3A_111 = arith.constant 1 : i32
    scf.for %scan3A_125 = %scan3A_108 to %scan3A_110 step %scan3A_111  : i32 {
      %mul3A_126 = arith.constant 400 : i32
      %mul3A_127 = arith.muli %scan3A_125, %mul3A_126 : i32
      %dma_start3A = tpu.memref_slice %arg6[%mul3A_127] : memref<10000xi32, #tpu.memory_space<vmem>> -> memref<400xi32, #tpu.memory_space<vmem>>
      %dma_start3A_128 = arith.constant 0 : i32
      %dma_start3A_129 = tpu.memref_slice %arg8[%dma_start3A_128] : memref<10000xf32, #tpu.memory_space<vmem_shared>> -> memref<10000xf32, #tpu.memory_space<vmem_shared>>
      tpu.enqueue_indirect_dma source(%arg7 : memref<400xf32, #tpu.memory_space<vmem>>) target(%dma_start3A_129 : memref<10000xf32, #tpu.memory_space<vmem_shared>>) offsets(%dma_start3A : memref<400xi32, #tpu.memory_space<vmem>>) semaphore(%arg10 : memref<!tpu.dma_semaphore, #tpu.memory_space<semaphore_mem>>) {add = true}
      %mul3A_130 = arith.constant 400 : i32
      %mul3A_131 = arith.muli %scan3A_125, %mul3A_130 : i32
      %dma_start3A_132 = tpu.memref_slice %arg5[%mul3A_131] : memref<10000xi32, #tpu.memory_space<vmem>> -> memref<400xi32, #tpu.memory_space<vmem>>
      %dma_start3A_133 = arith.constant 0 : i32
      %dma_start3A_134 = tpu.memref_slice %arg9[%dma_start3A_133] : memref<10000xf32, #tpu.memory_space<vmem_shared>> -> memref<10000xf32, #tpu.memory_space<vmem_shared>>
      tpu.enqueue_indirect_dma source(%arg7 : memref<400xf32, #tpu.memory_space<vmem>>) target(%dma_start3A_134 : memref<10000xf32, #tpu.memory_space<vmem_shared>>) offsets(%dma_start3A_132 : memref<400xi32, #tpu.memory_space<vmem>>) semaphore(%arg11 : memref<!tpu.dma_semaphore, #tpu.memory_space<semaphore_mem>>) {add = true}
    }
    %scan3A_112 = arith.constant 25 : i32
    %scan3A_113 = arith.constant 0 : i32
    %scan3A_114 = arith.constant 0 : i32
    %scan3A_115 = arith.constant 25 : i32
    %scan3A_116 = arith.addi %scan3A_114, %scan3A_115 : i32
    %scan3A_117 = arith.constant 1 : i32
    scf.for %scan3A_125 = %scan3A_114 to %scan3A_116 step %scan3A_117  : i32 {
      %mul3A_126 = arith.constant 400 : i32
      %mul3A_127 = arith.muli %scan3A_125, %mul3A_126 : i32
      %dma_wait3A = tpu.memref_slice %arg6[%mul3A_127] : memref<10000xi32, #tpu.memory_space<vmem>> -> memref<400xi32, #tpu.memory_space<vmem>>
      %dma_wait3A_128 = arith.constant 0 : i32
      %dma_wait3A_129 = tpu.memref_slice %arg8[%dma_wait3A_128] : memref<10000xf32, #tpu.memory_space<vmem_shared>> -> memref<10000xf32, #tpu.memory_space<vmem_shared>>
      tpu.wait_indirect_dma semaphore(%arg10 : memref<!tpu.dma_semaphore, #tpu.memory_space<semaphore_mem>>) src(%arg7 : memref<400xf32, #tpu.memory_space<vmem>>) dst(%dma_wait3A_129 : memref<10000xf32, #tpu.memory_space<vmem_shared>>)
      %mul3A_130 = arith.constant 400 : i32
      %mul3A_131 = arith.muli %scan3A_125, %mul3A_130 : i32
      %dma_wait3A_132 = tpu.memref_slice %arg5[%mul3A_131] : memref<10000xi32, #tpu.memory_space<vmem>> -> memref<400xi32, #tpu.memory_space<vmem>>
      %dma_wait3A_133 = arith.constant 0 : i32
      %dma_wait3A_134 = tpu.memref_slice %arg9[%dma_wait3A_133] : memref<10000xf32, #tpu.memory_space<vmem_shared>> -> memref<10000xf32, #tpu.memory_space<vmem_shared>>
      tpu.wait_indirect_dma semaphore(%arg11 : memref<!tpu.dma_semaphore, #tpu.memory_space<semaphore_mem>>) src(%arg7 : memref<400xf32, #tpu.memory_space<vmem>>) dst(%dma_wait3A_134 : memref<10000xf32, #tpu.memory_space<vmem_shared>>)
    }
    %scan3A_118 = arith.constant 25 : i32
    %barrier3A_119 = arith.constant 0 : index
    tpu.barrier barrier_id(%barrier3A_119)
    %eq3A_120 = arith.constant 0 : i32
    %eq3A_121 = arith.cmpi eq, %arg1, %eq3A_120 : i32
    %convert_element_type3A_122 = arith.extui %eq3A_121 : i1 to i32
    %cond3A_123 = arith.constant 0 : i32
    %cond3A_124 = arith.cmpi ne, %convert_element_type3A_122, %cond3A_123 : i32
    scf.if %cond3A_124 {
      %run_scoped3A_125 = arith.constant 0 : i32
      "tpu.region"() ({
        %run_scoped3A_127 = tpu.sem_alloc : memref<!tpu.dma_semaphore, #tpu.memory_space<semaphore_mem>>
        %dma_start3A = arith.constant 0 : i32
        %dma_start3A_128 = tpu.memref_slice %arg4[%arg0, %run_scoped3A_125, %dma_start3A] : memref<2x2x10000xf32, #tpu.memory_space<hbm>> -> memref<1x1x10000xf32, #tpu.memory_space<hbm>>
        %dma_start3A_129 = tpu.memref_squeeze %dma_start3A_128 : memref<1x1x10000xf32, #tpu.memory_space<hbm>> -> memref<10000xf32, #tpu.memory_space<hbm>>
        tpu.enqueue_dma source(%arg8 : memref<10000xf32, #tpu.memory_space<vmem_shared>>) target(%dma_start3A_129 : memref<10000xf32, #tpu.memory_space<hbm>>) target_semaphore(%run_scoped3A_127 : memref<!tpu.dma_semaphore, #tpu.memory_space<semaphore_mem>>)
        %dma_wait3A = arith.constant 0 : i32
        %dma_wait3A_130 = tpu.memref_slice %arg4[%arg0, %run_scoped3A_125, %dma_wait3A] : memref<2x2x10000xf32, #tpu.memory_space<hbm>> -> memref<1x1x10000xf32, #tpu.memory_space<hbm>>
        %dma_wait3A_131 = tpu.memref_squeeze %dma_wait3A_130 : memref<1x1x10000xf32, #tpu.memory_space<hbm>> -> memref<10000xf32, #tpu.memory_space<hbm>>
        tpu.wait_dma2 semaphore(%run_scoped3A_127 : memref<!tpu.dma_semaphore, #tpu.memory_space<semaphore_mem>>) src(%arg8 : memref<10000xf32, #tpu.memory_space<vmem_shared>>) dst(%dma_wait3A_131 : memref<10000xf32, #tpu.memory_space<hbm>>)
        tpu.yield
      }) : () -> ()
      %run_scoped3A_126 = arith.constant 1 : i32
      "tpu.region"() ({
        %run_scoped3A_127 = tpu.sem_alloc : memref<!tpu.dma_semaphore, #tpu.memory_space<semaphore_mem>>
        %dma_start3A = arith.constant 0 : i32
        %dma_start3A_128 = tpu.memref_slice %arg4[%arg0, %run_scoped3A_126, %dma_start3A] : memref<2x2x10000xf32, #tpu.memory_space<hbm>> -> memref<1x1x10000xf32, #tpu.memory_space<hbm>>
        %dma_start3A_129 = tpu.memref_squeeze %dma_start3A_128 : memref<1x1x10000xf32, #tpu.memory_space<hbm>> -> memref<10000xf32, #tpu.memory_space<hbm>>
        tpu.enqueue_dma source(%arg9 : memref<10000xf32, #tpu.memory_space<vmem_shared>>) target(%dma_start3A_129 : memref<10000xf32, #tpu.memory_space<hbm>>) target_semaphore(%run_scoped3A_127 : memref<!tpu.dma_semaphore, #tpu.memory_space<semaphore_mem>>)
        %dma_wait3A = arith.constant 0 : i32
        %dma_wait3A_130 = tpu.memref_slice %arg4[%arg0, %run_scoped3A_126, %dma_wait3A] : memref<2x2x10000xf32, #tpu.memory_space<hbm>> -> memref<1x1x10000xf32, #tpu.memory_space<hbm>>
        %dma_wait3A_131 = tpu.memref_squeeze %dma_wait3A_130 : memref<1x1x10000xf32, #tpu.memory_space<hbm>> -> memref<10000xf32, #tpu.memory_space<hbm>>
        tpu.wait_dma2 semaphore(%run_scoped3A_127 : memref<!tpu.dma_semaphore, #tpu.memory_space<semaphore_mem>>) src(%arg9 : memref<10000xf32, #tpu.memory_space<vmem_shared>>) dst(%dma_wait3A_131 : memref<10000xf32, #tpu.memory_space<hbm>>)
        tpu.yield
      }) : () -> ()
    } else {
    }
    return
  }
}

#map = affine_map<(d0, d1) -> (0, 0)>
#map1 = affine_map<(d0, d1) -> (0, 0, 0)>
module attributes {stable_mosaic.version = 14 : i64} {
  func.func @_edge_kernel(%arg0: i32, %arg1: i32, %arg2: memref<10000x32xf32, #tpu.memory_space<hbm>>, %arg3: memref<2x320000xi32, #tpu.memory_space<hbm>>, %arg4: memref<10000x32xf32, #tpu.memory_space<hbm>>, %arg5: memref<2x10000x32xf32, #tpu.memory_space<hbm>>, %arg6: memref<10000xi32, #tpu.memory_space<vmem>>, %arg7: memref<10000xi32, #tpu.memory_space<vmem>>, %arg8: memref<4x200x32xf32, #tpu.memory_space<vmem>>, %arg9: memref<10000x32xf32, #tpu.memory_space<vmem_shared>>, %arg10: memref<!tpu.dma_semaphore, #tpu.memory_space<semaphore_mem>>, %arg11: memref<!tpu.dma_semaphore, #tpu.memory_space<semaphore_mem>>, %arg12: memref<!tpu.dma_semaphore, #tpu.memory_space<semaphore_mem>>, %arg13: memref<!tpu.dma_semaphore, #tpu.memory_space<semaphore_mem>>) attributes {dimension_semantics = [#tpu.dimension_semantics<core_parallel>, #tpu.dimension_semantics<subcore_parallel>], iteration_bounds = array<i64: 2, 16>, scalar_prefetch = 0 : i64, scratch_operands = 8 : i64, tpu.core_type = #tpu.core_type<sc_vector_subcore>, window_params = [{transform_indices = #map}, {transform_indices = #map}, {transform_indices = #map}, {transform_indices = #map1}]} {
    %mul3A = arith.constant 16 : i32
    %mul3A_0 = arith.muli %arg0, %mul3A : i32
    %add3A = arith.addi %mul3A_0, %arg1 : i32
    %mul3A_1 = arith.constant 10000 : i32
    %mul3A_2 = arith.muli %add3A, %mul3A_1 : i32
    %run_scoped3A = arith.constant 0 : i32
    "tpu.region"() ({
      %run_scoped3A_258 = tpu.sem_alloc : memref<!tpu.dma_semaphore, #tpu.memory_space<semaphore_mem>>
      %dma_start3A_259 = tpu.memref_slice %arg3[%run_scoped3A, %mul3A_2] : memref<2x320000xi32, #tpu.memory_space<hbm>> -> memref<1x10000xi32, #tpu.memory_space<hbm>>
      %dma_start3A_260 = tpu.memref_squeeze %dma_start3A_259 : memref<1x10000xi32, #tpu.memory_space<hbm>> -> memref<10000xi32, #tpu.memory_space<hbm>>
      %dma_start3A_261 = tpu.memref_slice %arg3[%run_scoped3A, %mul3A_2] : memref<2x320000xi32, #tpu.memory_space<hbm>> -> memref<1x10000xi32, #tpu.memory_space<hbm>>
      %dma_start3A_262 = tpu.memref_squeeze %dma_start3A_261 : memref<1x10000xi32, #tpu.memory_space<hbm>> -> memref<10000xi32, #tpu.memory_space<hbm>>
      tpu.enqueue_dma source(%dma_start3A_262 : memref<10000xi32, #tpu.memory_space<hbm>>) target(%arg6 : memref<10000xi32, #tpu.memory_space<vmem>>) target_semaphore(%run_scoped3A_258 : memref<!tpu.dma_semaphore, #tpu.memory_space<semaphore_mem>>)
      %dma_wait3A_263 = tpu.memref_slice %arg3[%run_scoped3A, %mul3A_2] : memref<2x320000xi32, #tpu.memory_space<hbm>> -> memref<1x10000xi32, #tpu.memory_space<hbm>>
      %dma_wait3A_264 = tpu.memref_squeeze %dma_wait3A_263 : memref<1x10000xi32, #tpu.memory_space<hbm>> -> memref<10000xi32, #tpu.memory_space<hbm>>
      %dma_wait3A_265 = tpu.memref_slice %arg3[%run_scoped3A, %mul3A_2] : memref<2x320000xi32, #tpu.memory_space<hbm>> -> memref<1x10000xi32, #tpu.memory_space<hbm>>
      %dma_wait3A_266 = tpu.memref_squeeze %dma_wait3A_265 : memref<1x10000xi32, #tpu.memory_space<hbm>> -> memref<10000xi32, #tpu.memory_space<hbm>>
      tpu.wait_dma2 semaphore(%run_scoped3A_258 : memref<!tpu.dma_semaphore, #tpu.memory_space<semaphore_mem>>) src(%dma_wait3A_266 : memref<10000xi32, #tpu.memory_space<hbm>>) dst(%arg6 : memref<10000xi32, #tpu.memory_space<vmem>>)
      tpu.yield
    }) : () -> ()
    %mul3A_3 = arith.constant 10000 : i32
    %mul3A_4 = arith.muli %add3A, %mul3A_3 : i32
    %run_scoped3A_5 = arith.constant 1 : i32
    "tpu.region"() ({
      %run_scoped3A_258 = tpu.sem_alloc : memref<!tpu.dma_semaphore, #tpu.memory_space<semaphore_mem>>
      %dma_start3A_259 = tpu.memref_slice %arg3[%run_scoped3A_5, %mul3A_4] : memref<2x320000xi32, #tpu.memory_space<hbm>> -> memref<1x10000xi32, #tpu.memory_space<hbm>>
      %dma_start3A_260 = tpu.memref_squeeze %dma_start3A_259 : memref<1x10000xi32, #tpu.memory_space<hbm>> -> memref<10000xi32, #tpu.memory_space<hbm>>
      %dma_start3A_261 = tpu.memref_slice %arg3[%run_scoped3A_5, %mul3A_4] : memref<2x320000xi32, #tpu.memory_space<hbm>> -> memref<1x10000xi32, #tpu.memory_space<hbm>>
      %dma_start3A_262 = tpu.memref_squeeze %dma_start3A_261 : memref<1x10000xi32, #tpu.memory_space<hbm>> -> memref<10000xi32, #tpu.memory_space<hbm>>
      tpu.enqueue_dma source(%dma_start3A_262 : memref<10000xi32, #tpu.memory_space<hbm>>) target(%arg7 : memref<10000xi32, #tpu.memory_space<vmem>>) target_semaphore(%run_scoped3A_258 : memref<!tpu.dma_semaphore, #tpu.memory_space<semaphore_mem>>)
      %dma_wait3A_263 = tpu.memref_slice %arg3[%run_scoped3A_5, %mul3A_4] : memref<2x320000xi32, #tpu.memory_space<hbm>> -> memref<1x10000xi32, #tpu.memory_space<hbm>>
      %dma_wait3A_264 = tpu.memref_squeeze %dma_wait3A_263 : memref<1x10000xi32, #tpu.memory_space<hbm>> -> memref<10000xi32, #tpu.memory_space<hbm>>
      %dma_wait3A_265 = tpu.memref_slice %arg3[%run_scoped3A_5, %mul3A_4] : memref<2x320000xi32, #tpu.memory_space<hbm>> -> memref<1x10000xi32, #tpu.memory_space<hbm>>
      %dma_wait3A_266 = tpu.memref_squeeze %dma_wait3A_265 : memref<1x10000xi32, #tpu.memory_space<hbm>> -> memref<10000xi32, #tpu.memory_space<hbm>>
      tpu.wait_dma2 semaphore(%run_scoped3A_258 : memref<!tpu.dma_semaphore, #tpu.memory_space<semaphore_mem>>) src(%dma_wait3A_266 : memref<10000xi32, #tpu.memory_space<hbm>>) dst(%arg7 : memref<10000xi32, #tpu.memory_space<vmem>>)
      tpu.yield
    }) : () -> ()
    %mul3A_6 = arith.constant 625 : i32
    %mul3A_7 = arith.muli %arg1, %mul3A_6 : i32
    %mul3A_8 = arith.constant 625 : i32
    %mul3A_9 = arith.muli %arg1, %mul3A_8 : i32
    "tpu.region"() ({
      %run_scoped3A_258 = tpu.sem_alloc : memref<!tpu.dma_semaphore, #tpu.memory_space<semaphore_mem>>
      %dma_start3A_259 = arith.constant 0 : i32
      %dma_start3A_260 = tpu.memref_slice %arg9[%mul3A_9, %dma_start3A_259] : memref<10000x32xf32, #tpu.memory_space<vmem_shared>> -> memref<625x32xf32, #tpu.memory_space<vmem_shared>>
      %dma_start3A_261 = arith.constant 0 : i32
      %dma_start3A_262 = tpu.memref_slice %arg4[%mul3A_7, %dma_start3A_261] : memref<10000x32xf32, #tpu.memory_space<hbm>> -> memref<625x32xf32, #tpu.memory_space<hbm>>
      tpu.enqueue_dma source(%dma_start3A_262 : memref<625x32xf32, #tpu.memory_space<hbm>>) target(%dma_start3A_260 : memref<625x32xf32, #tpu.memory_space<vmem_shared>>) target_semaphore(%run_scoped3A_258 : memref<!tpu.dma_semaphore, #tpu.memory_space<semaphore_mem>>)
      %dma_wait3A_263 = arith.constant 0 : i32
      %dma_wait3A_264 = tpu.memref_slice %arg9[%mul3A_9, %dma_wait3A_263] : memref<10000x32xf32, #tpu.memory_space<vmem_shared>> -> memref<625x32xf32, #tpu.memory_space<vmem_shared>>
      %dma_wait3A_265 = arith.constant 0 : i32
      %dma_wait3A_266 = tpu.memref_slice %arg4[%mul3A_7, %dma_wait3A_265] : memref<10000x32xf32, #tpu.memory_space<hbm>> -> memref<625x32xf32, #tpu.memory_space<hbm>>
      tpu.wait_dma2 semaphore(%run_scoped3A_258 : memref<!tpu.dma_semaphore, #tpu.memory_space<semaphore_mem>>) src(%dma_wait3A_266 : memref<625x32xf32, #tpu.memory_space<hbm>>) dst(%dma_wait3A_264 : memref<625x32xf32, #tpu.memory_space<vmem_shared>>)
      tpu.yield
    }) : () -> ()
    %barrier3A = arith.constant 0 : index
    tpu.barrier barrier_id(%barrier3A)
    %dma_start3A = arith.constant 0 : i32
    %dma_start3A_10 = arith.constant 0 : i32
    %dma_start3A_11 = arith.constant 0 : i32
    %dma_start3A_12 = tpu.memref_slice %arg8[%dma_start3A, %dma_start3A_10, %dma_start3A_11] : memref<4x200x32xf32, #tpu.memory_space<vmem>> -> memref<1x200x32xf32, #tpu.memory_space<vmem>>
    %dma_start3A_13 = tpu.memref_squeeze %dma_start3A_12 : memref<1x200x32xf32, #tpu.memory_space<vmem>> -> memref<200x32xf32, #tpu.memory_space<vmem>>
    %dma_start3A_14 = arith.constant 0 : i32
    %dma_start3A_15 = tpu.memref_slice %arg6[%dma_start3A_14] : memref<10000xi32, #tpu.memory_space<vmem>> -> memref<200xi32, #tpu.memory_space<vmem>>
    %dma_start3A_16 = arith.constant 0 : i32
    %dma_start3A_17 = arith.constant 0 : i32
    %dma_start3A_18 = tpu.memref_slice %arg2[%dma_start3A_16, %dma_start3A_17] : memref<10000x32xf32, #tpu.memory_space<hbm>> -> memref<10000x32xf32, #tpu.memory_space<hbm>>
    tpu.enqueue_indirect_dma source(%dma_start3A_18 : memref<10000x32xf32, #tpu.memory_space<hbm>>) target(%dma_start3A_13 : memref<200x32xf32, #tpu.memory_space<vmem>>) offsets(%dma_start3A_15 : memref<200xi32, #tpu.memory_space<vmem>>) semaphore(%arg10 : memref<!tpu.dma_semaphore, #tpu.memory_space<semaphore_mem>>)
    %dma_start3A_19 = arith.constant 1 : i32
    %dma_start3A_20 = arith.constant 0 : i32
    %dma_start3A_21 = arith.constant 0 : i32
    %dma_start3A_22 = tpu.memref_slice %arg8[%dma_start3A_19, %dma_start3A_20, %dma_start3A_21] : memref<4x200x32xf32, #tpu.memory_space<vmem>> -> memref<1x200x32xf32, #tpu.memory_space<vmem>>
    %dma_start3A_23 = tpu.memref_squeeze %dma_start3A_22 : memref<1x200x32xf32, #tpu.memory_space<vmem>> -> memref<200x32xf32, #tpu.memory_space<vmem>>
    %dma_start3A_24 = arith.constant 200 : i32
    %dma_start3A_25 = tpu.memref_slice %arg6[%dma_start3A_24] : memref<10000xi32, #tpu.memory_space<vmem>> -> memref<200xi32, #tpu.memory_space<vmem>>
    %dma_start3A_26 = arith.constant 0 : i32
    %dma_start3A_27 = arith.constant 0 : i32
    %dma_start3A_28 = tpu.memref_slice %arg2[%dma_start3A_26, %dma_start3A_27] : memref<10000x32xf32, #tpu.memory_space<hbm>> -> memref<10000x32xf32, #tpu.memory_space<hbm>>
    tpu.enqueue_indirect_dma source(%dma_start3A_28 : memref<10000x32xf32, #tpu.memory_space<hbm>>) target(%dma_start3A_23 : memref<200x32xf32, #tpu.memory_space<vmem>>) offsets(%dma_start3A_25 : memref<200xi32, #tpu.memory_space<vmem>>) semaphore(%arg11 : memref<!tpu.dma_semaphore, #tpu.memory_space<semaphore_mem>>)
    %dma_start3A_29 = arith.constant 2 : i32
    %dma_start3A_30 = arith.constant 0 : i32
    %dma_start3A_31 = arith.constant 0 : i32
    %dma_start3A_32 = tpu.memref_slice %arg8[%dma_start3A_29, %dma_start3A_30, %dma_start3A_31] : memref<4x200x32xf32, #tpu.memory_space<vmem>> -> memref<1x200x32xf32, #tpu.memory_space<vmem>>
    %dma_start3A_33 = tpu.memref_squeeze %dma_start3A_32 : memref<1x200x32xf32, #tpu.memory_space<vmem>> -> memref<200x32xf32, #tpu.memory_space<vmem>>
    %dma_start3A_34 = arith.constant 400 : i32
    %dma_start3A_35 = tpu.memref_slice %arg6[%dma_start3A_34] : memref<10000xi32, #tpu.memory_space<vmem>> -> memref<200xi32, #tpu.memory_space<vmem>>
    %dma_start3A_36 = arith.constant 0 : i32
    %dma_start3A_37 = arith.constant 0 : i32
    %dma_start3A_38 = tpu.memref_slice %arg2[%dma_start3A_36, %dma_start3A_37] : memref<10000x32xf32, #tpu.memory_space<hbm>> -> memref<10000x32xf32, #tpu.memory_space<hbm>>
    tpu.enqueue_indirect_dma source(%dma_start3A_38 : memref<10000x32xf32, #tpu.memory_space<hbm>>) target(%dma_start3A_33 : memref<200x32xf32, #tpu.memory_space<vmem>>) offsets(%dma_start3A_35 : memref<200xi32, #tpu.memory_space<vmem>>) semaphore(%arg12 : memref<!tpu.dma_semaphore, #tpu.memory_space<semaphore_mem>>)
    %dma_start3A_39 = arith.constant 3 : i32
    %dma_start3A_40 = arith.constant 0 : i32
    %dma_start3A_41 = arith.constant 0 : i32
    %dma_start3A_42 = tpu.memref_slice %arg8[%dma_start3A_39, %dma_start3A_40, %dma_start3A_41] : memref<4x200x32xf32, #tpu.memory_space<vmem>> -> memref<1x200x32xf32, #tpu.memory_space<vmem>>
    %dma_start3A_43 = tpu.memref_squeeze %dma_start3A_42 : memref<1x200x32xf32, #tpu.memory_space<vmem>> -> memref<200x32xf32, #tpu.memory_space<vmem>>
    %dma_start3A_44 = arith.constant 600 : i32
    %dma_start3A_45 = tpu.memref_slice %arg6[%dma_start3A_44] : memref<10000xi32, #tpu.memory_space<vmem>> -> memref<200xi32, #tpu.memory_space<vmem>>
    %dma_start3A_46 = arith.constant 0 : i32
    %dma_start3A_47 = arith.constant 0 : i32
    %dma_start3A_48 = tpu.memref_slice %arg2[%dma_start3A_46, %dma_start3A_47] : memref<10000x32xf32, #tpu.memory_space<hbm>> -> memref<10000x32xf32, #tpu.memory_space<hbm>>
    tpu.enqueue_indirect_dma source(%dma_start3A_48 : memref<10000x32xf32, #tpu.memory_space<hbm>>) target(%dma_start3A_43 : memref<200x32xf32, #tpu.memory_space<vmem>>) offsets(%dma_start3A_45 : memref<200xi32, #tpu.memory_space<vmem>>) semaphore(%arg13 : memref<!tpu.dma_semaphore, #tpu.memory_space<semaphore_mem>>)
    %dma_wait3A = arith.constant 0 : i32
    %dma_wait3A_49 = arith.constant 0 : i32
    %dma_wait3A_50 = arith.constant 0 : i32
    %dma_wait3A_51 = tpu.memref_slice %arg8[%dma_wait3A, %dma_wait3A_49, %dma_wait3A_50] : memref<4x200x32xf32, #tpu.memory_space<vmem>> -> memref<1x200x32xf32, #tpu.memory_space<vmem>>
    %dma_wait3A_52 = tpu.memref_squeeze %dma_wait3A_51 : memref<1x200x32xf32, #tpu.memory_space<vmem>> -> memref<200x32xf32, #tpu.memory_space<vmem>>
    %dma_wait3A_53 = arith.constant 0 : i32
    %dma_wait3A_54 = tpu.memref_slice %arg6[%dma_wait3A_53] : memref<10000xi32, #tpu.memory_space<vmem>> -> memref<200xi32, #tpu.memory_space<vmem>>
    %dma_wait3A_55 = arith.constant 0 : i32
    %dma_wait3A_56 = arith.constant 0 : i32
    %dma_wait3A_57 = tpu.memref_slice %arg2[%dma_wait3A_55, %dma_wait3A_56] : memref<10000x32xf32, #tpu.memory_space<hbm>> -> memref<10000x32xf32, #tpu.memory_space<hbm>>
    tpu.wait_indirect_dma semaphore(%arg10 : memref<!tpu.dma_semaphore, #tpu.memory_space<semaphore_mem>>) src(%dma_wait3A_57 : memref<10000x32xf32, #tpu.memory_space<hbm>>) dst(%dma_wait3A_52 : memref<200x32xf32, #tpu.memory_space<vmem>>)
    %dma_start3A_58 = arith.constant 0 : i32
    %dma_start3A_59 = arith.constant 0 : i32
    %dma_start3A_60 = arith.constant 0 : i32
    %dma_start3A_61 = tpu.memref_slice %arg8[%dma_start3A_58, %dma_start3A_59, %dma_start3A_60] : memref<4x200x32xf32, #tpu.memory_space<vmem>> -> memref<1x200x32xf32, #tpu.memory_space<vmem>>
    %dma_start3A_62 = tpu.memref_squeeze %dma_start3A_61 : memref<1x200x32xf32, #tpu.memory_space<vmem>> -> memref<200x32xf32, #tpu.memory_space<vmem>>
    %dma_start3A_63 = arith.constant 0 : i32
    %dma_start3A_64 = tpu.memref_slice %arg7[%dma_start3A_63] : memref<10000xi32, #tpu.memory_space<vmem>> -> memref<200xi32, #tpu.memory_space<vmem>>
    %dma_start3A_65 = arith.constant 0 : i32
    %dma_start3A_66 = arith.constant 0 : i32
    %dma_start3A_67 = tpu.memref_slice %arg9[%dma_start3A_65, %dma_start3A_66] : memref<10000x32xf32, #tpu.memory_space<vmem_shared>> -> memref<10000x32xf32, #tpu.memory_space<vmem_shared>>
    tpu.enqueue_indirect_dma source(%dma_start3A_62 : memref<200x32xf32, #tpu.memory_space<vmem>>) target(%dma_start3A_67 : memref<10000x32xf32, #tpu.memory_space<vmem_shared>>) offsets(%dma_start3A_64 : memref<200xi32, #tpu.memory_space<vmem>>) semaphore(%arg10 : memref<!tpu.dma_semaphore, #tpu.memory_space<semaphore_mem>>) {add = true}
    %dma_wait3A_68 = arith.constant 1 : i32
    %dma_wait3A_69 = arith.constant 0 : i32
    %dma_wait3A_70 = arith.constant 0 : i32
    %dma_wait3A_71 = tpu.memref_slice %arg8[%dma_wait3A_68, %dma_wait3A_69, %dma_wait3A_70] : memref<4x200x32xf32, #tpu.memory_space<vmem>> -> memref<1x200x32xf32, #tpu.memory_space<vmem>>
    %dma_wait3A_72 = tpu.memref_squeeze %dma_wait3A_71 : memref<1x200x32xf32, #tpu.memory_space<vmem>> -> memref<200x32xf32, #tpu.memory_space<vmem>>
    %dma_wait3A_73 = arith.constant 200 : i32
    %dma_wait3A_74 = tpu.memref_slice %arg6[%dma_wait3A_73] : memref<10000xi32, #tpu.memory_space<vmem>> -> memref<200xi32, #tpu.memory_space<vmem>>
    %dma_wait3A_75 = arith.constant 0 : i32
    %dma_wait3A_76 = arith.constant 0 : i32
    %dma_wait3A_77 = tpu.memref_slice %arg2[%dma_wait3A_75, %dma_wait3A_76] : memref<10000x32xf32, #tpu.memory_space<hbm>> -> memref<10000x32xf32, #tpu.memory_space<hbm>>
    tpu.wait_indirect_dma semaphore(%arg11 : memref<!tpu.dma_semaphore, #tpu.memory_space<semaphore_mem>>) src(%dma_wait3A_77 : memref<10000x32xf32, #tpu.memory_space<hbm>>) dst(%dma_wait3A_72 : memref<200x32xf32, #tpu.memory_space<vmem>>)
    %dma_start3A_78 = arith.constant 1 : i32
    %dma_start3A_79 = arith.constant 0 : i32
    %dma_start3A_80 = arith.constant 0 : i32
    %dma_start3A_81 = tpu.memref_slice %arg8[%dma_start3A_78, %dma_start3A_79, %dma_start3A_80] : memref<4x200x32xf32, #tpu.memory_space<vmem>> -> memref<1x200x32xf32, #tpu.memory_space<vmem>>
    %dma_start3A_82 = tpu.memref_squeeze %dma_start3A_81 : memref<1x200x32xf32, #tpu.memory_space<vmem>> -> memref<200x32xf32, #tpu.memory_space<vmem>>
    %dma_start3A_83 = arith.constant 200 : i32
    %dma_start3A_84 = tpu.memref_slice %arg7[%dma_start3A_83] : memref<10000xi32, #tpu.memory_space<vmem>> -> memref<200xi32, #tpu.memory_space<vmem>>
    %dma_start3A_85 = arith.constant 0 : i32
    %dma_start3A_86 = arith.constant 0 : i32
    %dma_start3A_87 = tpu.memref_slice %arg9[%dma_start3A_85, %dma_start3A_86] : memref<10000x32xf32, #tpu.memory_space<vmem_shared>> -> memref<10000x32xf32, #tpu.memory_space<vmem_shared>>
    tpu.enqueue_indirect_dma source(%dma_start3A_82 : memref<200x32xf32, #tpu.memory_space<vmem>>) target(%dma_start3A_87 : memref<10000x32xf32, #tpu.memory_space<vmem_shared>>) offsets(%dma_start3A_84 : memref<200xi32, #tpu.memory_space<vmem>>) semaphore(%arg11 : memref<!tpu.dma_semaphore, #tpu.memory_space<semaphore_mem>>) {add = true}
    %scan3A = arith.constant 0 : i32
    %scan3A_88 = arith.constant 0 : i32
    %scan3A_89 = arith.constant 11 : i32
    %scan3A_90 = arith.addi %scan3A_88, %scan3A_89 : i32
    %scan3A_91 = arith.constant 1 : i32
    scf.for %scan3A_258 = %scan3A_88 to %scan3A_90 step %scan3A_91  : i32 {
      %mul3A_259 = arith.constant 4 : i32
      %mul3A_260 = arith.muli %mul3A_259, %scan3A_258 : i32
      %add3A_261 = arith.constant 2 : i32
      %add3A_262 = arith.addi %mul3A_260, %add3A_261 : i32
      %add3A_263 = arith.constant 0 : i32
      %add3A_264 = arith.addi %add3A_262, %add3A_263 : i32
      %sub3A = arith.constant 2 : i32
      %sub3A_265 = arith.subi %add3A_264, %sub3A : i32
      %mul3A_266 = arith.constant 200 : i32
      %mul3A_267 = arith.muli %sub3A_265, %mul3A_266 : i32
      %dma_wait3A_268 = arith.constant 0 : i32
      %dma_wait3A_269 = arith.constant 0 : i32
      %dma_wait3A_270 = arith.constant 0 : i32
      %dma_wait3A_271 = tpu.memref_slice %arg8[%dma_wait3A_268, %dma_wait3A_269, %dma_wait3A_270] : memref<4x200x32xf32, #tpu.memory_space<vmem>> -> memref<1x200x32xf32, #tpu.memory_space<vmem>>
      %dma_wait3A_272 = tpu.memref_squeeze %dma_wait3A_271 : memref<1x200x32xf32, #tpu.memory_space<vmem>> -> memref<200x32xf32, #tpu.memory_space<vmem>>
      %dma_wait3A_273 = tpu.memref_slice %arg7[%mul3A_267] : memref<10000xi32, #tpu.memory_space<vmem>> -> memref<200xi32, #tpu.memory_space<vmem>>
      %dma_wait3A_274 = arith.constant 0 : i32
      %dma_wait3A_275 = arith.constant 0 : i32
      %dma_wait3A_276 = tpu.memref_slice %arg9[%dma_wait3A_274, %dma_wait3A_275] : memref<10000x32xf32, #tpu.memory_space<vmem_shared>> -> memref<10000x32xf32, #tpu.memory_space<vmem_shared>>
      tpu.wait_indirect_dma semaphore(%arg10 : memref<!tpu.dma_semaphore, #tpu.memory_space<semaphore_mem>>) src(%dma_wait3A_272 : memref<200x32xf32, #tpu.memory_space<vmem>>) dst(%dma_wait3A_276 : memref<10000x32xf32, #tpu.memory_space<vmem_shared>>)
      %add3A_277 = arith.constant 2 : i32
      %add3A_278 = arith.addi %add3A_264, %add3A_277 : i32
      %mul3A_279 = arith.constant 200 : i32
      %mul3A_280 = arith.muli %add3A_278, %mul3A_279 : i32
      %dma_start3A_281 = arith.constant 0 : i32
      %dma_start3A_282 = arith.constant 0 : i32
      %dma_start3A_283 = arith.constant 0 : i32
      %dma_start3A_284 = tpu.memref_slice %arg8[%dma_start3A_281, %dma_start3A_282, %dma_start3A_283] : memref<4x200x32xf32, #tpu.memory_space<vmem>> -> memref<1x200x32xf32, #tpu.memory_space<vmem>>
      %dma_start3A_285 = tpu.memref_squeeze %dma_start3A_284 : memref<1x200x32xf32, #tpu.memory_space<vmem>> -> memref<200x32xf32, #tpu.memory_space<vmem>>
      %dma_start3A_286 = tpu.memref_slice %arg6[%mul3A_280] : memref<10000xi32, #tpu.memory_space<vmem>> -> memref<200xi32, #tpu.memory_space<vmem>>
      %dma_start3A_287 = arith.constant 0 : i32
      %dma_start3A_288 = arith.constant 0 : i32
      %dma_start3A_289 = tpu.memref_slice %arg2[%dma_start3A_287, %dma_start3A_288] : memref<10000x32xf32, #tpu.memory_space<hbm>> -> memref<10000x32xf32, #tpu.memory_space<hbm>>
      tpu.enqueue_indirect_dma source(%dma_start3A_289 : memref<10000x32xf32, #tpu.memory_space<hbm>>) target(%dma_start3A_285 : memref<200x32xf32, #tpu.memory_space<vmem>>) offsets(%dma_start3A_286 : memref<200xi32, #tpu.memory_space<vmem>>) semaphore(%arg10 : memref<!tpu.dma_semaphore, #tpu.memory_space<semaphore_mem>>)
      %mul3A_290 = arith.constant 200 : i32
      %mul3A_291 = arith.muli %add3A_264, %mul3A_290 : i32
      %dma_wait3A_292 = arith.constant 2 : i32
      %dma_wait3A_293 = arith.constant 0 : i32
      %dma_wait3A_294 = arith.constant 0 : i32
      %dma_wait3A_295 = tpu.memref_slice %arg8[%dma_wait3A_292, %dma_wait3A_293, %dma_wait3A_294] : memref<4x200x32xf32, #tpu.memory_space<vmem>> -> memref<1x200x32xf32, #tpu.memory_space<vmem>>
      %dma_wait3A_296 = tpu.memref_squeeze %dma_wait3A_295 : memref<1x200x32xf32, #tpu.memory_space<vmem>> -> memref<200x32xf32, #tpu.memory_space<vmem>>
      %dma_wait3A_297 = tpu.memref_slice %arg6[%mul3A_291] : memref<10000xi32, #tpu.memory_space<vmem>> -> memref<200xi32, #tpu.memory_space<vmem>>
      %dma_wait3A_298 = arith.constant 0 : i32
      %dma_wait3A_299 = arith.constant 0 : i32
      %dma_wait3A_300 = tpu.memref_slice %arg2[%dma_wait3A_298, %dma_wait3A_299] : memref<10000x32xf32, #tpu.memory_space<hbm>> -> memref<10000x32xf32, #tpu.memory_space<hbm>>
      tpu.wait_indirect_dma semaphore(%arg12 : memref<!tpu.dma_semaphore, #tpu.memory_space<semaphore_mem>>) src(%dma_wait3A_300 : memref<10000x32xf32, #tpu.memory_space<hbm>>) dst(%dma_wait3A_296 : memref<200x32xf32, #tpu.memory_space<vmem>>)
      %mul3A_301 = arith.constant 200 : i32
      %mul3A_302 = arith.muli %add3A_264, %mul3A_301 : i32
      %dma_start3A_303 = arith.constant 2 : i32
      %dma_start3A_304 = arith.constant 0 : i32
      %dma_start3A_305 = arith.constant 0 : i32
      %dma_start3A_306 = tpu.memref_slice %arg8[%dma_start3A_303, %dma_start3A_304, %dma_start3A_305] : memref<4x200x32xf32, #tpu.memory_space<vmem>> -> memref<1x200x32xf32, #tpu.memory_space<vmem>>
      %dma_start3A_307 = tpu.memref_squeeze %dma_start3A_306 : memref<1x200x32xf32, #tpu.memory_space<vmem>> -> memref<200x32xf32, #tpu.memory_space<vmem>>
      %dma_start3A_308 = tpu.memref_slice %arg7[%mul3A_302] : memref<10000xi32, #tpu.memory_space<vmem>> -> memref<200xi32, #tpu.memory_space<vmem>>
      %dma_start3A_309 = arith.constant 0 : i32
      %dma_start3A_310 = arith.constant 0 : i32
      %dma_start3A_311 = tpu.memref_slice %arg9[%dma_start3A_309, %dma_start3A_310] : memref<10000x32xf32, #tpu.memory_space<vmem_shared>> -> memref<10000x32xf32, #tpu.memory_space<vmem_shared>>
      tpu.enqueue_indirect_dma source(%dma_start3A_307 : memref<200x32xf32, #tpu.memory_space<vmem>>) target(%dma_start3A_311 : memref<10000x32xf32, #tpu.memory_space<vmem_shared>>) offsets(%dma_start3A_308 : memref<200xi32, #tpu.memory_space<vmem>>) semaphore(%arg12 : memref<!tpu.dma_semaphore, #tpu.memory_space<semaphore_mem>>) {add = true}
      %mul3A_312 = arith.constant 4 : i32
      %mul3A_313 = arith.muli %mul3A_312, %scan3A_258 : i32
      %add3A_314 = arith.constant 2 : i32
      %add3A_315 = arith.addi %mul3A_313, %add3A_314 : i32
      %add3A_316 = arith.constant 1 : i32
      %add3A_317 = arith.addi %add3A_315, %add3A_316 : i32
      %sub3A_318 = arith.constant 2 : i32
      %sub3A_319 = arith.subi %add3A_317, %sub3A_318 : i32
      %mul3A_320 = arith.constant 200 : i32
      %mul3A_321 = arith.muli %sub3A_319, %mul3A_320 : i32
      %dma_wait3A_322 = arith.constant 1 : i32
      %dma_wait3A_323 = arith.constant 0 : i32
      %dma_wait3A_324 = arith.constant 0 : i32
      %dma_wait3A_325 = tpu.memref_slice %arg8[%dma_wait3A_322, %dma_wait3A_323, %dma_wait3A_324] : memref<4x200x32xf32, #tpu.memory_space<vmem>> -> memref<1x200x32xf32, #tpu.memory_space<vmem>>
      %dma_wait3A_326 = tpu.memref_squeeze %dma_wait3A_325 : memref<1x200x32xf32, #tpu.memory_space<vmem>> -> memref<200x32xf32, #tpu.memory_space<vmem>>
      %dma_wait3A_327 = tpu.memref_slice %arg7[%mul3A_321] : memref<10000xi32, #tpu.memory_space<vmem>> -> memref<200xi32, #tpu.memory_space<vmem>>
      %dma_wait3A_328 = arith.constant 0 : i32
      %dma_wait3A_329 = arith.constant 0 : i32
      %dma_wait3A_330 = tpu.memref_slice %arg9[%dma_wait3A_328, %dma_wait3A_329] : memref<10000x32xf32, #tpu.memory_space<vmem_shared>> -> memref<10000x32xf32, #tpu.memory_space<vmem_shared>>
      tpu.wait_indirect_dma semaphore(%arg11 : memref<!tpu.dma_semaphore, #tpu.memory_space<semaphore_mem>>) src(%dma_wait3A_326 : memref<200x32xf32, #tpu.memory_space<vmem>>) dst(%dma_wait3A_330 : memref<10000x32xf32, #tpu.memory_space<vmem_shared>>)
      %add3A_331 = arith.constant 2 : i32
      %add3A_332 = arith.addi %add3A_317, %add3A_331 : i32
      %mul3A_333 = arith.constant 200 : i32
      %mul3A_334 = arith.muli %add3A_332, %mul3A_333 : i32
      %dma_start3A_335 = arith.constant 1 : i32
      %dma_start3A_336 = arith.constant 0 : i32
      %dma_start3A_337 = arith.constant 0 : i32
      %dma_start3A_338 = tpu.memref_slice %arg8[%dma_start3A_335, %dma_start3A_336, %dma_start3A_337] : memref<4x200x32xf32, #tpu.memory_space<vmem>> -> memref<1x200x32xf32, #tpu.memory_space<vmem>>
      %dma_start3A_339 = tpu.memref_squeeze %dma_start3A_338 : memref<1x200x32xf32, #tpu.memory_space<vmem>> -> memref<200x32xf32, #tpu.memory_space<vmem>>
      %dma_start3A_340 = tpu.memref_slice %arg6[%mul3A_334] : memref<10000xi32, #tpu.memory_space<vmem>> -> memref<200xi32, #tpu.memory_space<vmem>>
      %dma_start3A_341 = arith.constant 0 : i32
      %dma_start3A_342 = arith.constant 0 : i32
      %dma_start3A_343 = tpu.memref_slice %arg2[%dma_start3A_341, %dma_start3A_342] : memref<10000x32xf32, #tpu.memory_space<hbm>> -> memref<10000x32xf32, #tpu.memory_space<hbm>>
      tpu.enqueue_indirect_dma source(%dma_start3A_343 : memref<10000x32xf32, #tpu.memory_space<hbm>>) target(%dma_start3A_339 : memref<200x32xf32, #tpu.memory_space<vmem>>) offsets(%dma_start3A_340 : memref<200xi32, #tpu.memory_space<vmem>>) semaphore(%arg11 : memref<!tpu.dma_semaphore, #tpu.memory_space<semaphore_mem>>)
      %mul3A_344 = arith.constant 200 : i32
      %mul3A_345 = arith.muli %add3A_317, %mul3A_344 : i32
      %dma_wait3A_346 = arith.constant 3 : i32
      %dma_wait3A_347 = arith.constant 0 : i32
      %dma_wait3A_348 = arith.constant 0 : i32
      %dma_wait3A_349 = tpu.memref_slice %arg8[%dma_wait3A_346, %dma_wait3A_347, %dma_wait3A_348] : memref<4x200x32xf32, #tpu.memory_space<vmem>> -> memref<1x200x32xf32, #tpu.memory_space<vmem>>
      %dma_wait3A_350 = tpu.memref_squeeze %dma_wait3A_349 : memref<1x200x32xf32, #tpu.memory_space<vmem>> -> memref<200x32xf32, #tpu.memory_space<vmem>>
      %dma_wait3A_351 = tpu.memref_slice %arg6[%mul3A_345] : memref<10000xi32, #tpu.memory_space<vmem>> -> memref<200xi32, #tpu.memory_space<vmem>>
      %dma_wait3A_352 = arith.constant 0 : i32
      %dma_wait3A_353 = arith.constant 0 : i32
      %dma_wait3A_354 = tpu.memref_slice %arg2[%dma_wait3A_352, %dma_wait3A_353] : memref<10000x32xf32, #tpu.memory_space<hbm>> -> memref<10000x32xf32, #tpu.memory_space<hbm>>
      tpu.wait_indirect_dma semaphore(%arg13 : memref<!tpu.dma_semaphore, #tpu.memory_space<semaphore_mem>>) src(%dma_wait3A_354 : memref<10000x32xf32, #tpu.memory_space<hbm>>) dst(%dma_wait3A_350 : memref<200x32xf32, #tpu.memory_space<vmem>>)
      %mul3A_355 = arith.constant 200 : i32
      %mul3A_356 = arith.muli %add3A_317, %mul3A_355 : i32
      %dma_start3A_357 = arith.constant 3 : i32
      %dma_start3A_358 = arith.constant 0 : i32
      %dma_start3A_359 = arith.constant 0 : i32
      %dma_start3A_360 = tpu.memref_slice %arg8[%dma_start3A_357, %dma_start3A_358, %dma_start3A_359] : memref<4x200x32xf32, #tpu.memory_space<vmem>> -> memref<1x200x32xf32, #tpu.memory_space<vmem>>
      %dma_start3A_361 = tpu.memref_squeeze %dma_start3A_360 : memref<1x200x32xf32, #tpu.memory_space<vmem>> -> memref<200x32xf32, #tpu.memory_space<vmem>>
      %dma_start3A_362 = tpu.memref_slice %arg7[%mul3A_356] : memref<10000xi32, #tpu.memory_space<vmem>> -> memref<200xi32, #tpu.memory_space<vmem>>
      %dma_start3A_363 = arith.constant 0 : i32
      %dma_start3A_364 = arith.constant 0 : i32
      %dma_start3A_365 = tpu.memref_slice %arg9[%dma_start3A_363, %dma_start3A_364] : memref<10000x32xf32, #tpu.memory_space<vmem_shared>> -> memref<10000x32xf32, #tpu.memory_space<vmem_shared>>
      tpu.enqueue_indirect_dma source(%dma_start3A_361 : memref<200x32xf32, #tpu.memory_space<vmem>>) target(%dma_start3A_365 : memref<10000x32xf32, #tpu.memory_space<vmem_shared>>) offsets(%dma_start3A_362 : memref<200xi32, #tpu.memory_space<vmem>>) semaphore(%arg13 : memref<!tpu.dma_semaphore, #tpu.memory_space<semaphore_mem>>) {add = true}
      %mul3A_366 = arith.constant 4 : i32
      %mul3A_367 = arith.muli %mul3A_366, %scan3A_258 : i32
      %add3A_368 = arith.constant 2 : i32
      %add3A_369 = arith.addi %mul3A_367, %add3A_368 : i32
      %add3A_370 = arith.constant 2 : i32
      %add3A_371 = arith.addi %add3A_369, %add3A_370 : i32
      %sub3A_372 = arith.constant 2 : i32
      %sub3A_373 = arith.subi %add3A_371, %sub3A_372 : i32
      %mul3A_374 = arith.constant 200 : i32
      %mul3A_375 = arith.muli %sub3A_373, %mul3A_374 : i32
      %dma_wait3A_376 = arith.constant 2 : i32
      %dma_wait3A_377 = arith.constant 0 : i32
      %dma_wait3A_378 = arith.constant 0 : i32
      %dma_wait3A_379 = tpu.memref_slice %arg8[%dma_wait3A_376, %dma_wait3A_377, %dma_wait3A_378] : memref<4x200x32xf32, #tpu.memory_space<vmem>> -> memref<1x200x32xf32, #tpu.memory_space<vmem>>
      %dma_wait3A_380 = tpu.memref_squeeze %dma_wait3A_379 : memref<1x200x32xf32, #tpu.memory_space<vmem>> -> memref<200x32xf32, #tpu.memory_space<vmem>>
      %dma_wait3A_381 = tpu.memref_slice %arg7[%mul3A_375] : memref<10000xi32, #tpu.memory_space<vmem>> -> memref<200xi32, #tpu.memory_space<vmem>>
      %dma_wait3A_382 = arith.constant 0 : i32
      %dma_wait3A_383 = arith.constant 0 : i32
      %dma_wait3A_384 = tpu.memref_slice %arg9[%dma_wait3A_382, %dma_wait3A_383] : memref<10000x32xf32, #tpu.memory_space<vmem_shared>> -> memref<10000x32xf32, #tpu.memory_space<vmem_shared>>
      tpu.wait_indirect_dma semaphore(%arg12 : memref<!tpu.dma_semaphore, #tpu.memory_space<semaphore_mem>>) src(%dma_wait3A_380 : memref<200x32xf32, #tpu.memory_space<vmem>>) dst(%dma_wait3A_384 : memref<10000x32xf32, #tpu.memory_space<vmem_shared>>)
      %add3A_385 = arith.constant 2 : i32
      %add3A_386 = arith.addi %add3A_371, %add3A_385 : i32
      %mul3A_387 = arith.constant 200 : i32
      %mul3A_388 = arith.muli %add3A_386, %mul3A_387 : i32
      %dma_start3A_389 = arith.constant 2 : i32
      %dma_start3A_390 = arith.constant 0 : i32
      %dma_start3A_391 = arith.constant 0 : i32
      %dma_start3A_392 = tpu.memref_slice %arg8[%dma_start3A_389, %dma_start3A_390, %dma_start3A_391] : memref<4x200x32xf32, #tpu.memory_space<vmem>> -> memref<1x200x32xf32, #tpu.memory_space<vmem>>
      %dma_start3A_393 = tpu.memref_squeeze %dma_start3A_392 : memref<1x200x32xf32, #tpu.memory_space<vmem>> -> memref<200x32xf32, #tpu.memory_space<vmem>>
      %dma_start3A_394 = tpu.memref_slice %arg6[%mul3A_388] : memref<10000xi32, #tpu.memory_space<vmem>> -> memref<200xi32, #tpu.memory_space<vmem>>
      %dma_start3A_395 = arith.constant 0 : i32
      %dma_start3A_396 = arith.constant 0 : i32
      %dma_start3A_397 = tpu.memref_slice %arg2[%dma_start3A_395, %dma_start3A_396] : memref<10000x32xf32, #tpu.memory_space<hbm>> -> memref<10000x32xf32, #tpu.memory_space<hbm>>
      tpu.enqueue_indirect_dma source(%dma_start3A_397 : memref<10000x32xf32, #tpu.memory_space<hbm>>) target(%dma_start3A_393 : memref<200x32xf32, #tpu.memory_space<vmem>>) offsets(%dma_start3A_394 : memref<200xi32, #tpu.memory_space<vmem>>) semaphore(%arg12 : memref<!tpu.dma_semaphore, #tpu.memory_space<semaphore_mem>>)
      %mul3A_398 = arith.constant 200 : i32
      %mul3A_399 = arith.muli %add3A_371, %mul3A_398 : i32
      %dma_wait3A_400 = arith.constant 0 : i32
      %dma_wait3A_401 = arith.constant 0 : i32
      %dma_wait3A_402 = arith.constant 0 : i32
      %dma_wait3A_403 = tpu.memref_slice %arg8[%dma_wait3A_400, %dma_wait3A_401, %dma_wait3A_402] : memref<4x200x32xf32, #tpu.memory_space<vmem>> -> memref<1x200x32xf32, #tpu.memory_space<vmem>>
      %dma_wait3A_404 = tpu.memref_squeeze %dma_wait3A_403 : memref<1x200x32xf32, #tpu.memory_space<vmem>> -> memref<200x32xf32, #tpu.memory_space<vmem>>
      %dma_wait3A_405 = tpu.memref_slice %arg6[%mul3A_399] : memref<10000xi32, #tpu.memory_space<vmem>> -> memref<200xi32, #tpu.memory_space<vmem>>
      %dma_wait3A_406 = arith.constant 0 : i32
      %dma_wait3A_407 = arith.constant 0 : i32
      %dma_wait3A_408 = tpu.memref_slice %arg2[%dma_wait3A_406, %dma_wait3A_407] : memref<10000x32xf32, #tpu.memory_space<hbm>> -> memref<10000x32xf32, #tpu.memory_space<hbm>>
      tpu.wait_indirect_dma semaphore(%arg10 : memref<!tpu.dma_semaphore, #tpu.memory_space<semaphore_mem>>) src(%dma_wait3A_408 : memref<10000x32xf32, #tpu.memory_space<hbm>>) dst(%dma_wait3A_404 : memref<200x32xf32, #tpu.memory_space<vmem>>)
      %mul3A_409 = arith.constant 200 : i32
      %mul3A_410 = arith.muli %add3A_371, %mul3A_409 : i32
      %dma_start3A_411 = arith.constant 0 : i32
      %dma_start3A_412 = arith.constant 0 : i32
      %dma_start3A_413 = arith.constant 0 : i32
      %dma_start3A_414 = tpu.memref_slice %arg8[%dma_start3A_411, %dma_start3A_412, %dma_start3A_413] : memref<4x200x32xf32, #tpu.memory_space<vmem>> -> memref<1x200x32xf32, #tpu.memory_space<vmem>>
      %dma_start3A_415 = tpu.memref_squeeze %dma_start3A_414 : memref<1x200x32xf32, #tpu.memory_space<vmem>> -> memref<200x32xf32, #tpu.memory_space<vmem>>
      %dma_start3A_416 = tpu.memref_slice %arg7[%mul3A_410] : memref<10000xi32, #tpu.memory_space<vmem>> -> memref<200xi32, #tpu.memory_space<vmem>>
      %dma_start3A_417 = arith.constant 0 : i32
      %dma_start3A_418 = arith.constant 0 : i32
      %dma_start3A_419 = tpu.memref_slice %arg9[%dma_start3A_417, %dma_start3A_418] : memref<10000x32xf32, #tpu.memory_space<vmem_shared>> -> memref<10000x32xf32, #tpu.memory_space<vmem_shared>>
      tpu.enqueue_indirect_dma source(%dma_start3A_415 : memref<200x32xf32, #tpu.memory_space<vmem>>) target(%dma_start3A_419 : memref<10000x32xf32, #tpu.memory_space<vmem_shared>>) offsets(%dma_start3A_416 : memref<200xi32, #tpu.memory_space<vmem>>) semaphore(%arg10 : memref<!tpu.dma_semaphore, #tpu.memory_space<semaphore_mem>>) {add = true}
      %mul3A_420 = arith.constant 4 : i32
      %mul3A_421 = arith.muli %mul3A_420, %scan3A_258 : i32
      %add3A_422 = arith.constant 2 : i32
      %add3A_423 = arith.addi %mul3A_421, %add3A_422 : i32
      %add3A_424 = arith.constant 3 : i32
      %add3A_425 = arith.addi %add3A_423, %add3A_424 : i32
      %sub3A_426 = arith.constant 2 : i32
      %sub3A_427 = arith.subi %add3A_425, %sub3A_426 : i32
      %mul3A_428 = arith.constant 200 : i32
      %mul3A_429 = arith.muli %sub3A_427, %mul3A_428 : i32
      %dma_wait3A_430 = arith.constant 3 : i32
      %dma_wait3A_431 = arith.constant 0 : i32
      %dma_wait3A_432 = arith.constant 0 : i32
      %dma_wait3A_433 = tpu.memref_slice %arg8[%dma_wait3A_430, %dma_wait3A_431, %dma_wait3A_432] : memref<4x200x32xf32, #tpu.memory_space<vmem>> -> memref<1x200x32xf32, #tpu.memory_space<vmem>>
      %dma_wait3A_434 = tpu.memref_squeeze %dma_wait3A_433 : memref<1x200x32xf32, #tpu.memory_space<vmem>> -> memref<200x32xf32, #tpu.memory_space<vmem>>
      %dma_wait3A_435 = tpu.memref_slice %arg7[%mul3A_429] : memref<10000xi32, #tpu.memory_space<vmem>> -> memref<200xi32, #tpu.memory_space<vmem>>
      %dma_wait3A_436 = arith.constant 0 : i32
      %dma_wait3A_437 = arith.constant 0 : i32
      %dma_wait3A_438 = tpu.memref_slice %arg9[%dma_wait3A_436, %dma_wait3A_437] : memref<10000x32xf32, #tpu.memory_space<vmem_shared>> -> memref<10000x32xf32, #tpu.memory_space<vmem_shared>>
      tpu.wait_indirect_dma semaphore(%arg13 : memref<!tpu.dma_semaphore, #tpu.memory_space<semaphore_mem>>) src(%dma_wait3A_434 : memref<200x32xf32, #tpu.memory_space<vmem>>) dst(%dma_wait3A_438 : memref<10000x32xf32, #tpu.memory_space<vmem_shared>>)
      %add3A_439 = arith.constant 2 : i32
      %add3A_440 = arith.addi %add3A_425, %add3A_439 : i32
      %mul3A_441 = arith.constant 200 : i32
      %mul3A_442 = arith.muli %add3A_440, %mul3A_441 : i32
      %dma_start3A_443 = arith.constant 3 : i32
      %dma_start3A_444 = arith.constant 0 : i32
      %dma_start3A_445 = arith.constant 0 : i32
      %dma_start3A_446 = tpu.memref_slice %arg8[%dma_start3A_443, %dma_start3A_444, %dma_start3A_445] : memref<4x200x32xf32, #tpu.memory_space<vmem>> -> memref<1x200x32xf32, #tpu.memory_space<vmem>>
      %dma_start3A_447 = tpu.memref_squeeze %dma_start3A_446 : memref<1x200x32xf32, #tpu.memory_space<vmem>> -> memref<200x32xf32, #tpu.memory_space<vmem>>
      %dma_start3A_448 = tpu.memref_slice %arg6[%mul3A_442] : memref<10000xi32, #tpu.memory_space<vmem>> -> memref<200xi32, #tpu.memory_space<vmem>>
      %dma_start3A_449 = arith.constant 0 : i32
      %dma_start3A_450 = arith.constant 0 : i32
      %dma_start3A_451 = tpu.memref_slice %arg2[%dma_start3A_449, %dma_start3A_450] : memref<10000x32xf32, #tpu.memory_space<hbm>> -> memref<10000x32xf32, #tpu.memory_space<hbm>>
      tpu.enqueue_indirect_dma source(%dma_start3A_451 : memref<10000x32xf32, #tpu.memory_space<hbm>>) target(%dma_start3A_447 : memref<200x32xf32, #tpu.memory_space<vmem>>) offsets(%dma_start3A_448 : memref<200xi32, #tpu.memory_space<vmem>>) semaphore(%arg13 : memref<!tpu.dma_semaphore, #tpu.memory_space<semaphore_mem>>)
      %mul3A_452 = arith.constant 200 : i32
      %mul3A_453 = arith.muli %add3A_425, %mul3A_452 : i32
      %dma_wait3A_454 = arith.constant 1 : i32
      %dma_wait3A_455 = arith.constant 0 : i32
      %dma_wait3A_456 = arith.constant 0 : i32
      %dma_wait3A_457 = tpu.memref_slice %arg8[%dma_wait3A_454, %dma_wait3A_455, %dma_wait3A_456] : memref<4x200x32xf32, #tpu.memory_space<vmem>> -> memref<1x200x32xf32, #tpu.memory_space<vmem>>
      %dma_wait3A_458 = tpu.memref_squeeze %dma_wait3A_457 : memref<1x200x32xf32, #tpu.memory_space<vmem>> -> memref<200x32xf32, #tpu.memory_space<vmem>>
      %dma_wait3A_459 = tpu.memref_slice %arg6[%mul3A_453] : memref<10000xi32, #tpu.memory_space<vmem>> -> memref<200xi32, #tpu.memory_space<vmem>>
      %dma_wait3A_460 = arith.constant 0 : i32
      %dma_wait3A_461 = arith.constant 0 : i32
      %dma_wait3A_462 = tpu.memref_slice %arg2[%dma_wait3A_460, %dma_wait3A_461] : memref<10000x32xf32, #tpu.memory_space<hbm>> -> memref<10000x32xf32, #tpu.memory_space<hbm>>
      tpu.wait_indirect_dma semaphore(%arg11 : memref<!tpu.dma_semaphore, #tpu.memory_space<semaphore_mem>>) src(%dma_wait3A_462 : memref<10000x32xf32, #tpu.memory_space<hbm>>) dst(%dma_wait3A_458 : memref<200x32xf32, #tpu.memory_space<vmem>>)
      %mul3A_463 = arith.constant 200 : i32
      %mul3A_464 = arith.muli %add3A_425, %mul3A_463 : i32
      %dma_start3A_465 = arith.constant 1 : i32
      %dma_start3A_466 = arith.constant 0 : i32
      %dma_start3A_467 = arith.constant 0 : i32
      %dma_start3A_468 = tpu.memref_slice %arg8[%dma_start3A_465, %dma_start3A_466, %dma_start3A_467] : memref<4x200x32xf32, #tpu.memory_space<vmem>> -> memref<1x200x32xf32, #tpu.memory_space<vmem>>
      %dma_start3A_469 = tpu.memref_squeeze %dma_start3A_468 : memref<1x200x32xf32, #tpu.memory_space<vmem>> -> memref<200x32xf32, #tpu.memory_space<vmem>>
      %dma_start3A_470 = tpu.memref_slice %arg7[%mul3A_464] : memref<10000xi32, #tpu.memory_space<vmem>> -> memref<200xi32, #tpu.memory_space<vmem>>
      %dma_start3A_471 = arith.constant 0 : i32
      %dma_start3A_472 = arith.constant 0 : i32
      %dma_start3A_473 = tpu.memref_slice %arg9[%dma_start3A_471, %dma_start3A_472] : memref<10000x32xf32, #tpu.memory_space<vmem_shared>> -> memref<10000x32xf32, #tpu.memory_space<vmem_shared>>
      tpu.enqueue_indirect_dma source(%dma_start3A_469 : memref<200x32xf32, #tpu.memory_space<vmem>>) target(%dma_start3A_473 : memref<10000x32xf32, #tpu.memory_space<vmem_shared>>) offsets(%dma_start3A_470 : memref<200xi32, #tpu.memory_space<vmem>>) semaphore(%arg11 : memref<!tpu.dma_semaphore, #tpu.memory_space<semaphore_mem>>) {add = true}
    }
    %scan3A_92 = arith.constant 11 : i32
    %dma_wait3A_93 = arith.constant 0 : i32
    %dma_wait3A_94 = arith.constant 0 : i32
    %dma_wait3A_95 = arith.constant 0 : i32
    %dma_wait3A_96 = tpu.memref_slice %arg8[%dma_wait3A_93, %dma_wait3A_94, %dma_wait3A_95] : memref<4x200x32xf32, #tpu.memory_space<vmem>> -> memref<1x200x32xf32, #tpu.memory_space<vmem>>
    %dma_wait3A_97 = tpu.memref_squeeze %dma_wait3A_96 : memref<1x200x32xf32, #tpu.memory_space<vmem>> -> memref<200x32xf32, #tpu.memory_space<vmem>>
    %dma_wait3A_98 = arith.constant 8800 : i32
    %dma_wait3A_99 = tpu.memref_slice %arg7[%dma_wait3A_98] : memref<10000xi32, #tpu.memory_space<vmem>> -> memref<200xi32, #tpu.memory_space<vmem>>
    %dma_wait3A_100 = arith.constant 0 : i32
    %dma_wait3A_101 = arith.constant 0 : i32
    %dma_wait3A_102 = tpu.memref_slice %arg9[%dma_wait3A_100, %dma_wait3A_101] : memref<10000x32xf32, #tpu.memory_space<vmem_shared>> -> memref<10000x32xf32, #tpu.memory_space<vmem_shared>>
    tpu.wait_indirect_dma semaphore(%arg10 : memref<!tpu.dma_semaphore, #tpu.memory_space<semaphore_mem>>) src(%dma_wait3A_97 : memref<200x32xf32, #tpu.memory_space<vmem>>) dst(%dma_wait3A_102 : memref<10000x32xf32, #tpu.memory_space<vmem_shared>>)
    %dma_start3A_103 = arith.constant 0 : i32
    %dma_start3A_104 = arith.constant 0 : i32
    %dma_start3A_105 = arith.constant 0 : i32
    %dma_start3A_106 = tpu.memref_slice %arg8[%dma_start3A_103, %dma_start3A_104, %dma_start3A_105] : memref<4x200x32xf32, #tpu.memory_space<vmem>> -> memref<1x200x32xf32, #tpu.memory_space<vmem>>
    %dma_start3A_107 = tpu.memref_squeeze %dma_start3A_106 : memref<1x200x32xf32, #tpu.memory_space<vmem>> -> memref<200x32xf32, #tpu.memory_space<vmem>>
    %dma_start3A_108 = arith.constant 9600 : i32
    %dma_start3A_109 = tpu.memref_slice %arg6[%dma_start3A_108] : memref<10000xi32, #tpu.memory_space<vmem>> -> memref<200xi32, #tpu.memory_space<vmem>>
    %dma_start3A_110 = arith.constant 0 : i32
    %dma_start3A_111 = arith.constant 0 : i32
    %dma_start3A_112 = tpu.memref_slice %arg2[%dma_start3A_110, %dma_start3A_111] : memref<10000x32xf32, #tpu.memory_space<hbm>> -> memref<10000x32xf32, #tpu.memory_space<hbm>>
    tpu.enqueue_indirect_dma source(%dma_start3A_112 : memref<10000x32xf32, #tpu.memory_space<hbm>>) target(%dma_start3A_107 : memref<200x32xf32, #tpu.memory_space<vmem>>) offsets(%dma_start3A_109 : memref<200xi32, #tpu.memory_space<vmem>>) semaphore(%arg10 : memref<!tpu.dma_semaphore, #tpu.memory_space<semaphore_mem>>)
    %dma_wait3A_113 = arith.constant 2 : i32
    %dma_wait3A_114 = arith.constant 0 : i32
    %dma_wait3A_115 = arith.constant 0 : i32
    %dma_wait3A_116 = tpu.memref_slice %arg8[%dma_wait3A_113, %dma_wait3A_114, %dma_wait3A_115] : memref<4x200x32xf32, #tpu.memory_space<vmem>> -> memref<1x200x32xf32, #tpu.memory_space<vmem>>
    %dma_wait3A_117 = tpu.memref_squeeze %dma_wait3A_116 : memref<1x200x32xf32, #tpu.memory_space<vmem>> -> memref<200x32xf32, #tpu.memory_space<vmem>>
    %dma_wait3A_118 = arith.constant 9200 : i32
    %dma_wait3A_119 = tpu.memref_slice %arg6[%dma_wait3A_118] : memref<10000xi32, #tpu.memory_space<vmem>> -> memref<200xi32, #tpu.memory_space<vmem>>
    %dma_wait3A_120 = arith.constant 0 : i32
    %dma_wait3A_121 = arith.constant 0 : i32
    %dma_wait3A_122 = tpu.memref_slice %arg2[%dma_wait3A_120, %dma_wait3A_121] : memref<10000x32xf32, #tpu.memory_space<hbm>> -> memref<10000x32xf32, #tpu.memory_space<hbm>>
    tpu.wait_indirect_dma semaphore(%arg12 : memref<!tpu.dma_semaphore, #tpu.memory_space<semaphore_mem>>) src(%dma_wait3A_122 : memref<10000x32xf32, #tpu.memory_space<hbm>>) dst(%dma_wait3A_117 : memref<200x32xf32, #tpu.memory_space<vmem>>)
    %dma_start3A_123 = arith.constant 2 : i32
    %dma_start3A_124 = arith.constant 0 : i32
    %dma_start3A_125 = arith.constant 0 : i32
    %dma_start3A_126 = tpu.memref_slice %arg8[%dma_start3A_123, %dma_start3A_124, %dma_start3A_125] : memref<4x200x32xf32, #tpu.memory_space<vmem>> -> memref<1x200x32xf32, #tpu.memory_space<vmem>>
    %dma_start3A_127 = tpu.memref_squeeze %dma_start3A_126 : memref<1x200x32xf32, #tpu.memory_space<vmem>> -> memref<200x32xf32, #tpu.memory_space<vmem>>
    %dma_start3A_128 = arith.constant 9200 : i32
    %dma_start3A_129 = tpu.memref_slice %arg7[%dma_start3A_128] : memref<10000xi32, #tpu.memory_space<vmem>> -> memref<200xi32, #tpu.memory_space<vmem>>
    %dma_start3A_130 = arith.constant 0 : i32
    %dma_start3A_131 = arith.constant 0 : i32
    %dma_start3A_132 = tpu.memref_slice %arg9[%dma_start3A_130, %dma_start3A_131] : memref<10000x32xf32, #tpu.memory_space<vmem_shared>> -> memref<10000x32xf32, #tpu.memory_space<vmem_shared>>
    tpu.enqueue_indirect_dma source(%dma_start3A_127 : memref<200x32xf32, #tpu.memory_space<vmem>>) target(%dma_start3A_132 : memref<10000x32xf32, #tpu.memory_space<vmem_shared>>) offsets(%dma_start3A_129 : memref<200xi32, #tpu.memory_space<vmem>>) semaphore(%arg12 : memref<!tpu.dma_semaphore, #tpu.memory_space<semaphore_mem>>) {add = true}
    %dma_wait3A_133 = arith.constant 1 : i32
    %dma_wait3A_134 = arith.constant 0 : i32
    %dma_wait3A_135 = arith.constant 0 : i32
    %dma_wait3A_136 = tpu.memref_slice %arg8[%dma_wait3A_133, %dma_wait3A_134, %dma_wait3A_135] : memref<4x200x32xf32, #tpu.memory_space<vmem>> -> memref<1x200x32xf32, #tpu.memory_space<vmem>>
    %dma_wait3A_137 = tpu.memref_squeeze %dma_wait3A_136 : memref<1x200x32xf32, #tpu.memory_space<vmem>> -> memref<200x32xf32, #tpu.memory_space<vmem>>
    %dma_wait3A_138 = arith.constant 9000 : i32
    %dma_wait3A_139 = tpu.memref_slice %arg7[%dma_wait3A_138] : memref<10000xi32, #tpu.memory_space<vmem>> -> memref<200xi32, #tpu.memory_space<vmem>>
    %dma_wait3A_140 = arith.constant 0 : i32
    %dma_wait3A_141 = arith.constant 0 : i32
    %dma_wait3A_142 = tpu.memref_slice %arg9[%dma_wait3A_140, %dma_wait3A_141] : memref<10000x32xf32, #tpu.memory_space<vmem_shared>> -> memref<10000x32xf32, #tpu.memory_space<vmem_shared>>
    tpu.wait_indirect_dma semaphore(%arg11 : memref<!tpu.dma_semaphore, #tpu.memory_space<semaphore_mem>>) src(%dma_wait3A_137 : memref<200x32xf32, #tpu.memory_space<vmem>>) dst(%dma_wait3A_142 : memref<10000x32xf32, #tpu.memory_space<vmem_shared>>)
    %dma_start3A_143 = arith.constant 1 : i32
    %dma_start3A_144 = arith.constant 0 : i32
    %dma_start3A_145 = arith.constant 0 : i32
    %dma_start3A_146 = tpu.memref_slice %arg8[%dma_start3A_143, %dma_start3A_144, %dma_start3A_145] : memref<4x200x32xf32, #tpu.memory_space<vmem>> -> memref<1x200x32xf32, #tpu.memory_space<vmem>>
    %dma_start3A_147 = tpu.memref_squeeze %dma_start3A_146 : memref<1x200x32xf32, #tpu.memory_space<vmem>> -> memref<200x32xf32, #tpu.memory_space<vmem>>
    %dma_start3A_148 = arith.constant 9800 : i32
    %dma_start3A_149 = tpu.memref_slice %arg6[%dma_start3A_148] : memref<10000xi32, #tpu.memory_space<vmem>> -> memref<200xi32, #tpu.memory_space<vmem>>
    %dma_start3A_150 = arith.constant 0 : i32
    %dma_start3A_151 = arith.constant 0 : i32
    %dma_start3A_152 = tpu.memref_slice %arg2[%dma_start3A_150, %dma_start3A_151] : memref<10000x32xf32, #tpu.memory_space<hbm>> -> memref<10000x32xf32, #tpu.memory_space<hbm>>
    tpu.enqueue_indirect_dma source(%dma_start3A_152 : memref<10000x32xf32, #tpu.memory_space<hbm>>) target(%dma_start3A_147 : memref<200x32xf32, #tpu.memory_space<vmem>>) offsets(%dma_start3A_149 : memref<200xi32, #tpu.memory_space<vmem>>) semaphore(%arg11 : memref<!tpu.dma_semaphore, #tpu.memory_space<semaphore_mem>>)
    %dma_wait3A_153 = arith.constant 3 : i32
    %dma_wait3A_154 = arith.constant 0 : i32
    %dma_wait3A_155 = arith.constant 0 : i32
    %dma_wait3A_156 = tpu.memref_slice %arg8[%dma_wait3A_153, %dma_wait3A_154, %dma_wait3A_155] : memref<4x200x32xf32, #tpu.memory_space<vmem>> -> memref<1x200x32xf32, #tpu.memory_space<vmem>>
    %dma_wait3A_157 = tpu.memref_squeeze %dma_wait3A_156 : memref<1x200x32xf32, #tpu.memory_space<vmem>> -> memref<200x32xf32, #tpu.memory_space<vmem>>
    %dma_wait3A_158 = arith.constant 9400 : i32
    %dma_wait3A_159 = tpu.memref_slice %arg6[%dma_wait3A_158] : memref<10000xi32, #tpu.memory_space<vmem>> -> memref<200xi32, #tpu.memory_space<vmem>>
    %dma_wait3A_160 = arith.constant 0 : i32
    %dma_wait3A_161 = arith.constant 0 : i32
    %dma_wait3A_162 = tpu.memref_slice %arg2[%dma_wait3A_160, %dma_wait3A_161] : memref<10000x32xf32, #tpu.memory_space<hbm>> -> memref<10000x32xf32, #tpu.memory_space<hbm>>
    tpu.wait_indirect_dma semaphore(%arg13 : memref<!tpu.dma_semaphore, #tpu.memory_space<semaphore_mem>>) src(%dma_wait3A_162 : memref<10000x32xf32, #tpu.memory_space<hbm>>) dst(%dma_wait3A_157 : memref<200x32xf32, #tpu.memory_space<vmem>>)
    %dma_start3A_163 = arith.constant 3 : i32
    %dma_start3A_164 = arith.constant 0 : i32
    %dma_start3A_165 = arith.constant 0 : i32
    %dma_start3A_166 = tpu.memref_slice %arg8[%dma_start3A_163, %dma_start3A_164, %dma_start3A_165] : memref<4x200x32xf32, #tpu.memory_space<vmem>> -> memref<1x200x32xf32, #tpu.memory_space<vmem>>
    %dma_start3A_167 = tpu.memref_squeeze %dma_start3A_166 : memref<1x200x32xf32, #tpu.memory_space<vmem>> -> memref<200x32xf32, #tpu.memory_space<vmem>>
    %dma_start3A_168 = arith.constant 9400 : i32
    %dma_start3A_169 = tpu.memref_slice %arg7[%dma_start3A_168] : memref<10000xi32, #tpu.memory_space<vmem>> -> memref<200xi32, #tpu.memory_space<vmem>>
    %dma_start3A_170 = arith.constant 0 : i32
    %dma_start3A_171 = arith.constant 0 : i32
    %dma_start3A_172 = tpu.memref_slice %arg9[%dma_start3A_170, %dma_start3A_171] : memref<10000x32xf32, #tpu.memory_space<vmem_shared>> -> memref<10000x32xf32, #tpu.memory_space<vmem_shared>>
    tpu.enqueue_indirect_dma source(%dma_start3A_167 : memref<200x32xf32, #tpu.memory_space<vmem>>) target(%dma_start3A_172 : memref<10000x32xf32, #tpu.memory_space<vmem_shared>>) offsets(%dma_start3A_169 : memref<200xi32, #tpu.memory_space<vmem>>) semaphore(%arg13 : memref<!tpu.dma_semaphore, #tpu.memory_space<semaphore_mem>>) {add = true}
    %dma_wait3A_173 = arith.constant 2 : i32
    %dma_wait3A_174 = arith.constant 0 : i32
    %dma_wait3A_175 = arith.constant 0 : i32
    %dma_wait3A_176 = tpu.memref_slice %arg8[%dma_wait3A_173, %dma_wait3A_174, %dma_wait3A_175] : memref<4x200x32xf32, #tpu.memory_space<vmem>> -> memref<1x200x32xf32, #tpu.memory_space<vmem>>
    %dma_wait3A_177 = tpu.memref_squeeze %dma_wait3A_176 : memref<1x200x32xf32, #tpu.memory_space<vmem>> -> memref<200x32xf32, #tpu.memory_space<vmem>>
    %dma_wait3A_178 = arith.constant 9200 : i32
    %dma_wait3A_179 = tpu.memref_slice %arg7[%dma_wait3A_178] : memref<10000xi32, #tpu.memory_space<vmem>> -> memref<200xi32, #tpu.memory_space<vmem>>
    %dma_wait3A_180 = arith.constant 0 : i32
    %dma_wait3A_181 = arith.constant 0 : i32
    %dma_wait3A_182 = tpu.memref_slice %arg9[%dma_wait3A_180, %dma_wait3A_181] : memref<10000x32xf32, #tpu.memory_space<vmem_shared>> -> memref<10000x32xf32, #tpu.memory_space<vmem_shared>>
    tpu.wait_indirect_dma semaphore(%arg12 : memref<!tpu.dma_semaphore, #tpu.memory_space<semaphore_mem>>) src(%dma_wait3A_177 : memref<200x32xf32, #tpu.memory_space<vmem>>) dst(%dma_wait3A_182 : memref<10000x32xf32, #tpu.memory_space<vmem_shared>>)
    %dma_wait3A_183 = arith.constant 0 : i32
    %dma_wait3A_184 = arith.constant 0 : i32
    %dma_wait3A_185 = arith.constant 0 : i32
    %dma_wait3A_186 = tpu.memref_slice %arg8[%dma_wait3A_183, %dma_wait3A_184, %dma_wait3A_185] : memref<4x200x32xf32, #tpu.memory_space<vmem>> -> memref<1x200x32xf32, #tpu.memory_space<vmem>>
    %dma_wait3A_187 = tpu.memref_squeeze %dma_wait3A_186 : memref<1x200x32xf32, #tpu.memory_space<vmem>> -> memref<200x32xf32, #tpu.memory_space<vmem>>
    %dma_wait3A_188 = arith.constant 9600 : i32
    %dma_wait3A_189 = tpu.memref_slice %arg6[%dma_wait3A_188] : memref<10000xi32, #tpu.memory_space<vmem>> -> memref<200xi32, #tpu.memory_space<vmem>>
    %dma_wait3A_190 = arith.constant 0 : i32
    %dma_wait3A_191 = arith.constant 0 : i32
    %dma_wait3A_192 = tpu.memref_slice %arg2[%dma_wait3A_190, %dma_wait3A_191] : memref<10000x32xf32, #tpu.memory_space<hbm>> -> memref<10000x32xf32, #tpu.memory_space<hbm>>
    tpu.wait_indirect_dma semaphore(%arg10 : memref<!tpu.dma_semaphore, #tpu.memory_space<semaphore_mem>>) src(%dma_wait3A_192 : memref<10000x32xf32, #tpu.memory_space<hbm>>) dst(%dma_wait3A_187 : memref<200x32xf32, #tpu.memory_space<vmem>>)
    %dma_start3A_193 = arith.constant 0 : i32
    %dma_start3A_194 = arith.constant 0 : i32
    %dma_start3A_195 = arith.constant 0 : i32
    %dma_start3A_196 = tpu.memref_slice %arg8[%dma_start3A_193, %dma_start3A_194, %dma_start3A_195] : memref<4x200x32xf32, #tpu.memory_space<vmem>> -> memref<1x200x32xf32, #tpu.memory_space<vmem>>
    %dma_start3A_197 = tpu.memref_squeeze %dma_start3A_196 : memref<1x200x32xf32, #tpu.memory_space<vmem>> -> memref<200x32xf32, #tpu.memory_space<vmem>>
    %dma_start3A_198 = arith.constant 9600 : i32
    %dma_start3A_199 = tpu.memref_slice %arg7[%dma_start3A_198] : memref<10000xi32, #tpu.memory_space<vmem>> -> memref<200xi32, #tpu.memory_space<vmem>>
    %dma_start3A_200 = arith.constant 0 : i32
    %dma_start3A_201 = arith.constant 0 : i32
    %dma_start3A_202 = tpu.memref_slice %arg9[%dma_start3A_200, %dma_start3A_201] : memref<10000x32xf32, #tpu.memory_space<vmem_shared>> -> memref<10000x32xf32, #tpu.memory_space<vmem_shared>>
    tpu.enqueue_indirect_dma source(%dma_start3A_197 : memref<200x32xf32, #tpu.memory_space<vmem>>) target(%dma_start3A_202 : memref<10000x32xf32, #tpu.memory_space<vmem_shared>>) offsets(%dma_start3A_199 : memref<200xi32, #tpu.memory_space<vmem>>) semaphore(%arg10 : memref<!tpu.dma_semaphore, #tpu.memory_space<semaphore_mem>>) {add = true}
    %dma_wait3A_203 = arith.constant 3 : i32
    %dma_wait3A_204 = arith.constant 0 : i32
    %dma_wait3A_205 = arith.constant 0 : i32
    %dma_wait3A_206 = tpu.memref_slice %arg8[%dma_wait3A_203, %dma_wait3A_204, %dma_wait3A_205] : memref<4x200x32xf32, #tpu.memory_space<vmem>> -> memref<1x200x32xf32, #tpu.memory_space<vmem>>
    %dma_wait3A_207 = tpu.memref_squeeze %dma_wait3A_206 : memref<1x200x32xf32, #tpu.memory_space<vmem>> -> memref<200x32xf32, #tpu.memory_space<vmem>>
    %dma_wait3A_208 = arith.constant 9400 : i32
    %dma_wait3A_209 = tpu.memref_slice %arg7[%dma_wait3A_208] : memref<10000xi32, #tpu.memory_space<vmem>> -> memref<200xi32, #tpu.memory_space<vmem>>
    %dma_wait3A_210 = arith.constant 0 : i32
    %dma_wait3A_211 = arith.constant 0 : i32
    %dma_wait3A_212 = tpu.memref_slice %arg9[%dma_wait3A_210, %dma_wait3A_211] : memref<10000x32xf32, #tpu.memory_space<vmem_shared>> -> memref<10000x32xf32, #tpu.memory_space<vmem_shared>>
    tpu.wait_indirect_dma semaphore(%arg13 : memref<!tpu.dma_semaphore, #tpu.memory_space<semaphore_mem>>) src(%dma_wait3A_207 : memref<200x32xf32, #tpu.memory_space<vmem>>) dst(%dma_wait3A_212 : memref<10000x32xf32, #tpu.memory_space<vmem_shared>>)
    %dma_wait3A_213 = arith.constant 1 : i32
    %dma_wait3A_214 = arith.constant 0 : i32
    %dma_wait3A_215 = arith.constant 0 : i32
    %dma_wait3A_216 = tpu.memref_slice %arg8[%dma_wait3A_213, %dma_wait3A_214, %dma_wait3A_215] : memref<4x200x32xf32, #tpu.memory_space<vmem>> -> memref<1x200x32xf32, #tpu.memory_space<vmem>>
    %dma_wait3A_217 = tpu.memref_squeeze %dma_wait3A_216 : memref<1x200x32xf32, #tpu.memory_space<vmem>> -> memref<200x32xf32, #tpu.memory_space<vmem>>
    %dma_wait3A_218 = arith.constant 9800 : i32
    %dma_wait3A_219 = tpu.memref_slice %arg6[%dma_wait3A_218] : memref<10000xi32, #tpu.memory_space<vmem>> -> memref<200xi32, #tpu.memory_space<vmem>>
    %dma_wait3A_220 = arith.constant 0 : i32
    %dma_wait3A_221 = arith.constant 0 : i32
    %dma_wait3A_222 = tpu.memref_slice %arg2[%dma_wait3A_220, %dma_wait3A_221] : memref<10000x32xf32, #tpu.memory_space<hbm>> -> memref<10000x32xf32, #tpu.memory_space<hbm>>
    tpu.wait_indirect_dma semaphore(%arg11 : memref<!tpu.dma_semaphore, #tpu.memory_space<semaphore_mem>>) src(%dma_wait3A_222 : memref<10000x32xf32, #tpu.memory_space<hbm>>) dst(%dma_wait3A_217 : memref<200x32xf32, #tpu.memory_space<vmem>>)
    %dma_start3A_223 = arith.constant 1 : i32
    %dma_start3A_224 = arith.constant 0 : i32
    %dma_start3A_225 = arith.constant 0 : i32
    %dma_start3A_226 = tpu.memref_slice %arg8[%dma_start3A_223, %dma_start3A_224, %dma_start3A_225] : memref<4x200x32xf32, #tpu.memory_space<vmem>> -> memref<1x200x32xf32, #tpu.memory_space<vmem>>
    %dma_start3A_227 = tpu.memref_squeeze %dma_start3A_226 : memref<1x200x32xf32, #tpu.memory_space<vmem>> -> memref<200x32xf32, #tpu.memory_space<vmem>>
    %dma_start3A_228 = arith.constant 9800 : i32
    %dma_start3A_229 = tpu.memref_slice %arg7[%dma_start3A_228] : memref<10000xi32, #tpu.memory_space<vmem>> -> memref<200xi32, #tpu.memory_space<vmem>>
    %dma_start3A_230 = arith.constant 0 : i32
    %dma_start3A_231 = arith.constant 0 : i32
    %dma_start3A_232 = tpu.memref_slice %arg9[%dma_start3A_230, %dma_start3A_231] : memref<10000x32xf32, #tpu.memory_space<vmem_shared>> -> memref<10000x32xf32, #tpu.memory_space<vmem_shared>>
    tpu.enqueue_indirect_dma source(%dma_start3A_227 : memref<200x32xf32, #tpu.memory_space<vmem>>) target(%dma_start3A_232 : memref<10000x32xf32, #tpu.memory_space<vmem_shared>>) offsets(%dma_start3A_229 : memref<200xi32, #tpu.memory_space<vmem>>) semaphore(%arg11 : memref<!tpu.dma_semaphore, #tpu.memory_space<semaphore_mem>>) {add = true}
    %dma_wait3A_233 = arith.constant 0 : i32
    %dma_wait3A_234 = arith.constant 0 : i32
    %dma_wait3A_235 = arith.constant 0 : i32
    %dma_wait3A_236 = tpu.memref_slice %arg8[%dma_wait3A_233, %dma_wait3A_234, %dma_wait3A_235] : memref<4x200x32xf32, #tpu.memory_space<vmem>> -> memref<1x200x32xf32, #tpu.memory_space<vmem>>
    %dma_wait3A_237 = tpu.memref_squeeze %dma_wait3A_236 : memref<1x200x32xf32, #tpu.memory_space<vmem>> -> memref<200x32xf32, #tpu.memory_space<vmem>>
    %dma_wait3A_238 = arith.constant 9600 : i32
    %dma_wait3A_239 = tpu.memref_slice %arg7[%dma_wait3A_238] : memref<10000xi32, #tpu.memory_space<vmem>> -> memref<200xi32, #tpu.memory_space<vmem>>
    %dma_wait3A_240 = arith.constant 0 : i32
    %dma_wait3A_241 = arith.constant 0 : i32
    %dma_wait3A_242 = tpu.memref_slice %arg9[%dma_wait3A_240, %dma_wait3A_241] : memref<10000x32xf32, #tpu.memory_space<vmem_shared>> -> memref<10000x32xf32, #tpu.memory_space<vmem_shared>>
    tpu.wait_indirect_dma semaphore(%arg10 : memref<!tpu.dma_semaphore, #tpu.memory_space<semaphore_mem>>) src(%dma_wait3A_237 : memref<200x32xf32, #tpu.memory_space<vmem>>) dst(%dma_wait3A_242 : memref<10000x32xf32, #tpu.memory_space<vmem_shared>>)
    %dma_wait3A_243 = arith.constant 1 : i32
    %dma_wait3A_244 = arith.constant 0 : i32
    %dma_wait3A_245 = arith.constant 0 : i32
    %dma_wait3A_246 = tpu.memref_slice %arg8[%dma_wait3A_243, %dma_wait3A_244, %dma_wait3A_245] : memref<4x200x32xf32, #tpu.memory_space<vmem>> -> memref<1x200x32xf32, #tpu.memory_space<vmem>>
    %dma_wait3A_247 = tpu.memref_squeeze %dma_wait3A_246 : memref<1x200x32xf32, #tpu.memory_space<vmem>> -> memref<200x32xf32, #tpu.memory_space<vmem>>
    %dma_wait3A_248 = arith.constant 9800 : i32
    %dma_wait3A_249 = tpu.memref_slice %arg7[%dma_wait3A_248] : memref<10000xi32, #tpu.memory_space<vmem>> -> memref<200xi32, #tpu.memory_space<vmem>>
    %dma_wait3A_250 = arith.constant 0 : i32
    %dma_wait3A_251 = arith.constant 0 : i32
    %dma_wait3A_252 = tpu.memref_slice %arg9[%dma_wait3A_250, %dma_wait3A_251] : memref<10000x32xf32, #tpu.memory_space<vmem_shared>> -> memref<10000x32xf32, #tpu.memory_space<vmem_shared>>
    tpu.wait_indirect_dma semaphore(%arg11 : memref<!tpu.dma_semaphore, #tpu.memory_space<semaphore_mem>>) src(%dma_wait3A_247 : memref<200x32xf32, #tpu.memory_space<vmem>>) dst(%dma_wait3A_252 : memref<10000x32xf32, #tpu.memory_space<vmem_shared>>)
    %barrier3A_253 = arith.constant 0 : index
    tpu.barrier barrier_id(%barrier3A_253)
    %mul3A_254 = arith.constant 625 : i32
    %mul3A_255 = arith.muli %arg1, %mul3A_254 : i32
    %mul3A_256 = arith.constant 625 : i32
    %mul3A_257 = arith.muli %arg1, %mul3A_256 : i32
    "tpu.region"() ({
      %run_scoped3A_258 = tpu.sem_alloc : memref<!tpu.dma_semaphore, #tpu.memory_space<semaphore_mem>>
      %dma_start3A_259 = arith.constant 0 : i32
      %dma_start3A_260 = tpu.memref_slice %arg5[%arg0, %mul3A_257, %dma_start3A_259] : memref<2x10000x32xf32, #tpu.memory_space<hbm>> -> memref<1x625x32xf32, #tpu.memory_space<hbm>>
      %dma_start3A_261 = tpu.memref_squeeze %dma_start3A_260 : memref<1x625x32xf32, #tpu.memory_space<hbm>> -> memref<625x32xf32, #tpu.memory_space<hbm>>
      %dma_start3A_262 = arith.constant 0 : i32
      %dma_start3A_263 = tpu.memref_slice %arg9[%mul3A_255, %dma_start3A_262] : memref<10000x32xf32, #tpu.memory_space<vmem_shared>> -> memref<625x32xf32, #tpu.memory_space<vmem_shared>>
      tpu.enqueue_dma source(%dma_start3A_263 : memref<625x32xf32, #tpu.memory_space<vmem_shared>>) target(%dma_start3A_261 : memref<625x32xf32, #tpu.memory_space<hbm>>) target_semaphore(%run_scoped3A_258 : memref<!tpu.dma_semaphore, #tpu.memory_space<semaphore_mem>>)
      %dma_wait3A_264 = arith.constant 0 : i32
      %dma_wait3A_265 = tpu.memref_slice %arg5[%arg0, %mul3A_257, %dma_wait3A_264] : memref<2x10000x32xf32, #tpu.memory_space<hbm>> -> memref<1x625x32xf32, #tpu.memory_space<hbm>>
      %dma_wait3A_266 = tpu.memref_squeeze %dma_wait3A_265 : memref<1x625x32xf32, #tpu.memory_space<hbm>> -> memref<625x32xf32, #tpu.memory_space<hbm>>
      %dma_wait3A_267 = arith.constant 0 : i32
      %dma_wait3A_268 = tpu.memref_slice %arg9[%mul3A_255, %dma_wait3A_267] : memref<10000x32xf32, #tpu.memory_space<vmem_shared>> -> memref<625x32xf32, #tpu.memory_space<vmem_shared>>
      tpu.wait_dma2 semaphore(%run_scoped3A_258 : memref<!tpu.dma_semaphore, #tpu.memory_space<semaphore_mem>>) src(%dma_wait3A_268 : memref<625x32xf32, #tpu.memory_space<vmem_shared>>) dst(%dma_wait3A_266 : memref<625x32xf32, #tpu.memory_space<hbm>>)
      tpu.yield
    }) : () -> ()
    return
  }
}

module attributes {stable_mosaic.version = 14 : i64} {
  func.func @body(%arg0: i32, %arg1: memref<1x2x2x10000xf32, #tpu.memory_space<vmem>>, %arg2: memref<1000x128xf32, #tpu.memory_space<vmem>>, %arg3: memref<128x32xf32, #tpu.memory_space<vmem>>, %arg4: memref<10000x2xf32, #tpu.memory_space<vmem>>, %arg5: memref<1000x32xf32, #tpu.memory_space<vmem>>) attributes {dimension_semantics = [#tpu.dimension_semantics<arbitrary>], iteration_bounds = array<i64: 10>, scalar_prefetch = 0 : i64, scratch_operands = 0 : i64, tpu.core_type = #tpu.core_type<tc>, window_params = [{pipeline_mode = #tpu.pipeline_mode<synchronous>, transform_indices = @transform_0, window_bounds = array<i64: 1, 2, 2, 10000>}, {transform_indices = @transform_1, window_bounds = array<i64: 1000, 128>}, {pipeline_mode = #tpu.pipeline_mode<synchronous>, transform_indices = @transform_2, window_bounds = array<i64: 128, 32>}, {pipeline_mode = #tpu.pipeline_mode<synchronous>, transform_indices = @transform_3, window_bounds = array<i64: 10000, 2>}, {transform_indices = @transform_4, window_bounds = array<i64: 1000, 32>}]} {
    %eq3A = arith.constant 0 : i32
    %eq3A_0 = arith.cmpi eq, %arg0, %eq3A : i32
    %convert_element_type3A = arith.extui %eq3A_0 : i1 to i32
    %cond3A = arith.constant 0 : i32
    %cond3A_1 = arith.cmpi ne, %convert_element_type3A, %cond3A : i32
    scf.if %cond3A_1 {
      %get3A_16 = arith.constant 0 : index
      %get3A_17 = arith.constant 0 : index
      %get3A_18 = arith.constant 0 : index
      %get3A_19 = arith.constant 0 : index
      %get3A_20 = vector.load %arg1[%get3A_16, %get3A_17, %get3A_18, %get3A_19] : memref<1x2x2x10000xf32, #tpu.memory_space<vmem>>, vector<1x1x2x10000xf32>
      %get3A_21 = vector.shape_cast %get3A_20 : vector<1x1x2x10000xf32> to vector<2x10000xf32>
      %get3A_22 = arith.constant 0 : index
      %get3A_23 = arith.constant 1 : index
      %get3A_24 = arith.constant 0 : index
      %get3A_25 = arith.constant 0 : index
      %get3A_26 = vector.load %arg1[%get3A_22, %get3A_23, %get3A_24, %get3A_25] : memref<1x2x2x10000xf32, #tpu.memory_space<vmem>>, vector<1x1x2x10000xf32>
      %get3A_27 = vector.shape_cast %get3A_26 : vector<1x1x2x10000xf32> to vector<2x10000xf32>
      %add3A = arith.addf %get3A_21, %get3A_27 : vector<2x10000xf32>
      %max3A = arith.constant 1.000000e+00 : f32
      %max3A_28 = vector.broadcast %max3A : f32 to vector<2x10000xf32>
      %max3A_29 = arith.maximumf %add3A, %max3A_28 : vector<2x10000xf32>
      %rsqrt3A = math.rsqrt %max3A_29 : vector<2x10000xf32>
      %transpose3A = tpu.transpose %rsqrt3A, [1, 0] : vector<2x10000xf32> -> vector<10000x2xf32>
      %swap3A_30 = arith.constant 0 : index
      %swap3A_31 = arith.constant 0 : index
      %swap3A_32 = vector.load %arg4[%swap3A_30, %swap3A_31] : memref<10000x2xf32, #tpu.memory_space<vmem>>, vector<10000x2xf32>
      tpu.vector_store %arg4[%swap3A_30, %swap3A_31], %transpose3A {strides = array<i32>} : memref<10000x2xf32, #tpu.memory_space<vmem>>, vector<10000x2xf32>,
    } else {
    }
    %get3A = arith.constant 0 : index
    %get3A_2 = arith.constant 0 : index
    %get3A_3 = vector.load %arg2[%get3A, %get3A_2] : memref<1000x128xf32, #tpu.memory_space<vmem>>, vector<1000x128xf32>
    %get3A_4 = arith.constant 0 : index
    %get3A_5 = arith.constant 0 : index
    %get3A_6 = vector.load %arg3[%get3A_4, %get3A_5] : memref<128x32xf32, #tpu.memory_space<vmem>>, vector<128x32xf32>
    %dot_general3A = arith.constant dense<0.000000e+00> : vector<1000x32xf32>
    %dot_general3A_7 = tpu.matmul %get3A_3, %get3A_6, %dot_general3A {dimension_numbers = #tpu.dot_dimension_numbers<[1], [0], [0], [1], [0, 0, 1, 1], [], []>, transpose_lhs_hint = false} : vector<1000x128xf32>, vector<128x32xf32>, vector<1000x32xf32> -> vector<1000x32xf32>
    %mul3A = arith.constant 1000 : i32
    %mul3A_8 = arith.muli %arg0, %mul3A : i32
    %get3A_9 = arith.index_cast %mul3A_8 : i32 to index
    %get3A_10 = arith.constant 1 : index
    %get3A_11 = vector.load %arg4[%get3A_9, %get3A_10] : memref<10000x2xf32, #tpu.memory_space<vmem>>, vector<1000x1xf32>
    %mul3A_12 = vector.broadcast %get3A_11 : vector<1000x1xf32> to vector<1000x32xf32>
    %mul3A_13 = arith.mulf %dot_general3A_7, %mul3A_12 : vector<1000x32xf32>
    %swap3A = arith.constant 0 : index
    %swap3A_14 = arith.constant 0 : index
    %swap3A_15 = vector.load %arg5[%swap3A, %swap3A_14] : memref<1000x32xf32, #tpu.memory_space<vmem>>, vector<1000x32xf32>
    tpu.vector_store %arg5[%swap3A, %swap3A_14], %mul3A_13 {strides = array<i32>} : memref<1000x32xf32, #tpu.memory_space<vmem>>, vector<1000x32xf32>,
    return
  }
  func.func @transform_0(%arg0: i32) -> (i32, i32, i32, i32) {
    %c0_i32 = arith.constant 0 : i32
    %c0_i32_0 = arith.constant 0 : i32
    %c0_i32_1 = arith.constant 0 : i32
    %c0_i32_2 = arith.constant 0 : i32
    %c0_i32_3 = arith.constant 0 : i32
    return %c0_i32, %c0_i32_0, %c0_i32_1, %c0_i32_2 : i32, i32, i32, i32
  }
  func.func @transform_1(%arg0: i32) -> (i32, i32) {
    %c0_i32 = arith.constant 0 : i32
    %c0_i32_0 = arith.constant 0 : i32
    return %arg0, %c0_i32 : i32, i32
  }
  func.func @transform_2(%arg0: i32) -> (i32, i32) {
    %c0_i32 = arith.constant 0 : i32
    %c0_i32_0 = arith.constant 0 : i32
    %c0_i32_1 = arith.constant 0 : i32
    return %c0_i32, %c0_i32_0 : i32, i32
  }
  func.func @transform_3(%arg0: i32) -> (i32, i32) {
    %c0_i32 = arith.constant 0 : i32
    %c0_i32_0 = arith.constant 0 : i32
    %c0_i32_1 = arith.constant 0 : i32
    return %c0_i32, %c0_i32_0 : i32, i32
  }
  func.func @transform_4(%arg0: i32) -> (i32, i32) {
    %c0_i32 = arith.constant 0 : i32
    %c0_i32_0 = arith.constant 0 : i32
    return %arg0, %c0_i32 : i32, i32
  }
}

module attributes {stable_mosaic.version = 14 : i64} {
  func.func @body(%arg0: i32, %arg1: memref<2x1000x32xf32, #tpu.memory_space<vmem>>, %arg2: memref<1000x2xf32, #tpu.memory_space<vmem>>, %arg3: memref<1x32xf32, #tpu.memory_space<vmem>>, %arg4: memref<32x64xf32, #tpu.memory_space<vmem>>, %arg5: memref<1000x64xf32, #tpu.memory_space<vmem>>) attributes {dimension_semantics = [#tpu.dimension_semantics<arbitrary>], iteration_bounds = array<i64: 10>, scalar_prefetch = 0 : i64, scratch_operands = 0 : i64, tpu.core_type = #tpu.core_type<tc>, window_params = [{transform_indices = @transform_0, window_bounds = array<i64: 2, 1000, 32>}, {transform_indices = @transform_1, window_bounds = array<i64: 1000, 2>}, {pipeline_mode = #tpu.pipeline_mode<synchronous>, transform_indices = @transform_2, window_bounds = array<i64: 1, 32>}, {pipeline_mode = #tpu.pipeline_mode<synchronous>, transform_indices = @transform_3, window_bounds = array<i64: 32, 64>}, {transform_indices = @transform_4, window_bounds = array<i64: 1000, 64>}]} {
    %get3A = arith.constant 0 : index
    %get3A_0 = arith.constant 0 : index
    %get3A_1 = arith.constant 0 : index
    %get3A_2 = vector.load %arg1[%get3A, %get3A_0, %get3A_1] : memref<2x1000x32xf32, #tpu.memory_space<vmem>>, vector<1x1000x32xf32>
    %get3A_3 = vector.shape_cast %get3A_2 : vector<1x1000x32xf32> to vector<1000x32xf32>
    %get3A_4 = arith.constant 1 : index
    %get3A_5 = arith.constant 0 : index
    %get3A_6 = arith.constant 0 : index
    %get3A_7 = vector.load %arg1[%get3A_4, %get3A_5, %get3A_6] : memref<2x1000x32xf32, #tpu.memory_space<vmem>>, vector<1x1000x32xf32>
    %get3A_8 = vector.shape_cast %get3A_7 : vector<1x1000x32xf32> to vector<1000x32xf32>
    %add3A = arith.addf %get3A_3, %get3A_8 : vector<1000x32xf32>
    %get3A_9 = arith.constant 0 : index
    %get3A_10 = arith.constant 0 : index
    %get3A_11 = vector.load %arg2[%get3A_9, %get3A_10] : memref<1000x2xf32, #tpu.memory_space<vmem>>, vector<1000x1xf32>
    %mul3A = vector.broadcast %get3A_11 : vector<1000x1xf32> to vector<1000x32xf32>
    %mul3A_12 = arith.mulf %add3A, %mul3A : vector<1000x32xf32>
    %get3A_13 = arith.constant 0 : index
    %get3A_14 = arith.constant 0 : index
    %get3A_15 = vector.load %arg3[%get3A_13, %get3A_14] : memref<1x32xf32, #tpu.memory_space<vmem>>, vector<1x32xf32>
    %add3A_16 = vector.broadcast %get3A_15 : vector<1x32xf32> to vector<1000x32xf32>
    %add3A_17 = arith.addf %mul3A_12, %add3A_16 : vector<1000x32xf32>
    %max3A = arith.constant 0.000000e+00 : f32
    %max3A_18 = vector.broadcast %max3A : f32 to vector<1000x32xf32>
    %max3A_19 = arith.maximumf %add3A_17, %max3A_18 : vector<1000x32xf32>
    %get3A_20 = arith.constant 0 : index
    %get3A_21 = arith.constant 0 : index
    %get3A_22 = vector.load %arg4[%get3A_20, %get3A_21] : memref<32x64xf32, #tpu.memory_space<vmem>>, vector<32x64xf32>
    %dot_general3A = arith.constant dense<0.000000e+00> : vector<1000x64xf32>
    %dot_general3A_23 = tpu.matmul %max3A_19, %get3A_22, %dot_general3A {dimension_numbers = #tpu.dot_dimension_numbers<[1], [0], [0], [1], [0, 0, 1, 1], [], []>, transpose_lhs_hint = false} : vector<1000x32xf32>, vector<32x64xf32>, vector<1000x64xf32> -> vector<1000x64xf32>
    %get3A_24 = arith.constant 0 : index
    %get3A_25 = arith.constant 1 : index
    %get3A_26 = vector.load %arg2[%get3A_24, %get3A_25] : memref<1000x2xf32, #tpu.memory_space<vmem>>, vector<1000x1xf32>
    %mul3A_27 = vector.broadcast %get3A_26 : vector<1000x1xf32> to vector<1000x64xf32>
    %mul3A_28 = arith.mulf %dot_general3A_23, %mul3A_27 : vector<1000x64xf32>
    %swap3A = arith.constant 0 : index
    %swap3A_29 = arith.constant 0 : index
    %swap3A_30 = vector.load %arg5[%swap3A, %swap3A_29] : memref<1000x64xf32, #tpu.memory_space<vmem>>, vector<1000x64xf32>
    tpu.vector_store %arg5[%swap3A, %swap3A_29], %mul3A_28 {strides = array<i32>} : memref<1000x64xf32, #tpu.memory_space<vmem>>, vector<1000x64xf32>,
    return
  }
  func.func @transform_0(%arg0: i32) -> (i32, i32, i32) {
    %c0_i32 = arith.constant 0 : i32
    %c0_i32_0 = arith.constant 0 : i32
    %c0_i32_1 = arith.constant 0 : i32
    return %c0_i32, %arg0, %c0_i32_0 : i32, i32, i32
  }
  func.func @transform_1(%arg0: i32) -> (i32, i32) {
    %c0_i32 = arith.constant 0 : i32
    %c0_i32_0 = arith.constant 0 : i32
    return %arg0, %c0_i32 : i32, i32
  }
  func.func @transform_2(%arg0: i32) -> (i32, i32) {
    %c0_i32 = arith.constant 0 : i32
    %c0_i32_0 = arith.constant 0 : i32
    %c0_i32_1 = arith.constant 0 : i32
    return %c0_i32, %c0_i32_0 : i32, i32
  }
  func.func @transform_3(%arg0: i32) -> (i32, i32) {
    %c0_i32 = arith.constant 0 : i32
    %c0_i32_0 = arith.constant 0 : i32
    %c0_i32_1 = arith.constant 0 : i32
    return %c0_i32, %c0_i32_0 : i32, i32
  }
  func.func @transform_4(%arg0: i32) -> (i32, i32) {
    %c0_i32 = arith.constant 0 : i32
    %c0_i32_0 = arith.constant 0 : i32
    return %arg0, %c0_i32 : i32, i32
  }
}

module attributes {stable_mosaic.version = 14 : i64} {
  func.func @body(%arg0: i32, %arg1: memref<2x1000x64xf32, #tpu.memory_space<vmem>>, %arg2: memref<1000x2xf32, #tpu.memory_space<vmem>>, %arg3: memref<1x64xf32, #tpu.memory_space<vmem>>, %arg4: memref<1000x64xf32, #tpu.memory_space<vmem>>) attributes {dimension_semantics = [#tpu.dimension_semantics<arbitrary>], iteration_bounds = array<i64: 10>, scalar_prefetch = 0 : i64, scratch_operands = 0 : i64, tpu.core_type = #tpu.core_type<tc>, window_params = [{transform_indices = @transform_0, window_bounds = array<i64: 2, 1000, 64>}, {transform_indices = @transform_1, window_bounds = array<i64: 1000, 2>}, {pipeline_mode = #tpu.pipeline_mode<synchronous>, transform_indices = @transform_2, window_bounds = array<i64: 1, 64>}, {transform_indices = @transform_3, window_bounds = array<i64: 1000, 64>}]} {
    %get3A = arith.constant 0 : index
    %get3A_0 = arith.constant 0 : index
    %get3A_1 = arith.constant 0 : index
    %get3A_2 = vector.load %arg1[%get3A, %get3A_0, %get3A_1] : memref<2x1000x64xf32, #tpu.memory_space<vmem>>, vector<1x1000x64xf32>
    %get3A_3 = vector.shape_cast %get3A_2 : vector<1x1000x64xf32> to vector<1000x64xf32>
    %get3A_4 = arith.constant 1 : index
    %get3A_5 = arith.constant 0 : index
    %get3A_6 = arith.constant 0 : index
    %get3A_7 = vector.load %arg1[%get3A_4, %get3A_5, %get3A_6] : memref<2x1000x64xf32, #tpu.memory_space<vmem>>, vector<1x1000x64xf32>
    %get3A_8 = vector.shape_cast %get3A_7 : vector<1x1000x64xf32> to vector<1000x64xf32>
    %add3A = arith.addf %get3A_3, %get3A_8 : vector<1000x64xf32>
    %get3A_9 = arith.constant 0 : index
    %get3A_10 = arith.constant 0 : index
    %get3A_11 = vector.load %arg2[%get3A_9, %get3A_10] : memref<1000x2xf32, #tpu.memory_space<vmem>>, vector<1000x1xf32>
    %mul3A = vector.broadcast %get3A_11 : vector<1000x1xf32> to vector<1000x64xf32>
    %mul3A_12 = arith.mulf %add3A, %mul3A : vector<1000x64xf32>
    %get3A_13 = arith.constant 0 : index
    %get3A_14 = arith.constant 0 : index
    %get3A_15 = vector.load %arg3[%get3A_13, %get3A_14] : memref<1x64xf32, #tpu.memory_space<vmem>>, vector<1x64xf32>
    %add3A_16 = vector.broadcast %get3A_15 : vector<1x64xf32> to vector<1000x64xf32>
    %add3A_17 = arith.addf %mul3A_12, %add3A_16 : vector<1000x64xf32>
    %swap3A = arith.constant 0 : index
    %swap3A_18 = arith.constant 0 : index
    %swap3A_19 = vector.load %arg4[%swap3A, %swap3A_18] : memref<1000x64xf32, #tpu.memory_space<vmem>>, vector<1000x64xf32>
    tpu.vector_store %arg4[%swap3A, %swap3A_18], %add3A_17 {strides = array<i32>} : memref<1000x64xf32, #tpu.memory_space<vmem>>, vector<1000x64xf32>,
    return
  }
  func.func @transform_0(%arg0: i32) -> (i32, i32, i32) {
    %c0_i32 = arith.constant 0 : i32
    %c0_i32_0 = arith.constant 0 : i32
    %c0_i32_1 = arith.constant 0 : i32
    return %c0_i32, %arg0, %c0_i32_0 : i32, i32, i32
  }
  func.func @transform_1(%arg0: i32) -> (i32, i32) {
    %c0_i32 = arith.constant 0 : i32
    %c0_i32_0 = arith.constant 0 : i32
    return %arg0, %c0_i32 : i32, i32
  }
  func.func @transform_2(%arg0: i32) -> (i32, i32) {
    %c0_i32 = arith.constant 0 : i32
    %c0_i32_0 = arith.constant 0 : i32
    %c0_i32_1 = arith.constant 0 : i32
    return %c0_i32, %c0_i32_0 : i32, i32
  }
  func.func @transform_3(%arg0: i32) -> (i32, i32) {
    %c0_i32 = arith.constant 0 : i32
    %c0_i32_0 = arith.constant 0 : i32
    return %arg0, %c0_i32 : i32, i32
  }
}

</mosaic_0001>

<sc_bundles>
// kernel: kernel.11.cloned.1.call-start
scs
__scs_entry_jumppad:
0x0: {  	(pc) =	sbr.rel $0x88, $3  }
0x1: {  	(tag) =	ssettag $0x0;
	lr =	simm.s32 $0x1  }
0x2: {  	[smem:$0x3F9B] =	sst lr;
	_ =	strace $0xD0000000  }
0x3: {  	_ = 	snop  }
0x4: {  	_ = 	snop  }
0x5: {  	_ = 	snop  }
0x6: {  	_ = 	snop  }
0x7: {  	_ = 	snop  }
__scs_overlays_trampoline_lowered:
0x8: {  	[smem:$0x3FAA] =	sst s0  }
0x9: {  	[smem:$0x3FAB] =	sst s1  }
0xa: {  	[smem:$0x3FAC] =	sst s2  }
0xb: {  	[smem:$0x3FAD] =	sst s3  }
0xc: {  	[smem:$0x3FAE] =	sst s4  }
0xd: {  	[smem:$0x3FAF] =	sst s5  }
0xe: {  	[smem:$0x3FB0] =	sst s6  }
0xf: {  	[smem:$0x3FB1] =	sst s7  }
0x10: {  	[smem:$0x3FB2] =	sst s8  }
0x11: {  	[smem:$0x3FB3] =	sst s9;
	s0 =	simm.s32 @!p0 $0x0  }
0x12: {  	s1 =	sld [smem:$0x3F99];
	s0 =	simm.s32 @p0 $0x1  }
0x13: {  	[smem:$0x3FB4] =	sst s0;
	s0 =	simm.s32 @!p1 $0x0  }
0x14: {  	s2 =	sld [smem:$0x3F98];
	s0 =	simm.s32 @p1 $0x1  }
0x15: {  	[smem:$0x3FB5] =	sst s0;
	s0 =	simm.s32 @!p2 $0x0  }
0x16: {  	s3 =	sld [smem:$0x3FDB];
	s0 =	simm.s32 @p2 $0x1  }
0x17: {  	s4 =	simm.s32 $0x1BF5;
	[smem:$0x3FB7] =	sst s0  }
0x18: {  	s0 =	sld [smem:$0x3F9A];
	_ =	swait.ge [sflag:s4], $0x0  }
0x19: {  	s7 =	sld [smem:$0x3F9B]  }
0x1a: {  	s8 =	sadd.s32 $0xFFFFE003, lr  }
0x1b: {  	s9 =	sadd.s32 $0xFFFFFEF7, lr;
	s5 =	simm.s32 $0xFFFFFFFF;
	p2 =	slt.u32 s8, $0xFFFFF086  }
0x1c: {  	p1 =	slt.u32 s9, $0xF7A;
	s5 =	simm.s32 @!p2 $0x0  }
0x1d: {  	s5 =	simm.s32 @p1 $0x1;
	p0 =	seq.s32 s7, s2  }
0x1e: {  	s7 =	smul.u32 @!p0 $0xF7A, s2;
	p2 =	seq.s32 @!p0 s5, $0x0  }
0x1f: {  	s9 =	smul.u32 $0xF7A, s1;
	s8 =	simm.s32 @!p0 $0x1BF5;
	p2 =	por !p2, p0  }
0x20: {  	[sflag:s8] =	ssyncset.s32 @!p0 $0xFFFFF086;
	s6 =	sadd.s32 @!p0 s3, s7;
	s7 =	simm.s32 @!p0 $0x108  }
0x21: {  	s3 =	sadd.s32 s3, s9;
	s6 =	sadd.s32 @!p0 $0x88, s6;
	s7 =	simm.s32 @p2 $0x1082  }
0x22: {  	[simem:s7], [sflag:s8] =	dma.local @!p0 [hbm:s6], $0xF7A  }
0x23: {  	s9 =	sor.u32 $0xD0000000, s2;
	s6 =	simm.s32 $0x108;
	_ =	swait.ge @!p0 [sflag:s8], $0x0  }
0x24: {  	s3 =	sadd.s32 $0x88, s3;
	s6 =	simm.s32 @!p1 $0x1082;
	[sflag:s4] =	ssyncset.s32 $0xFFFFF086  }
0x25: {  	[simem:s6], [sflag:s4] =	dma.local [hbm:s3], $0xF7A  }
0x26: {  	[smem:$0x3F9B] =	sst s1;
	(tag) =	ssettag s2;
	_ =	strace s9  }
0x27: {  	s1 =	sld [smem:$0x3FAB]  }
0x28: {  	s2 =	sld [smem:$0x3FAC]  }
0x29: {  	s4 =	sld [smem:$0x3FAE]  }
0x2a: {  	p0 =	seq.s32 s5, $0x0;
	s5 =	sld [smem:$0x3FAF]  }
0x2b: {  	s6 =	sld [smem:$0x3FB0]  }
0x2c: {  	s7 =	sld [smem:$0x3FB1]  }
0x2d: {  	s3 =	simm.s32 $0x108;
	s8 =	sld [smem:$0x3FB2]  }
0x2e: {  	s3 =	simm.s32 @!p0 $0x1082;
	s9 =	sld [smem:$0x3FB3]  }
0x2f: {  	lr =	sadd.s32 s0, s3;
	s0 =	sld [smem:$0x3FAA]  }
0x30: {  	s3 =	sld [smem:$0x3FAD]  }
0x31: {  	[smem:$0x3FB6] =	sst s10  }
0x32: {  	s10 =	sld [smem:$0x3FB4];
	_ =	sdelay $0x3  }
0x33: {  	p0 =	seq.s32 s10, $0x1;
	s10 =	sld [smem:$0x3FB6];
	_ =	sdelay $0x3  }
0x34: {  	[smem:$0x3FB6] =	sst s10  }
0x35: {  	s10 =	sld [smem:$0x3FB5];
	_ =	sdelay $0x3  }
0x36: {  	p1 =	seq.s32 s10, $0x1;
	s10 =	sld [smem:$0x3FB6];
	_ =	sdelay $0x3  }
0x37: {  	[smem:$0x3FB6] =	sst s10  }
0x38: {  	s10 =	sld [smem:$0x3FB7]  }
0x39: {  	_ = 	snop;
	(pc) =	sbr.ind lr, $3  }
0x3a: {  	_ = 	snop  }
0x3b: {  	_ = 	snop  }
0x3c: {  	p2 =	seq.s32 s10, $0x1;
	s10 =	sld [smem:$0x3FB6]  }
0x3d: {  	_ =	shalt  }
0x3e: {  	_ =	shalt  }
0x3f: {  	_ =	shalt  }
0x40: {  	_ =	shalt  }
0x41: {  	_ =	shalt  }
0x42: {  	_ =	shalt  }
0x43: {  	_ =	shalt  }
0x44: {  	_ =	shalt  }
0x45: {  	_ =	shalt  }
0x46: {  	_ =	shalt  }
0x47: {  	_ =	shalt  }
0x48: {  	_ =	shalt  }
0x49: {  	_ =	shalt  }
0x4a: {  	_ =	shalt  }
0x4b: {  	_ =	shalt  }
0x4c: {  	_ =	shalt  }
0x4d: {  	_ =	shalt  }
0x4e: {  	_ =	shalt  }
0x4f: {  	_ =	shalt  }
0x50: {  	_ =	shalt  }
0x51: {  	_ =	shalt  }
0x52: {  	_ =	shalt  }
0x53: {  	_ =	shalt  }
0x54: {  	_ =	shalt  }
0x55: {  	_ =	shalt  }
0x56: {  	_ =	shalt  }
0x57: {  	_ =	shalt  }
0x58: {  	_ =	shalt  }
0x59: {  	_ =	shalt  }
0x5a: {  	_ =	shalt  }
0x5b: {  	_ =	shalt  }
0x5c: {  	_ =	shalt  }
0x5d: {  	_ =	shalt  }
0x5e: {  	_ =	shalt  }
0x5f: {  	_ =	shalt  }
0x60: {  	_ =	shalt  }
0x61: {  	_ =	shalt  }
0x62: {  	_ =	shalt  }
0x63: {  	_ =	shalt  }
0x64: {  	_ =	shalt  }
0x65: {  	_ =	shalt  }
0x66: {  	_ =	shalt  }
0x67: {  	_ =	shalt  }
0x68: {  	_ =	shalt  }
0x69: {  	_ =	shalt  }
0x6a: {  	_ =	shalt  }
0x6b: {  	_ =	shalt  }
0x6c: {  	_ =	shalt  }
0x6d: {  	_ =	shalt  }
0x6e: {  	_ =	shalt  }
0x6f: {  	_ =	shalt  }
0x70: {  	_ =	shalt  }
0x71: {  	_ =	shalt  }
0x72: {  	_ =	shalt  }
0x73: {  	_ =	shalt  }
0x74: {  	_ =	shalt  }
0x75: {  	_ =	shalt  }
0x76: {  	_ =	shalt  }
0x77: {  	_ =	shalt  }
0x78: {  	_ =	shalt  }
0x79: {  	_ =	shalt  }
0x7a: {  	_ =	shalt  }
0x7b: {  	_ =	shalt  }
0x7c: {  	_ =	shalt  }
0x7d: {  	_ =	shalt  }
0x7e: {  	_ =	shalt  }
0x7f: {  	_ =	shalt  }
0x80: {  	_ =	shalt  }
0x81: {  	_ =	shalt  }
0x82: {  	_ =	shalt  }
0x83: {  	_ =	shalt  }
0x84: {  	_ =	shalt  }
0x85: {  	_ =	shalt  }
0x86: {  	_ =	shalt  }
0x87: {  	_ =	shalt  }
.Lfunc_end0:
.L_simem_size_0:
called_computation.1_lowered:
.L_overlay_start_0:
0x88: {  	s2 =	sld [smem:$0x3FD9]  }
0x89: {  	s3 =	sld [smem:$0x3FFE];
	_ =	sdelay $0x1  }
0x8a: {  	s1 =	srdreg.scid  }
0x8b: {  	s0 =	sand.u32 $0x1, s1  }
0x8c: {  	s17 =	sshll.u32 s0, $0xA;
	s2 =	sadd.s32 s3, s2  }
0x8d: {  	s2 =	sadd.s32 s2, s17  }
0x8e: {  	[smem:$0x3FC2] =	sst s2  }
0x8f: {  	_ = 	snop  }
0x90: {  	s2 =	sld [smem:$0x3FD0];
	(tm) =	ssettm $0x1  }
0x91: {  	s18 =	sld [smem:$0x3FFB];
	_ =	sdelay $0x3  }
0x92: {  	_ =	strace s18  }
0x93: {  	s3 =	sld [smem:$0x3FFC];
	_ =	sdelay $0x3  }
0x94: {  	_ =	strace s3  }
0x95: {  	s3 =	sld [smem:$0x3FFD];
	_ =	sdelay $0x3  }
0x96: {  	_ =	strace s3  }
0x97: {  	_ =	strace $0x8FFFFFFF  }
0x98: {  	s19 =	sld [smem:$0x3FDB];
	_ =	sdelay $0x1  }
0x99: {  	s4 =	simm.s32 $_scs_section_size  }
0x9a: {  	s5 =	simm.s32 $_size__tile_overlayer_lowered;
	s6 =	simm.s32 $_tile_overlayer_lowered  }
0x9b: {  	s22 =	simm.s32 $0x1BFF;
	s21 =	sshll.u32 s6, $0x1;
	s3 =	sadd.s32 s4, s19  }
0x9c: {  	s7 =	simm.s32 $0x0;
	s20 =	sshll.u32 s5, $0x1;
	s5 =	sadd.s32 s21, s3  }
0x9d: {  	[timem:s7], [sflag:s22] =	dma.local [hbm:s5], s20  }
0x9e: {  	_ =	swait.ge [sflag:s22], s20  }
0x9f: {  	s4 =	ssub.s32 $0x0, s20;
	[sflag:s22] =	ssyncset.done $0x0  }
0xa0: {  	[sflag:s22] =	ssyncadd.s32 s4;
	_ =	sdelay $0x1  }
0xa1: {  	s23 =	simm.s32 $0x1B8B  }
0xa2: {  	_ =	swait.ge [sflag:s23], $0x1  }
0xa3: {  	[sflag:s23] =	ssyncset.done $0x0  }
0xa4: {  	s25 =	simm.s32 $0x1B8E;
	s24 =	sld [smem:$0x3FFE];
	[sflag:s23] =	ssyncadd.s32 $0xFFFFFFFF  }
0xa5: {  	s26 =	simm.s32 $execute0_lowered;
	[smem:$0x3FD2] =	sst s25  }
0xa6: {  	s5 =	sshll.u32 s26, $0x1;
	_ =	strace $0x80000049;
	[dreg:$0x1] =	wrdreg $0xFFFFFFFF  }
0xa7: {  	s28 =	simm.s32 $_size_execute0_lowered;
	s3 =	sadd.s32 s3, s5;
	[dreg:$0x0] =	wrdreg $0x0  }
0xa8: {  	s5 =	sshll.u32 s28, $0x1;
	[dreg:$0x2] =	wrdreg s3  }
0xa9: {  	[dreg:$0x3] =	wrdreg s5  }
0xaa: {  	[dreg:$0x4] =	wrdreg $0xC0  }
0xab: {  	_ =	task [dreg:s7], $0x5FFFF  }
0xac: {  	[dreg:$0x1] =	wrdreg $0xFFFFFFFF  }
0xad: {  	[dreg:$0x0] =	wrdreg $0x60  }
0xae: {  	[dreg:$0x2] =	wrdreg s24  }
0xaf: {  	[dreg:$0x3] =	wrdreg s2  }
0xb0: {  	[dreg:$0x4] =	wrdreg $0xB2200  }
0xb1: {  	[dreg:$0x5] =	wrdreg $0x9  }
0xb2: {  	_ =	task.clear_ibuf [dreg:s7], $0x6FFFF;
	_ =	strace $0x90000049  }
0xb3: {  	s29 =	simm.s32 $0x9;
	_ =	strace $0x8000004B  }
0xb4: {  	_ =	swait.ge [sflag:s29], $0x1  }
0xb5: {  	[sflag:s29] =	ssyncadd.s32 $0xFFFFFFFF  }
0xb6: {  	_ =	strace $0x9000004B  }
0xb7: {  	_ =	sfence  }
0xb8: {  	s30 =	sld [smem:$0x0];
	_ =	sdelay $0x2  }
0xb9: {  	s31 =	sshll.u32 s1, $0xD;
	s1 =	sshrl.u32 s1, $0x2  }
0xba: {  	s3 =	sand.u32 $0x4000, s31;
	s1 =	sadd.s32 s1, s30  }
0xbb: {  	s0 =	sor.u32 s3, s0;
	s1 =	sshll.u32 s1, $0x11  }
0xbc: {  	s0 =	sor.u32 s1, s0  }
0xbd: {  	s0 =	sadd.s32 $0x8F2B, s0  }
0xbe: {  	[sflag:s0] =	ssyncadd.remote.s32 $0x1  }
0xbf: {  	_ =	sfence.sel $0xFFFF  }
0xc0: {  	[dreg:$0x0] =	wrdreg $0xFFFFFFFF;
	(pc) =	sbr.abs _section_cstart, $3  }
0xc1: {  	[dreg:$0x1] =	wrdreg $0xFFFFFFFF  }
0xc2: {  	_ =	task.clear_ibuf [dreg:s7], $0x2FFFF;
	_ =	strace $0x9FFFFFFF  }
0xc3: {  	(tm) =	ssettm $0x7FFFFFFF  }
tec
execute0_lowered:
.L_overlay_start_1:
0x0: {  	(tag) =	ssettag $0x1  }
0x1: {  	s0 =	rddreg [dreg:$0x0]  }
0x2: {  	s1 =	rddreg [dreg:$0x1]  }
0x3: {  	s2 =	rddreg [dreg:$0x2]  }
0x4: {  	s3 =	srdreg.scid;
	s12 =	stileid.u32;
	s11 =	simm.s32 $0x2710  }
0x5: {  	s14 =	simm.s32 $0xC8;
	s15 =	simm.s32 $0x4E20;
	s16 =	simm.s32 $0x6720  }
0x6: {  	s18 =	simm.s32 $0x8020;
	s20 =	simm.s32 $0x9920;
	s21 =	simm.s32 $0x1  }
0x7: {  	s22 =	simm.s32 $0x2;
	s28 =	simm.s32 $0x4B00;
	s29 =	simm.s32 $0x2648  }
0x8: {  	s30 =	simm.s32 $0x4BC8;
	s31 =	simm.s32 $0x4C90;
	s5 =	sand.u32 $0x1, s3  }
0x9: {  	s3 =	simm.s32 $0x0;
	s7 =	smul.u32 $0x4E20, s12;
	s26 =	sshll.u32 s12, $0x6  }
0xa: {  	s4 =	sshll.u32 s5, $0x4;
	[smem:$0x7FF] =	sst s3;
	s6 =	smul.u32 $0x4E200, s5  }
0xb: {  	s10 =	ssub.s32 $0x2, s5;
	s4 =	sor.u32 s12, s4;
	_ =	strace $0x8000004A  }
0xc: {  	s8 =	sshrl.u32 s7, $0x3;
	s24 =	sshrl.u32 s10, $0x1;
	s13 =	sadd.s32 s7, s2  }
0xd: {  	s12 =	sor.u32 $0x1C05, s26;
	s26 =	simm.s32 $0x2580;
	s9 =	smul.u32 $0x2710, s4  }
0xe: {  	s4 =	sadd.s32 $0x1E00, s0;
	s8 =	sadd.s32 s8, s0;
	s6 =	sadd.s32 s7, s6  }
0xf: {  	s25 =	ssub.s32 s10, s24;
	s10 =	simm.s32 $0x5;
	s13 =	sshrl.u32 s13, $0x3  }
0x10: {  	s24 =	simm.s32 $0x3;
	s6 =	sshrl.u32 s6, $0x3;
	s7 =	sadd.s32 $0xBC00, s8  }
0x11: {  	s23 =	sshrl.u32 s9, $0x3;
	s0 =	sadd.s32 s6, s0;
	s9 =	smax.u32 s25, $0x1  }
0x12: {  	s25 =	simm.s32 $0x4;
	s5 =	sadd.s32 s1, s23;
	s8 =	sadd.s32 $0x15A00, s0  }
0x13: {  	s0 =	simm.s32 $0x4D58;
	s1 =	simm.s32 $0x0;
	s6 =	sadd.s32 $0x9C40, s5  }
.LBB2_1:
0x14: {  	[tilespmem:s3], [sflag:$0x5] =	stream.linear.gather [hbm4b:s5+s3], $0x2710, $0x38;
	[tilespmem:$0x10040] =	vst v63  }
0x15: {  	_ =	swait.ge [sflag:s10], $0x2710  }
0x16: {  	[sflag:s10] =	ssyncset.done $0x0  }
0x17: {  	[sflag:s10] =	ssyncadd.s32 $0xFFFFD8F0  }
0x18: {  	[tilespmem:s11], [sflag:$0x5] =	stream.linear.gather [hbm4b:s6+s3], $0x2710, $0x38;
	[tilespmem:$0x10040] =	vst v63  }
0x19: {  	_ =	swait.ge [sflag:s10], $0x2710  }
0x1a: {  	[sflag:s10] =	ssyncset.done $0x0  }
0x1b: {  	[sflag:s10] =	ssyncadd.s32 $0xFFFFD8F0  }
0x1c: {  	[spmem:s13], [sflag:s12] =	dma.local [hbm:s7], $0x9C4  }
0x1d: {  	_ =	swait.ge [sflag:s10], $0x9C4  }
0x1e: {  	[sflag:s10] =	ssyncset.done $0x0  }
0x1f: {  	[sflag:s10] =	ssyncadd.s32 $0xFFFFF63C  }
0x20: {  	[bflag:$0x0] =	sbarrier.arrive $0xFFFF  }
0x21: {  	[tilespmem:s15], [sflag:$0x1] =	stream.indirect.gather [hbm4b:s4+s14], $0x20, s3, s14, $0xb8;
	[tilespmem:$0x10040] =	vst v63  }
0x22: {  	_ = 	snop  }
0x23: {  	[tilespmem:s16], [sflag:$0x2] =	stream.indirect.gather [hbm4b:s4+s14], $0x20, s14, s14, $0xb8;
	[tilespmem:$0x10040] =	vst v63  }
0x24: {  	s17 =	simm.s32 $0x190  }
0x25: {  	[tilespmem:s18], [sflag:$0x3] =	stream.indirect.gather [hbm4b:s4+s14], $0x20, s17, s14, $0xb8;
	[tilespmem:$0x10040] =	vst v63  }
0x26: {  	s23 =	simm.s32 $0x258  }
0x27: {  	[tilespmem:s20], [sflag:$0x4] =	stream.indirect.gather [hbm4b:s4+s14], $0x20, s23, s14, $0xb8;
	[tilespmem:$0x10040] =	vst v63  }
0x28: {  	_ =	swait.ge [sflag:s21], $0x1900  }
0x29: {  	[sflag:s21] =	ssyncset.done $0x0  }
0x2a: {  	[sflag:s21] =	ssyncadd.s32 $0xFFFFE700  }
0x2b: {  	[spmem:s2] =	stream.indirect.scatter.add.f32 [tilespmem:s15], [sflag:$0x1], $0x20, s11, s14, $0xb8;
	[tilespmem:$0x10040] =	vst v63  }
0x2c: {  	_ =	swait.ge [sflag:s22], $0x1900  }
0x2d: {  	[sflag:s22] =	ssyncset.done $0x0  }
0x2e: {  	s19 =	simm.s32 $0x27D8;
	[sflag:s22] =	ssyncadd.s32 $0xFFFFE700  }
0x2f: {  	[spmem:s2] =	stream.indirect.scatter.add.f32 [tilespmem:s16], [sflag:$0x2], $0x20, s19, s14, $0xb8;
	[tilespmem:$0x10040] =	vst v63  }
0x30: {  	_ =	swait.ge [sflag:s21], $0x1900  }
0x31: {  	[sflag:s21] =	ssyncset.done $0x0  }
0x32: {  	s23 =	simm.s32 $0x320;
	[sflag:s21] =	ssyncadd.s32 $0xFFFFE700  }
0x33: {  	[tilespmem:s15], [sflag:$0x1] =	stream.indirect.gather [hbm4b:s4+s14], $0x20, s23, s14, $0xb8;
	[tilespmem:$0x10040] =	vst v63  }
0x34: {  	_ =	swait.ge [sflag:s24], $0x1900  }
0x35: {  	[sflag:s24] =	ssyncset.done $0x0  }
0x36: {  	s19 =	simm.s32 $0x28A0;
	[sflag:s24] =	ssyncadd.s32 $0xFFFFE700  }
0x37: {  	[spmem:s2] =	stream.indirect.scatter.add.f32 [tilespmem:s18], [sflag:$0x3], $0x20, s19, s14, $0xb8;
	[tilespmem:$0x10040] =	vst v63  }
0x38: {  	_ =	swait.ge [sflag:s22], $0x1900  }
0x39: {  	[sflag:s22] =	ssyncset.done $0x0  }
0x3a: {  	s23 =	simm.s32 $0x3E8;
	[sflag:s22] =	ssyncadd.s32 $0xFFFFE700  }
0x3b: {  	[tilespmem:s16], [sflag:$0x2] =	stream.indirect.gather [hbm4b:s4+s14], $0x20, s23, s14, $0xb8;
	[tilespmem:$0x10040] =	vst v63  }
0x3c: {  	_ =	swait.ge [sflag:s25], $0x1900  }
0x3d: {  	[sflag:s25] =	ssyncset.done $0x0  }
0x3e: {  	s19 =	simm.s32 $0x2968;
	[sflag:s25] =	ssyncadd.s32 $0xFFFFE700  }
0x3f: {  	[spmem:s2] =	stream.indirect.scatter.add.f32 [tilespmem:s20], [sflag:$0x4], $0x20, s19, s14, $0xb8;
	[tilespmem:$0x10040] =	vst v63  }
0x40: {  	_ =	swait.ge [sflag:s24], $0x1900  }
0x41: {  	[sflag:s24] =	ssyncset.done $0x0  }
0x42: {  	s23 =	simm.s32 $0x4B0;
	[sflag:s24] =	ssyncadd.s32 $0xFFFFE700  }
0x43: {  	[tilespmem:s18], [sflag:$0x3] =	stream.indirect.gather [hbm4b:s4+s14], $0x20, s23, s14, $0xb8;
	[tilespmem:$0x10040] =	vst v63  }
0x44: {  	_ =	swait.ge [sflag:s21], $0x1900  }
0x45: {  	[sflag:s21] =	ssyncset.done $0x0  }
0x46: {  	s19 =	simm.s32 $0x2A30;
	[sflag:s21] =	ssyncadd.s32 $0xFFFFE700  }
0x47: {  	[spmem:s2] =	stream.indirect.scatter.add.f32 [tilespmem:s15], [sflag:$0x1], $0x20, s19, s14, $0xb8;
	[tilespmem:$0x10040] =	vst v63  }
0x48: {  	_ =	swait.ge [sflag:s25], $0x1900  }
0x49: {  	[sflag:s25] =	ssyncset.done $0x0  }
0x4a: {  	s23 =	simm.s32 $0x578;
	[sflag:s25] =	ssyncadd.s32 $0xFFFFE700  }
0x4b: {  	[tilespmem:s20], [sflag:$0x4] =	stream.indirect.gather [hbm4b:s4+s14], $0x20, s23, s14, $0xb8;
	[tilespmem:$0x10040] =	vst v63  }
0x4c: {  	_ =	swait.ge [sflag:s22], $0x1900  }
0x4d: {  	[sflag:s22] =	ssyncset.done $0x0  }
0x4e: {  	s17 =	simm.s32 $0xC80;
	s19 =	simm.s32 $0x2AF8;
	[sflag:s22] =	ssyncadd.s32 $0xFFFFE700  }
.LBB2_2:
0x4f: {  	[spmem:s2] =	stream.indirect.scatter.add.f32 [tilespmem:s16], [sflag:$0x2], $0x20, s19, s14, $0xb8;
	[tilespmem:$0x10040] =	vst v63  }
0x50: {  	s19 =	smov.u32 s17  }
0x51: {  	p0 =	sne.s32 s17, $0x7D00;
	s17 =	sadd.s32 $0xC80, s17;
	_ =	swait.ge [sflag:s21], $0x1900  }
0x52: {  	s19 =	sshra.s32 s19, $0x2;
	[sflag:s21] =	ssyncset.done $0x0  }
0x53: {  	s23 =	sadd.s32 $0x320, s19;
	[sflag:s21] =	ssyncadd.s32 $0xFFFFE700  }
0x54: {  	[tilespmem:s15], [sflag:$0x1] =	stream.indirect.gather [hbm4b:s4+s14], $0x20, s23, s14, $0xb8;
	[tilespmem:$0x10040] =	vst v63  }
0x55: {  	_ =	swait.ge [sflag:s24], $0x1900  }
0x56: {  	[sflag:s24] =	ssyncset.done $0x0  }
0x57: {  	s23 =	sadd.s32 $0x28A0, s19;
	[sflag:s24] =	ssyncadd.s32 $0xFFFFE700  }
0x58: {  	[spmem:s2] =	stream.indirect.scatter.add.f32 [tilespmem:s18], [sflag:$0x3], $0x20, s23, s14, $0xb8;
	[tilespmem:$0x10040] =	vst v63  }
0x59: {  	_ =	swait.ge [sflag:s22], $0x1900  }
0x5a: {  	[sflag:s22] =	ssyncset.done $0x0  }
0x5b: {  	s23 =	sadd.s32 $0x3E8, s19;
	[sflag:s22] =	ssyncadd.s32 $0xFFFFE700  }
0x5c: {  	[tilespmem:s16], [sflag:$0x2] =	stream.indirect.gather [hbm4b:s4+s14], $0x20, s23, s14, $0xb8;
	[tilespmem:$0x10040] =	vst v63  }
0x5d: {  	_ =	swait.ge [sflag:s25], $0x1900  }
0x5e: {  	[sflag:s25] =	ssyncset.done $0x0  }
0x5f: {  	s23 =	sadd.s32 $0x2968, s19;
	[sflag:s25] =	ssyncadd.s32 $0xFFFFE700  }
0x60: {  	[spmem:s2] =	stream.indirect.scatter.add.f32 [tilespmem:s20], [sflag:$0x4], $0x20, s23, s14, $0xb8;
	[tilespmem:$0x10040] =	vst v63  }
0x61: {  	_ =	swait.ge [sflag:s24], $0x1900  }
0x62: {  	[sflag:s24] =	ssyncset.done $0x0  }
0x63: {  	s23 =	sadd.s32 $0x4B0, s19;
	[sflag:s24] =	ssyncadd.s32 $0xFFFFE700  }
0x64: {  	[tilespmem:s18], [sflag:$0x3] =	stream.indirect.gather [hbm4b:s4+s14], $0x20, s23, s14, $0xb8;
	[tilespmem:$0x10040] =	vst v63  }
0x65: {  	_ =	swait.ge [sflag:s21], $0x1900  }
0x66: {  	[sflag:s21] =	ssyncset.done $0x0  }
0x67: {  	s23 =	sadd.s32 $0x2A30, s19;
	[sflag:s21] =	ssyncadd.s32 $0xFFFFE700  }
0x68: {  	[spmem:s2] =	stream.indirect.scatter.add.f32 [tilespmem:s15], [sflag:$0x1], $0x20, s23, s14, $0xb8;
	[tilespmem:$0x10040] =	vst v63  }
0x69: {  	_ =	swait.ge [sflag:s25], $0x1900  }
0x6a: {  	[sflag:s25] =	ssyncset.done $0x0  }
.Ltmp0:
0x6b: {  	s23 =	sadd.s32 $0x578, s19;
	[sflag:s25] =	ssyncadd.s32 $0xFFFFE700;
	(pc) =	sbr.rel @p0 .LBB2_2-.Ltmp0, $4  }
0x6c: {  	[tilespmem:s20], [sflag:$0x4] =	stream.indirect.gather [hbm4b:s4+s14], $0x20, s23, s14, $0xb8;
	[tilespmem:$0x10040] =	vst v63  }
0x6d: {  	_ =	swait.ge [sflag:s22], $0x1900  }
0x6e: {  	[sflag:s22] =	ssyncset.done $0x0  }
0x6f: {  	s19 =	sadd.s32 $0x2AF8, s19;
	[sflag:s22] =	ssyncadd.s32 $0xFFFFE700  }
0x70: {  	[spmem:s2] =	stream.indirect.scatter.add.f32 [tilespmem:s16], [sflag:$0x2], $0x20, s19, s14, $0xb8;
	[tilespmem:$0x10040] =	vst v63  }
0x71: {  	_ =	swait.ge [sflag:s21], $0x1900  }
0x72: {  	[sflag:s21] =	ssyncset.done $0x0  }
0x73: {  	[sflag:s21] =	ssyncadd.s32 $0xFFFFE700  }
0x74: {  	[tilespmem:s15], [sflag:$0x1] =	stream.indirect.gather [hbm4b:s4+s14], $0x20, s26, s14, $0xb8;
	[tilespmem:$0x10040] =	vst v63  }
0x75: {  	_ =	swait.ge [sflag:s24], $0x1900  }
0x76: {  	[sflag:s24] =	ssyncset.done $0x0  }
0x77: {  	[sflag:s24] =	ssyncadd.s32 $0xFFFFE700  }
0x78: {  	[spmem:s2] =	stream.indirect.scatter.add.f32 [tilespmem:s18], [sflag:$0x3], $0x20, s28, s14, $0xb8;
	[tilespmem:$0x10040] =	vst v63  }
0x79: {  	_ =	swait.ge [sflag:s22], $0x1900  }
0x7a: {  	[sflag:s22] =	ssyncset.done $0x0  }
0x7b: {  	[sflag:s22] =	ssyncadd.s32 $0xFFFFE700  }
0x7c: {  	[tilespmem:s16], [sflag:$0x2] =	stream.indirect.gather [hbm4b:s4+s14], $0x20, s29, s14, $0xb8;
	[tilespmem:$0x10040] =	vst v63  }
0x7d: {  	_ =	swait.ge [sflag:s25], $0x1900  }
0x7e: {  	[sflag:s25] =	ssyncset.done $0x0  }
0x7f: {  	[sflag:s25] =	ssyncadd.s32 $0xFFFFE700  }
0x80: {  	[spmem:s2] =	stream.indirect.scatter.add.f32 [tilespmem:s20], [sflag:$0x4], $0x20, s30, s14, $0xb8;
	[tilespmem:$0x10040] =	vst v63  }
0x81: {  	_ =	swait.ge [sflag:s24], $0x1900  }
0x82: {  	[sflag:s24] =	ssyncset.done $0x0  }
0x83: {  	[sflag:s24] =	ssyncadd.s32 $0xFFFFE700  }
0x84: {  	_ =	swait.ge [sflag:s21], $0x1900  }
0x85: {  	[sflag:s21] =	ssyncset.done $0x0  }
0x86: {  	[sflag:s21] =	ssyncadd.s32 $0xFFFFE700  }
0x87: {  	[spmem:s2] =	stream.indirect.scatter.add.f32 [tilespmem:s15], [sflag:$0x1], $0x20, s31, s14, $0xb8;
	[tilespmem:$0x10040] =	vst v63  }
0x88: {  	_ =	swait.ge [sflag:s25], $0x1900  }
0x89: {  	[sflag:s25] =	ssyncset.done $0x0  }
0x8a: {  	[sflag:s25] =	ssyncadd.s32 $0xFFFFE700  }
0x8b: {  	_ =	swait.ge [sflag:s22], $0x1900  }
0x8c: {  	[sflag:s22] =	ssyncset.done $0x0  }
0x8d: {  	[sflag:s22] =	ssyncadd.s32 $0xFFFFE700  }
0x8e: {  	[spmem:s2] =	stream.indirect.scatter.add.f32 [tilespmem:s16], [sflag:$0x2], $0x20, s0, s14, $0xb8;
	[tilespmem:$0x10040] =	vst v63  }
0x8f: {  	_ =	swait.ge [sflag:s21], $0x1900  }
0x90: {  	[sflag:s21] =	ssyncset.done $0x0  }
0x91: {  	[sflag:s21] =	ssyncadd.s32 $0xFFFFE700  }
0x92: {  	_ =	swait.ge [sflag:s22], $0x1900  }
0x93: {  	s1 =	sadd.s32 $0x1, s1;
	[sflag:s22] =	ssyncset.done $0x0  }
0x94: {  	p0 =	sne.s32 s1, s9;
	[sflag:s22] =	ssyncadd.s32 $0xFFFFE700  }
.Ltmp1:
0x95: {  	[bflag:$0x0] =	sbarrier.arrive $0xFFFF;
	(pc) =	sbr.rel @p0 .LBB2_1-.Ltmp1, $4  }
0x96: {  	[hbm:s8], [sflag:s12] =	dma.local [spmem:s13], $0x9C4  }
0x97: {  	_ =	swait.ge [sflag:s10], $0x9C4  }
0x98: {  	[sflag:s10] =	ssyncset.done $0x0  }
0x99: {  	[sflag:s10] =	ssyncadd.s32 $0xFFFFF63C  }
0x9a: {  	_ =	sfence.sel $0x180000  }
0x9b: {  	[bflag:$0x0] =	sbarrier.arrive $0xFFFF  }
0x9c: {  	_ =	strace $0x9000004A  }
0x9d: {  	s0 =	stileid.u32;
	[bflag:$0x2] =	sbarrier.arrive $0xFFFF  }
0x9e: {  	p0 =	sne.s32 s0, $0x0;
	s0 =	rddreg [dreg:$0x3]  }
0x9f: {  	s0 =	sadd.s32 @!p0 $0x100000, s0  }
0xa0: {  	[sflag:s0] =	ssyncadd.tile.s32 @!p0 $0x1;
	_ =	shalt  }
.Lfunc_end2:
_tile_overlayer_lowered:
.L_overlay_start_2:
0xa1: {  	(tag) =	ssettag $0x2  }
0xa2: {  	s0 =	rddreg [dreg:$0x0];
	s2 =	stileid.u32  }
0xa3: {  	s1 =	rddreg [dreg:$0x1];
	p0 =	sne.s32 s2, $0x0  }
0xa4: {  	s3 =	rddreg [dreg:$0x2];
	[bflag:$0x3] =	sbarrier.arrive $0xFFFF;
	s2 =	simm.s32 @!p0 $0x1C05  }
0xa5: {  	[timem:s3], [sflag:s2] =	dma.local @!p0 [hbm:s0], s1  }
0xa6: {  	s0 =	simm.s32 @!p0 $0x5  }
0xa7: {  	_ =	swait.ge @!p0 [sflag:s0], s1  }
0xa8: {  	s1 =	ssub.s32 @!p0 $0x0, s1;
	[sflag:s0] =	ssyncset.done @!p0 $0x0  }
0xa9: {  	[sflag:s0] =	ssyncadd.s32 @!p0 s1  }
0xaa: {  	[bflag:$0x3] =	sbarrier.arrive $0xFFFF  }
0xab: {  	_ =	shalt  }

// kernel: kernel.14.cloned.1.call-start
scs
__scs_entry_jumppad:
0x0: {  	(pc) =	sbr.rel $0x88, $3  }
0x1: {  	(tag) =	ssettag $0x0;
	lr =	simm.s32 $0x1  }
0x2: {  	[smem:$0x3F9B] =	sst lr;
	_ =	strace $0xD0000000  }
0x3: {  	_ = 	snop  }
0x4: {  	_ = 	snop  }
0x5: {  	_ = 	snop  }
0x6: {  	_ = 	snop  }
0x7: {  	_ = 	snop  }
__scs_overlays_trampoline_lowered:
0x8: {  	[smem:$0x3FAA] =	sst s0  }
0x9: {  	[smem:$0x3FAB] =	sst s1  }
0xa: {  	[smem:$0x3FAC] =	sst s2  }
0xb: {  	[smem:$0x3FAD] =	sst s3  }
0xc: {  	[smem:$0x3FAE] =	sst s4  }
0xd: {  	[smem:$0x3FAF] =	sst s5  }
0xe: {  	[smem:$0x3FB0] =	sst s6  }
0xf: {  	[smem:$0x3FB1] =	sst s7  }
0x10: {  	[smem:$0x3FB2] =	sst s8  }
0x11: {  	[smem:$0x3FB3] =	sst s9;
	s0 =	simm.s32 @!p0 $0x0  }
0x12: {  	s1 =	sld [smem:$0x3F99];
	s0 =	simm.s32 @p0 $0x1  }
0x13: {  	[smem:$0x3FB4] =	sst s0;
	s0 =	simm.s32 @!p1 $0x0  }
0x14: {  	s2 =	sld [smem:$0x3F98];
	s0 =	simm.s32 @p1 $0x1  }
0x15: {  	[smem:$0x3FB5] =	sst s0;
	s0 =	simm.s32 @!p2 $0x0  }
0x16: {  	s3 =	sld [smem:$0x3FDB];
	s0 =	simm.s32 @p2 $0x1  }
0x17: {  	s4 =	simm.s32 $0x1BF5;
	[smem:$0x3FB7] =	sst s0  }
0x18: {  	s0 =	sld [smem:$0x3F9A];
	_ =	swait.ge [sflag:s4], $0x0  }
0x19: {  	s7 =	sld [smem:$0x3F9B]  }
0x1a: {  	s8 =	sadd.s32 $0xFFFFE003, lr  }
0x1b: {  	s9 =	sadd.s32 $0xFFFFFEF7, lr;
	s5 =	simm.s32 $0xFFFFFFFF;
	p2 =	slt.u32 s8, $0xFFFFF086  }
0x1c: {  	p1 =	slt.u32 s9, $0xF7A;
	s5 =	simm.s32 @!p2 $0x0  }
0x1d: {  	s5 =	simm.s32 @p1 $0x1;
	p0 =	seq.s32 s7, s2  }
0x1e: {  	s7 =	smul.u32 @!p0 $0xF7A, s2;
	p2 =	seq.s32 @!p0 s5, $0x0  }
0x1f: {  	s9 =	smul.u32 $0xF7A, s1;
	s8 =	simm.s32 @!p0 $0x1BF5;
	p2 =	por !p2, p0  }
0x20: {  	[sflag:s8] =	ssyncset.s32 @!p0 $0xFFFFF086;
	s6 =	sadd.s32 @!p0 s3, s7;
	s7 =	simm.s32 @!p0 $0x108  }
0x21: {  	s3 =	sadd.s32 s3, s9;
	s6 =	sadd.s32 @!p0 $0x88, s6;
	s7 =	simm.s32 @p2 $0x1082  }
0x22: {  	[simem:s7], [sflag:s8] =	dma.local @!p0 [hbm:s6], $0xF7A  }
0x23: {  	s9 =	sor.u32 $0xD0000000, s2;
	s6 =	simm.s32 $0x108;
	_ =	swait.ge @!p0 [sflag:s8], $0x0  }
0x24: {  	s3 =	sadd.s32 $0x88, s3;
	s6 =	simm.s32 @!p1 $0x1082;
	[sflag:s4] =	ssyncset.s32 $0xFFFFF086  }
0x25: {  	[simem:s6], [sflag:s4] =	dma.local [hbm:s3], $0xF7A  }
0x26: {  	[smem:$0x3F9B] =	sst s1;
	(tag) =	ssettag s2;
	_ =	strace s9  }
0x27: {  	s1 =	sld [smem:$0x3FAB]  }
0x28: {  	s2 =	sld [smem:$0x3FAC]  }
0x29: {  	s4 =	sld [smem:$0x3FAE]  }
0x2a: {  	p0 =	seq.s32 s5, $0x0;
	s5 =	sld [smem:$0x3FAF]  }
0x2b: {  	s6 =	sld [smem:$0x3FB0]  }
0x2c: {  	s7 =	sld [smem:$0x3FB1]  }
0x2d: {  	s3 =	simm.s32 $0x108;
	s8 =	sld [smem:$0x3FB2]  }
0x2e: {  	s3 =	simm.s32 @!p0 $0x1082;
	s9 =	sld [smem:$0x3FB3]  }
0x2f: {  	lr =	sadd.s32 s0, s3;
	s0 =	sld [smem:$0x3FAA]  }
0x30: {  	s3 =	sld [smem:$0x3FAD]  }
0x31: {  	[smem:$0x3FB6] =	sst s10  }
0x32: {  	s10 =	sld [smem:$0x3FB4];
	_ =	sdelay $0x3  }
0x33: {  	p0 =	seq.s32 s10, $0x1;
	s10 =	sld [smem:$0x3FB6];
	_ =	sdelay $0x3  }
0x34: {  	[smem:$0x3FB6] =	sst s10  }
0x35: {  	s10 =	sld [smem:$0x3FB5];
	_ =	sdelay $0x3  }
0x36: {  	p1 =	seq.s32 s10, $0x1;
	s10 =	sld [smem:$0x3FB6];
	_ =	sdelay $0x3  }
0x37: {  	[smem:$0x3FB6] =	sst s10  }
0x38: {  	s10 =	sld [smem:$0x3FB7]  }
0x39: {  	_ = 	snop;
	(pc) =	sbr.ind lr, $3  }
0x3a: {  	_ = 	snop  }
0x3b: {  	_ = 	snop  }
0x3c: {  	p2 =	seq.s32 s10, $0x1;
	s10 =	sld [smem:$0x3FB6]  }
0x3d: {  	_ =	shalt  }
0x3e: {  	_ =	shalt  }
0x3f: {  	_ =	shalt  }
0x40: {  	_ =	shalt  }
0x41: {  	_ =	shalt  }
0x42: {  	_ =	shalt  }
0x43: {  	_ =	shalt  }
0x44: {  	_ =	shalt  }
0x45: {  	_ =	shalt  }
0x46: {  	_ =	shalt  }
0x47: {  	_ =	shalt  }
0x48: {  	_ =	shalt  }
0x49: {  	_ =	shalt  }
0x4a: {  	_ =	shalt  }
0x4b: {  	_ =	shalt  }
0x4c: {  	_ =	shalt  }
0x4d: {  	_ =	shalt  }
0x4e: {  	_ =	shalt  }
0x4f: {  	_ =	shalt  }
0x50: {  	_ =	shalt  }
0x51: {  	_ =	shalt  }
0x52: {  	_ =	shalt  }
0x53: {  	_ =	shalt  }
0x54: {  	_ =	shalt  }
0x55: {  	_ =	shalt  }
0x56: {  	_ =	shalt  }
0x57: {  	_ =	shalt  }
0x58: {  	_ =	shalt  }
0x59: {  	_ =	shalt  }
0x5a: {  	_ =	shalt  }
0x5b: {  	_ =	shalt  }
0x5c: {  	_ =	shalt  }
0x5d: {  	_ =	shalt  }
0x5e: {  	_ =	shalt  }
0x5f: {  	_ =	shalt  }
0x60: {  	_ =	shalt  }
0x61: {  	_ =	shalt  }
0x62: {  	_ =	shalt  }
0x63: {  	_ =	shalt  }
0x64: {  	_ =	shalt  }
0x65: {  	_ =	shalt  }
0x66: {  	_ =	shalt  }
0x67: {  	_ =	shalt  }
0x68: {  	_ =	shalt  }
0x69: {  	_ =	shalt  }
0x6a: {  	_ =	shalt  }
0x6b: {  	_ =	shalt  }
0x6c: {  	_ =	shalt  }
0x6d: {  	_ =	shalt  }
0x6e: {  	_ =	shalt  }
0x6f: {  	_ =	shalt  }
0x70: {  	_ =	shalt  }
0x71: {  	_ =	shalt  }
0x72: {  	_ =	shalt  }
0x73: {  	_ =	shalt  }
0x74: {  	_ =	shalt  }
0x75: {  	_ =	shalt  }
0x76: {  	_ =	shalt  }
0x77: {  	_ =	shalt  }
0x78: {  	_ =	shalt  }
0x79: {  	_ =	shalt  }
0x7a: {  	_ =	shalt  }
0x7b: {  	_ =	shalt  }
0x7c: {  	_ =	shalt  }
0x7d: {  	_ =	shalt  }
0x7e: {  	_ =	shalt  }
0x7f: {  	_ =	shalt  }
0x80: {  	_ =	shalt  }
0x81: {  	_ =	shalt  }
0x82: {  	_ =	shalt  }
0x83: {  	_ =	shalt  }
0x84: {  	_ =	shalt  }
0x85: {  	_ =	shalt  }
0x86: {  	_ =	shalt  }
0x87: {  	_ =	shalt  }
.Lfunc_end0:
.L_simem_size_0:
called_computation.2_lowered:
.L_overlay_start_0:
0x88: {  	s2 =	sld [smem:$0x3FD9]  }
0x89: {  	s3 =	sld [smem:$0x3FFE];
	_ =	sdelay $0x1  }
0x8a: {  	s1 =	srdreg.scid  }
0x8b: {  	s0 =	sand.u32 $0x1, s1  }
0x8c: {  	s17 =	sshll.u32 s0, $0xA;
	s2 =	sadd.s32 s3, s2  }
0x8d: {  	s2 =	sadd.s32 s2, s17  }
0x8e: {  	[smem:$0x3FC2] =	sst s2  }
0x8f: {  	_ = 	snop  }
0x90: {  	s2 =	sld [smem:$0x3FD0];
	(tm) =	ssettm $0x1  }
0x91: {  	s18 =	sld [smem:$0x3FFB];
	_ =	sdelay $0x3  }
0x92: {  	_ =	strace s18  }
0x93: {  	s3 =	sld [smem:$0x3FFC];
	_ =	sdelay $0x3  }
0x94: {  	_ =	strace s3  }
0x95: {  	s3 =	sld [smem:$0x3FFD];
	_ =	sdelay $0x3  }
0x96: {  	_ =	strace s3  }
0x97: {  	_ =	strace $0x8FFFFFFF  }
0x98: {  	s19 =	sld [smem:$0x3FDB];
	_ =	sdelay $0x1  }
0x99: {  	s4 =	simm.s32 $_scs_section_size  }
0x9a: {  	s5 =	simm.s32 $_size__tile_overlayer_lowered;
	s6 =	simm.s32 $_tile_overlayer_lowered  }
0x9b: {  	s22 =	simm.s32 $0x1BFF;
	s21 =	sshll.u32 s6, $0x1;
	s3 =	sadd.s32 s4, s19  }
0x9c: {  	s7 =	simm.s32 $0x0;
	s20 =	sshll.u32 s5, $0x1;
	s5 =	sadd.s32 s21, s3  }
0x9d: {  	[timem:s7], [sflag:s22] =	dma.local [hbm:s5], s20  }
0x9e: {  	_ =	swait.ge [sflag:s22], s20  }
0x9f: {  	s4 =	ssub.s32 $0x0, s20;
	[sflag:s22] =	ssyncset.done $0x0  }
0xa0: {  	[sflag:s22] =	ssyncadd.s32 s4;
	_ =	sdelay $0x1  }
0xa1: {  	s23 =	simm.s32 $0x1B8B  }
0xa2: {  	_ =	swait.ge [sflag:s23], $0x1  }
0xa3: {  	[sflag:s23] =	ssyncset.done $0x0  }
0xa4: {  	s25 =	simm.s32 $0x1B8E;
	s24 =	sld [smem:$0x3FFE];
	[sflag:s23] =	ssyncadd.s32 $0xFFFFFFFF  }
0xa5: {  	s26 =	simm.s32 $execute0_lowered;
	[smem:$0x3FD2] =	sst s25  }
0xa6: {  	s5 =	sshll.u32 s26, $0x1;
	_ =	strace $0x8000004C;
	[dreg:$0x1] =	wrdreg $0xFFFFFFFF  }
0xa7: {  	s28 =	simm.s32 $_size_execute0_lowered;
	s3 =	sadd.s32 s3, s5;
	[dreg:$0x0] =	wrdreg $0x0  }
0xa8: {  	s5 =	sshll.u32 s28, $0x1;
	[dreg:$0x2] =	wrdreg s3  }
0xa9: {  	[dreg:$0x3] =	wrdreg s5  }
0xaa: {  	[dreg:$0x4] =	wrdreg $0xC0  }
0xab: {  	_ =	task [dreg:s7], $0x5FFFF  }
0xac: {  	[dreg:$0x1] =	wrdreg $0xFFFFFFFF  }
0xad: {  	[dreg:$0x0] =	wrdreg $0x60  }
0xae: {  	[dreg:$0x2] =	wrdreg s24  }
0xaf: {  	[dreg:$0x3] =	wrdreg s2  }
0xb0: {  	[dreg:$0x4] =	wrdreg $0x116200  }
0xb1: {  	[dreg:$0x5] =	wrdreg $0x9  }
0xb2: {  	_ =	task.clear_ibuf [dreg:s7], $0x6FFFF;
	_ =	strace $0x9000004C  }
0xb3: {  	s29 =	simm.s32 $0x9;
	_ =	strace $0x8000004E  }
0xb4: {  	_ =	swait.ge [sflag:s29], $0x1  }
0xb5: {  	[sflag:s29] =	ssyncadd.s32 $0xFFFFFFFF  }
0xb6: {  	_ =	strace $0x9000004E  }
0xb7: {  	_ =	sfence  }
0xb8: {  	s30 =	sld [smem:$0x0];
	_ =	sdelay $0x2  }
0xb9: {  	s31 =	sshll.u32 s1, $0xD;
	s1 =	sshrl.u32 s1, $0x2  }
0xba: {  	s3 =	sand.u32 $0x4000, s31;
	s1 =	sadd.s32 s1, s30  }
0xbb: {  	s0 =	sor.u32 s3, s0;
	s1 =	sshll.u32 s1, $0x11  }
0xbc: {  	s0 =	sor.u32 s1, s0  }
0xbd: {  	s0 =	sadd.s32 $0x8F2B, s0  }
0xbe: {  	[sflag:s0] =	ssyncadd.remote.s32 $0x1  }
0xbf: {  	_ =	sfence.sel $0xFFFF  }
0xc0: {  	[dreg:$0x0] =	wrdreg $0xFFFFFFFF;
	(pc) =	sbr.abs _section_cstart, $3  }
0xc1: {  	[dreg:$0x1] =	wrdreg $0xFFFFFFFF  }
0xc2: {  	_ =	task.clear_ibuf [dreg:s7], $0x2FFFF;
	_ =	strace $0x9FFFFFFF  }
0xc3: {  	(tm) =	ssettm $0x7FFFFFFF  }
tec
execute0_lowered:
.L_overlay_start_1:
0x0: {  	(tag) =	ssettag $0x1  }
0x1: {  	s0 =	rddreg [dreg:$0x0]  }
0x2: {  	s1 =	rddreg [dreg:$0x1]  }
0x3: {  	s2 =	rddreg [dreg:$0x2]  }
0x4: {  	s3 =	srdreg.scid;
	s12 =	stileid.u32;
	s11 =	simm.s32 $0x2710  }
0x5: {  	s14 =	simm.s32 $0xC8;
	s15 =	simm.s32 $0x4E20;
	s16 =	simm.s32 $0x8020  }
0x6: {  	s18 =	simm.s32 $0xB220;
	s20 =	simm.s32 $0xE420;
	s21 =	simm.s32 $0x1  }
0x7: {  	s22 =	simm.s32 $0x2;
	s28 =	simm.s32 $0x4B00;
	s29 =	simm.s32 $0x2648  }
0x8: {  	s30 =	simm.s32 $0x4BC8;
	s31 =	simm.s32 $0x4C90;
	s5 =	sand.u32 $0x1, s3  }
0x9: {  	s3 =	simm.s32 $0x0;
	s7 =	smul.u32 $0x9C40, s12;
	s26 =	sshll.u32 s12, $0x6  }
0xa: {  	s4 =	sshll.u32 s5, $0x4;
	[smem:$0x7FF] =	sst s3;
	s6 =	smul.u32 $0x9C400, s5  }
0xb: {  	s10 =	ssub.s32 $0x2, s5;
	s4 =	sor.u32 s12, s4;
	_ =	strace $0x8000004D  }
0xc: {  	s8 =	sshrl.u32 s7, $0x3;
	s24 =	sshrl.u32 s10, $0x1;
	s13 =	sadd.s32 s7, s2  }
0xd: {  	s12 =	sor.u32 $0x1C05, s26;
	s26 =	simm.s32 $0x2580;
	s9 =	smul.u32 $0x2710, s4  }
0xe: {  	s4 =	sadd.s32 $0x1E00, s0;
	s8 =	sadd.s32 s8, s0;
	s6 =	sadd.s32 s7, s6  }
0xf: {  	s25 =	ssub.s32 s10, s24;
	s10 =	simm.s32 $0x5;
	s13 =	sshrl.u32 s13, $0x3  }
0x10: {  	s24 =	simm.s32 $0x3;
	s6 =	sshrl.u32 s6, $0x3;
	s7 =	sadd.s32 $0x15800, s8  }
0x11: {  	s23 =	sshrl.u32 s9, $0x3;
	s0 =	sadd.s32 s6, s0;
	s9 =	smax.u32 s25, $0x1  }
0x12: {  	s25 =	simm.s32 $0x4;
	s5 =	sadd.s32 s1, s23;
	s8 =	sadd.s32 $0x29200, s0  }
0x13: {  	s0 =	simm.s32 $0x4D58;
	s1 =	simm.s32 $0x0;
	s6 =	sadd.s32 $0x9C40, s5  }
.LBB2_1:
0x14: {  	[tilespmem:s3], [sflag:$0x5] =	stream.linear.gather [hbm4b:s5+s3], $0x2710, $0x38;
	[tilespmem:$0x1B260] =	vst v63  }
0x15: {  	_ =	swait.ge [sflag:s10], $0x2710  }
0x16: {  	[sflag:s10] =	ssyncset.done $0x0  }
0x17: {  	[sflag:s10] =	ssyncadd.s32 $0xFFFFD8F0  }
0x18: {  	[tilespmem:s11], [sflag:$0x5] =	stream.linear.gather [hbm4b:s6+s3], $0x2710, $0x38;
	[tilespmem:$0x1B260] =	vst v63  }
0x19: {  	_ =	swait.ge [sflag:s10], $0x2710  }
0x1a: {  	[sflag:s10] =	ssyncset.done $0x0  }
0x1b: {  	[sflag:s10] =	ssyncadd.s32 $0xFFFFD8F0  }
0x1c: {  	[spmem:s13], [sflag:s12] =	dma.local [hbm:s7], $0x1388  }
0x1d: {  	_ =	swait.ge [sflag:s10], $0x1388  }
0x1e: {  	[sflag:s10] =	ssyncset.done $0x0  }
0x1f: {  	[sflag:s10] =	ssyncadd.s32 $0xFFFFEC78  }
0x20: {  	[bflag:$0x0] =	sbarrier.arrive $0xFFFF  }
0x21: {  	[tilespmem:s15], [sflag:$0x1] =	stream.indirect.gather [hbm4b:s4+s14], $0x40, s3, s14, $0xb8;
	[tilespmem:$0x1B260] =	vst v63  }
0x22: {  	_ = 	snop  }
0x23: {  	[tilespmem:s16], [sflag:$0x2] =	stream.indirect.gather [hbm4b:s4+s14], $0x40, s14, s14, $0xb8;
	[tilespmem:$0x1B260] =	vst v63  }
0x24: {  	s17 =	simm.s32 $0x190  }
0x25: {  	[tilespmem:s18], [sflag:$0x3] =	stream.indirect.gather [hbm4b:s4+s14], $0x40, s17, s14, $0xb8;
	[tilespmem:$0x1B260] =	vst v63  }
0x26: {  	s23 =	simm.s32 $0x258  }
0x27: {  	[tilespmem:s20], [sflag:$0x4] =	stream.indirect.gather [hbm4b:s4+s14], $0x40, s23, s14, $0xb8;
	[tilespmem:$0x1B260] =	vst v63  }
0x28: {  	_ =	swait.ge [sflag:s21], $0x3200  }
0x29: {  	[sflag:s21] =	ssyncset.done $0x0  }
0x2a: {  	[sflag:s21] =	ssyncadd.s32 $0xFFFFCE00  }
0x2b: {  	[spmem:s2] =	stream.indirect.scatter.add.f32 [tilespmem:s15], [sflag:$0x1], $0x40, s11, s14, $0xb8;
	[tilespmem:$0x1B260] =	vst v63  }
0x2c: {  	_ =	swait.ge [sflag:s22], $0x3200  }
0x2d: {  	[sflag:s22] =	ssyncset.done $0x0  }
0x2e: {  	s19 =	simm.s32 $0x27D8;
	[sflag:s22] =	ssyncadd.s32 $0xFFFFCE00  }
0x2f: {  	[spmem:s2] =	stream.indirect.scatter.add.f32 [tilespmem:s16], [sflag:$0x2], $0x40, s19, s14, $0xb8;
	[tilespmem:$0x1B260] =	vst v63  }
0x30: {  	_ =	swait.ge [sflag:s21], $0x3200  }
0x31: {  	[sflag:s21] =	ssyncset.done $0x0  }
0x32: {  	s23 =	simm.s32 $0x320;
	[sflag:s21] =	ssyncadd.s32 $0xFFFFCE00  }
0x33: {  	[tilespmem:s15], [sflag:$0x1] =	stream.indirect.gather [hbm4b:s4+s14], $0x40, s23, s14, $0xb8;
	[tilespmem:$0x1B260] =	vst v63  }
0x34: {  	_ =	swait.ge [sflag:s24], $0x3200  }
0x35: {  	[sflag:s24] =	ssyncset.done $0x0  }
0x36: {  	s19 =	simm.s32 $0x28A0;
	[sflag:s24] =	ssyncadd.s32 $0xFFFFCE00  }
0x37: {  	[spmem:s2] =	stream.indirect.scatter.add.f32 [tilespmem:s18], [sflag:$0x3], $0x40, s19, s14, $0xb8;
	[tilespmem:$0x1B260] =	vst v63  }
0x38: {  	_ =	swait.ge [sflag:s22], $0x3200  }
0x39: {  	[sflag:s22] =	ssyncset.done $0x0  }
0x3a: {  	s23 =	simm.s32 $0x3E8;
	[sflag:s22] =	ssyncadd.s32 $0xFFFFCE00  }
0x3b: {  	[tilespmem:s16], [sflag:$0x2] =	stream.indirect.gather [hbm4b:s4+s14], $0x40, s23, s14, $0xb8;
	[tilespmem:$0x1B260] =	vst v63  }
0x3c: {  	_ =	swait.ge [sflag:s25], $0x3200  }
0x3d: {  	[sflag:s25] =	ssyncset.done $0x0  }
0x3e: {  	s19 =	simm.s32 $0x2968;
	[sflag:s25] =	ssyncadd.s32 $0xFFFFCE00  }
0x3f: {  	[spmem:s2] =	stream.indirect.scatter.add.f32 [tilespmem:s20], [sflag:$0x4], $0x40, s19, s14, $0xb8;
	[tilespmem:$0x1B260] =	vst v63  }
0x40: {  	_ =	swait.ge [sflag:s24], $0x3200  }
0x41: {  	[sflag:s24] =	ssyncset.done $0x0  }
0x42: {  	s23 =	simm.s32 $0x4B0;
	[sflag:s24] =	ssyncadd.s32 $0xFFFFCE00  }
0x43: {  	[tilespmem:s18], [sflag:$0x3] =	stream.indirect.gather [hbm4b:s4+s14], $0x40, s23, s14, $0xb8;
	[tilespmem:$0x1B260] =	vst v63  }
0x44: {  	_ =	swait.ge [sflag:s21], $0x3200  }
0x45: {  	[sflag:s21] =	ssyncset.done $0x0  }
0x46: {  	s19 =	simm.s32 $0x2A30;
	[sflag:s21] =	ssyncadd.s32 $0xFFFFCE00  }
0x47: {  	[spmem:s2] =	stream.indirect.scatter.add.f32 [tilespmem:s15], [sflag:$0x1], $0x40, s19, s14, $0xb8;
	[tilespmem:$0x1B260] =	vst v63  }
0x48: {  	_ =	swait.ge [sflag:s25], $0x3200  }
0x49: {  	[sflag:s25] =	ssyncset.done $0x0  }
0x4a: {  	s23 =	simm.s32 $0x578;
	[sflag:s25] =	ssyncadd.s32 $0xFFFFCE00  }
0x4b: {  	[tilespmem:s20], [sflag:$0x4] =	stream.indirect.gather [hbm4b:s4+s14], $0x40, s23, s14, $0xb8;
	[tilespmem:$0x1B260] =	vst v63  }
0x4c: {  	_ =	swait.ge [sflag:s22], $0x3200  }
0x4d: {  	[sflag:s22] =	ssyncset.done $0x0  }
0x4e: {  	s17 =	simm.s32 $0xC80;
	s19 =	simm.s32 $0x2AF8;
	[sflag:s22] =	ssyncadd.s32 $0xFFFFCE00  }
.LBB2_2:
0x4f: {  	[spmem:s2] =	stream.indirect.scatter.add.f32 [tilespmem:s16], [sflag:$0x2], $0x40, s19, s14, $0xb8;
	[tilespmem:$0x1B260] =	vst v63  }
0x50: {  	s19 =	smov.u32 s17  }
0x51: {  	p0 =	sne.s32 s17, $0x7D00;
	s17 =	sadd.s32 $0xC80, s17;
	_ =	swait.ge [sflag:s21], $0x3200  }
0x52: {  	s19 =	sshra.s32 s19, $0x2;
	[sflag:s21] =	ssyncset.done $0x0  }
0x53: {  	s23 =	sadd.s32 $0x320, s19;
	[sflag:s21] =	ssyncadd.s32 $0xFFFFCE00  }
0x54: {  	[tilespmem:s15], [sflag:$0x1] =	stream.indirect.gather [hbm4b:s4+s14], $0x40, s23, s14, $0xb8;
	[tilespmem:$0x1B260] =	vst v63  }
0x55: {  	_ =	swait.ge [sflag:s24], $0x3200  }
0x56: {  	[sflag:s24] =	ssyncset.done $0x0  }
0x57: {  	s23 =	sadd.s32 $0x28A0, s19;
	[sflag:s24] =	ssyncadd.s32 $0xFFFFCE00  }
0x58: {  	[spmem:s2] =	stream.indirect.scatter.add.f32 [tilespmem:s18], [sflag:$0x3], $0x40, s23, s14, $0xb8;
	[tilespmem:$0x1B260] =	vst v63  }
0x59: {  	_ =	swait.ge [sflag:s22], $0x3200  }
0x5a: {  	[sflag:s22] =	ssyncset.done $0x0  }
0x5b: {  	s23 =	sadd.s32 $0x3E8, s19;
	[sflag:s22] =	ssyncadd.s32 $0xFFFFCE00  }
0x5c: {  	[tilespmem:s16], [sflag:$0x2] =	stream.indirect.gather [hbm4b:s4+s14], $0x40, s23, s14, $0xb8;
	[tilespmem:$0x1B260] =	vst v63  }
0x5d: {  	_ =	swait.ge [sflag:s25], $0x3200  }
0x5e: {  	[sflag:s25] =	ssyncset.done $0x0  }
0x5f: {  	s23 =	sadd.s32 $0x2968, s19;
	[sflag:s25] =	ssyncadd.s32 $0xFFFFCE00  }
0x60: {  	[spmem:s2] =	stream.indirect.scatter.add.f32 [tilespmem:s20], [sflag:$0x4], $0x40, s23, s14, $0xb8;
	[tilespmem:$0x1B260] =	vst v63  }
0x61: {  	_ =	swait.ge [sflag:s24], $0x3200  }
0x62: {  	[sflag:s24] =	ssyncset.done $0x0  }
0x63: {  	s23 =	sadd.s32 $0x4B0, s19;
	[sflag:s24] =	ssyncadd.s32 $0xFFFFCE00  }
0x64: {  	[tilespmem:s18], [sflag:$0x3] =	stream.indirect.gather [hbm4b:s4+s14], $0x40, s23, s14, $0xb8;
	[tilespmem:$0x1B260] =	vst v63  }
0x65: {  	_ =	swait.ge [sflag:s21], $0x3200  }
0x66: {  	[sflag:s21] =	ssyncset.done $0x0  }
0x67: {  	s23 =	sadd.s32 $0x2A30, s19;
	[sflag:s21] =	ssyncadd.s32 $0xFFFFCE00  }
0x68: {  	[spmem:s2] =	stream.indirect.scatter.add.f32 [tilespmem:s15], [sflag:$0x1], $0x40, s23, s14, $0xb8;
	[tilespmem:$0x1B260] =	vst v63  }
0x69: {  	_ =	swait.ge [sflag:s25], $0x3200  }
0x6a: {  	[sflag:s25] =	ssyncset.done $0x0  }
.Ltmp0:
0x6b: {  	s23 =	sadd.s32 $0x578, s19;
	[sflag:s25] =	ssyncadd.s32 $0xFFFFCE00;
	(pc) =	sbr.rel @p0 .LBB2_2-.Ltmp0, $4  }
0x6c: {  	[tilespmem:s20], [sflag:$0x4] =	stream.indirect.gather [hbm4b:s4+s14], $0x40, s23, s14, $0xb8;
	[tilespmem:$0x1B260] =	vst v63  }
0x6d: {  	_ =	swait.ge [sflag:s22], $0x3200  }
0x6e: {  	[sflag:s22] =	ssyncset.done $0x0  }
0x6f: {  	s19 =	sadd.s32 $0x2AF8, s19;
	[sflag:s22] =	ssyncadd.s32 $0xFFFFCE00  }
0x70: {  	[spmem:s2] =	stream.indirect.scatter.add.f32 [tilespmem:s16], [sflag:$0x2], $0x40, s19, s14, $0xb8;
	[tilespmem:$0x1B260] =	vst v63  }
0x71: {  	_ =	swait.ge [sflag:s21], $0x3200  }
0x72: {  	[sflag:s21] =	ssyncset.done $0x0  }
0x73: {  	[sflag:s21] =	ssyncadd.s32 $0xFFFFCE00  }
0x74: {  	[tilespmem:s15], [sflag:$0x1] =	stream.indirect.gather [hbm4b:s4+s14], $0x40, s26, s14, $0xb8;
	[tilespmem:$0x1B260] =	vst v63  }
0x75: {  	_ =	swait.ge [sflag:s24], $0x3200  }
0x76: {  	[sflag:s24] =	ssyncset.done $0x0  }
0x77: {  	[sflag:s24] =	ssyncadd.s32 $0xFFFFCE00  }
0x78: {  	[spmem:s2] =	stream.indirect.scatter.add.f32 [tilespmem:s18], [sflag:$0x3], $0x40, s28, s14, $0xb8;
	[tilespmem:$0x1B260] =	vst v63  }
0x79: {  	_ =	swait.ge [sflag:s22], $0x3200  }
0x7a: {  	[sflag:s22] =	ssyncset.done $0x0  }
0x7b: {  	[sflag:s22] =	ssyncadd.s32 $0xFFFFCE00  }
0x7c: {  	[tilespmem:s16], [sflag:$0x2] =	stream.indirect.gather [hbm4b:s4+s14], $0x40, s29, s14, $0xb8;
	[tilespmem:$0x1B260] =	vst v63  }
0x7d: {  	_ =	swait.ge [sflag:s25], $0x3200  }
0x7e: {  	[sflag:s25] =	ssyncset.done $0x0  }
0x7f: {  	[sflag:s25] =	ssyncadd.s32 $0xFFFFCE00  }
0x80: {  	[spmem:s2] =	stream.indirect.scatter.add.f32 [tilespmem:s20], [sflag:$0x4], $0x40, s30, s14, $0xb8;
	[tilespmem:$0x1B260] =	vst v63  }
0x81: {  	_ =	swait.ge [sflag:s24], $0x3200  }
0x82: {  	[sflag:s24] =	ssyncset.done $0x0  }
0x83: {  	[sflag:s24] =	ssyncadd.s32 $0xFFFFCE00  }
0x84: {  	_ =	swait.ge [sflag:s21], $0x3200  }
0x85: {  	[sflag:s21] =	ssyncset.done $0x0  }
0x86: {  	[sflag:s21] =	ssyncadd.s32 $0xFFFFCE00  }
0x87: {  	[spmem:s2] =	stream.indirect.scatter.add.f32 [tilespmem:s15], [sflag:$0x1], $0x40, s31, s14, $0xb8;
	[tilespmem:$0x1B260] =	vst v63  }
0x88: {  	_ =	swait.ge [sflag:s25], $0x3200  }
0x89: {  	[sflag:s25] =	ssyncset.done $0x0  }
0x8a: {  	[sflag:s25] =	ssyncadd.s32 $0xFFFFCE00  }
0x8b: {  	_ =	swait.ge [sflag:s22], $0x3200  }
0x8c: {  	[sflag:s22] =	ssyncset.done $0x0  }
0x8d: {  	[sflag:s22] =	ssyncadd.s32 $0xFFFFCE00  }
0x8e: {  	[spmem:s2] =	stream.indirect.scatter.add.f32 [tilespmem:s16], [sflag:$0x2], $0x40, s0, s14, $0xb8;
	[tilespmem:$0x1B260] =	vst v63  }
0x8f: {  	_ =	swait.ge [sflag:s21], $0x3200  }
0x90: {  	[sflag:s21] =	ssyncset.done $0x0  }
0x91: {  	[sflag:s21] =	ssyncadd.s32 $0xFFFFCE00  }
0x92: {  	_ =	swait.ge [sflag:s22], $0x3200  }
0x93: {  	s1 =	sadd.s32 $0x1, s1;
	[sflag:s22] =	ssyncset.done $0x0  }
0x94: {  	p0 =	sne.s32 s1, s9;
	[sflag:s22] =	ssyncadd.s32 $0xFFFFCE00  }
.Ltmp1:
0x95: {  	[bflag:$0x0] =	sbarrier.arrive $0xFFFF;
	(pc) =	sbr.rel @p0 .LBB2_1-.Ltmp1, $4  }
0x96: {  	[hbm:s8], [sflag:s12] =	dma.local [spmem:s13], $0x1388  }
0x97: {  	_ =	swait.ge [sflag:s10], $0x1388  }
0x98: {  	[sflag:s10] =	ssyncset.done $0x0  }
0x99: {  	[sflag:s10] =	ssyncadd.s32 $0xFFFFEC78  }
0x9a: {  	_ =	sfence.sel $0x180000  }
0x9b: {  	[bflag:$0x0] =	sbarrier.arrive $0xFFFF  }
0x9c: {  	_ =	strace $0x9000004D  }
0x9d: {  	s0 =	stileid.u32;
	[bflag:$0x2] =	sbarrier.arrive $0xFFFF  }
0x9e: {  	p0 =	sne.s32 s0, $0x0;
	s0 =	rddreg [dreg:$0x3]  }
0x9f: {  	s0 =	sadd.s32 @!p0 $0x100000, s0  }
0xa0: {  	[sflag:s0] =	ssyncadd.tile.s32 @!p0 $0x1;
	_ =	shalt  }
.Lfunc_end2:
_tile_overlayer_lowered:
.L_overlay_start_2:
0xa1: {  	(tag) =	ssettag $0x2  }
0xa2: {  	s0 =	rddreg [dreg:$0x0];
	s2 =	stileid.u32  }
0xa3: {  	s1 =	rddreg [dreg:$0x1];
	p0 =	sne.s32 s2, $0x0  }
0xa4: {  	s3 =	rddreg [dreg:$0x2];
	[bflag:$0x3] =	sbarrier.arrive $0xFFFF;
	s2 =	simm.s32 @!p0 $0x1C05  }
0xa5: {  	[timem:s3], [sflag:s2] =	dma.local @!p0 [hbm:s0], s1  }
0xa6: {  	s0 =	simm.s32 @!p0 $0x5  }
0xa7: {  	_ =	swait.ge @!p0 [sflag:s0], s1  }
0xa8: {  	s1 =	ssub.s32 @!p0 $0x0, s1;
	[sflag:s0] =	ssyncset.done @!p0 $0x0  }
0xa9: {  	[sflag:s0] =	ssyncadd.s32 @!p0 s1  }
0xaa: {  	[bflag:$0x3] =	sbarrier.arrive $0xFFFF  }
0xab: {  	_ =	shalt  }

// kernel: kernel.8.cloned.1.call-start
scs
__scs_entry_jumppad:
0x0: {  	(pc) =	sbr.rel $0x88, $3  }
0x1: {  	(tag) =	ssettag $0x0;
	lr =	simm.s32 $0x1  }
0x2: {  	[smem:$0x3F9B] =	sst lr;
	_ =	strace $0xD0000000  }
0x3: {  	_ = 	snop  }
0x4: {  	_ = 	snop  }
0x5: {  	_ = 	snop  }
0x6: {  	_ = 	snop  }
0x7: {  	_ = 	snop  }
__scs_overlays_trampoline_lowered:
0x8: {  	[smem:$0x3FAA] =	sst s0  }
0x9: {  	[smem:$0x3FAB] =	sst s1  }
0xa: {  	[smem:$0x3FAC] =	sst s2  }
0xb: {  	[smem:$0x3FAD] =	sst s3  }
0xc: {  	[smem:$0x3FAE] =	sst s4  }
0xd: {  	[smem:$0x3FAF] =	sst s5  }
0xe: {  	[smem:$0x3FB0] =	sst s6  }
0xf: {  	[smem:$0x3FB1] =	sst s7  }
0x10: {  	[smem:$0x3FB2] =	sst s8  }
0x11: {  	[smem:$0x3FB3] =	sst s9;
	s0 =	simm.s32 @!p0 $0x0  }
0x12: {  	s1 =	sld [smem:$0x3F99];
	s0 =	simm.s32 @p0 $0x1  }
0x13: {  	[smem:$0x3FB4] =	sst s0;
	s0 =	simm.s32 @!p1 $0x0  }
0x14: {  	s2 =	sld [smem:$0x3F98];
	s0 =	simm.s32 @p1 $0x1  }
0x15: {  	[smem:$0x3FB5] =	sst s0;
	s0 =	simm.s32 @!p2 $0x0  }
0x16: {  	s3 =	sld [smem:$0x3FDB];
	s0 =	simm.s32 @p2 $0x1  }
0x17: {  	s4 =	simm.s32 $0x1BF5;
	[smem:$0x3FB7] =	sst s0  }
0x18: {  	s0 =	sld [smem:$0x3F9A];
	_ =	swait.ge [sflag:s4], $0x0  }
0x19: {  	s7 =	sld [smem:$0x3F9B]  }
0x1a: {  	s8 =	sadd.s32 $0xFFFFE003, lr  }
0x1b: {  	s9 =	sadd.s32 $0xFFFFFEF7, lr;
	s5 =	simm.s32 $0xFFFFFFFF;
	p2 =	slt.u32 s8, $0xFFFFF086  }
0x1c: {  	p1 =	slt.u32 s9, $0xF7A;
	s5 =	simm.s32 @!p2 $0x0  }
0x1d: {  	s5 =	simm.s32 @p1 $0x1;
	p0 =	seq.s32 s7, s2  }
0x1e: {  	s7 =	smul.u32 @!p0 $0xF7A, s2;
	p2 =	seq.s32 @!p0 s5, $0x0  }
0x1f: {  	s9 =	smul.u32 $0xF7A, s1;
	s8 =	simm.s32 @!p0 $0x1BF5;
	p2 =	por !p2, p0  }
0x20: {  	[sflag:s8] =	ssyncset.s32 @!p0 $0xFFFFF086;
	s6 =	sadd.s32 @!p0 s3, s7;
	s7 =	simm.s32 @!p0 $0x108  }
0x21: {  	s3 =	sadd.s32 s3, s9;
	s6 =	sadd.s32 @!p0 $0x88, s6;
	s7 =	simm.s32 @p2 $0x1082  }
0x22: {  	[simem:s7], [sflag:s8] =	dma.local @!p0 [hbm:s6], $0xF7A  }
0x23: {  	s9 =	sor.u32 $0xD0000000, s2;
	s6 =	simm.s32 $0x108;
	_ =	swait.ge @!p0 [sflag:s8], $0x0  }
0x24: {  	s3 =	sadd.s32 $0x88, s3;
	s6 =	simm.s32 @!p1 $0x1082;
	[sflag:s4] =	ssyncset.s32 $0xFFFFF086  }
0x25: {  	[simem:s6], [sflag:s4] =	dma.local [hbm:s3], $0xF7A  }
0x26: {  	[smem:$0x3F9B] =	sst s1;
	(tag) =	ssettag s2;
	_ =	strace s9  }
0x27: {  	s1 =	sld [smem:$0x3FAB]  }
0x28: {  	s2 =	sld [smem:$0x3FAC]  }
0x29: {  	s4 =	sld [smem:$0x3FAE]  }
0x2a: {  	p0 =	seq.s32 s5, $0x0;
	s5 =	sld [smem:$0x3FAF]  }
0x2b: {  	s6 =	sld [smem:$0x3FB0]  }
0x2c: {  	s7 =	sld [smem:$0x3FB1]  }
0x2d: {  	s3 =	simm.s32 $0x108;
	s8 =	sld [smem:$0x3FB2]  }
0x2e: {  	s3 =	simm.s32 @!p0 $0x1082;
	s9 =	sld [smem:$0x3FB3]  }
0x2f: {  	lr =	sadd.s32 s0, s3;
	s0 =	sld [smem:$0x3FAA]  }
0x30: {  	s3 =	sld [smem:$0x3FAD]  }
0x31: {  	[smem:$0x3FB6] =	sst s10  }
0x32: {  	s10 =	sld [smem:$0x3FB4];
	_ =	sdelay $0x3  }
0x33: {  	p0 =	seq.s32 s10, $0x1;
	s10 =	sld [smem:$0x3FB6];
	_ =	sdelay $0x3  }
0x34: {  	[smem:$0x3FB6] =	sst s10  }
0x35: {  	s10 =	sld [smem:$0x3FB5];
	_ =	sdelay $0x3  }
0x36: {  	p1 =	seq.s32 s10, $0x1;
	s10 =	sld [smem:$0x3FB6];
	_ =	sdelay $0x3  }
0x37: {  	[smem:$0x3FB6] =	sst s10  }
0x38: {  	s10 =	sld [smem:$0x3FB7]  }
0x39: {  	_ = 	snop;
	(pc) =	sbr.ind lr, $3  }
0x3a: {  	_ = 	snop  }
0x3b: {  	_ = 	snop  }
0x3c: {  	p2 =	seq.s32 s10, $0x1;
	s10 =	sld [smem:$0x3FB6]  }
0x3d: {  	_ =	shalt  }
0x3e: {  	_ =	shalt  }
0x3f: {  	_ =	shalt  }
0x40: {  	_ =	shalt  }
0x41: {  	_ =	shalt  }
0x42: {  	_ =	shalt  }
0x43: {  	_ =	shalt  }
0x44: {  	_ =	shalt  }
0x45: {  	_ =	shalt  }
0x46: {  	_ =	shalt  }
0x47: {  	_ =	shalt  }
0x48: {  	_ =	shalt  }
0x49: {  	_ =	shalt  }
0x4a: {  	_ =	shalt  }
0x4b: {  	_ =	shalt  }
0x4c: {  	_ =	shalt  }
0x4d: {  	_ =	shalt  }
0x4e: {  	_ =	shalt  }
0x4f: {  	_ =	shalt  }
0x50: {  	_ =	shalt  }
0x51: {  	_ =	shalt  }
0x52: {  	_ =	shalt  }
0x53: {  	_ =	shalt  }
0x54: {  	_ =	shalt  }
0x55: {  	_ =	shalt  }
0x56: {  	_ =	shalt  }
0x57: {  	_ =	shalt  }
0x58: {  	_ =	shalt  }
0x59: {  	_ =	shalt  }
0x5a: {  	_ =	shalt  }
0x5b: {  	_ =	shalt  }
0x5c: {  	_ =	shalt  }
0x5d: {  	_ =	shalt  }
0x5e: {  	_ =	shalt  }
0x5f: {  	_ =	shalt  }
0x60: {  	_ =	shalt  }
0x61: {  	_ =	shalt  }
0x62: {  	_ =	shalt  }
0x63: {  	_ =	shalt  }
0x64: {  	_ =	shalt  }
0x65: {  	_ =	shalt  }
0x66: {  	_ =	shalt  }
0x67: {  	_ =	shalt  }
0x68: {  	_ =	shalt  }
0x69: {  	_ =	shalt  }
0x6a: {  	_ =	shalt  }
0x6b: {  	_ =	shalt  }
0x6c: {  	_ =	shalt  }
0x6d: {  	_ =	shalt  }
0x6e: {  	_ =	shalt  }
0x6f: {  	_ =	shalt  }
0x70: {  	_ =	shalt  }
0x71: {  	_ =	shalt  }
0x72: {  	_ =	shalt  }
0x73: {  	_ =	shalt  }
0x74: {  	_ =	shalt  }
0x75: {  	_ =	shalt  }
0x76: {  	_ =	shalt  }
0x77: {  	_ =	shalt  }
0x78: {  	_ =	shalt  }
0x79: {  	_ =	shalt  }
0x7a: {  	_ =	shalt  }
0x7b: {  	_ =	shalt  }
0x7c: {  	_ =	shalt  }
0x7d: {  	_ =	shalt  }
0x7e: {  	_ =	shalt  }
0x7f: {  	_ =	shalt  }
0x80: {  	_ =	shalt  }
0x81: {  	_ =	shalt  }
0x82: {  	_ =	shalt  }
0x83: {  	_ =	shalt  }
0x84: {  	_ =	shalt  }
0x85: {  	_ =	shalt  }
0x86: {  	_ =	shalt  }
0x87: {  	_ =	shalt  }
.Lfunc_end0:
.L_simem_size_0:
called_computation_lowered:
.L_overlay_start_0:
0x88: {  	s2 =	sld [smem:$0x3FD9]  }
0x89: {  	s3 =	sld [smem:$0x3FFE];
	_ =	sdelay $0x1  }
0x8a: {  	s1 =	srdreg.scid  }
0x8b: {  	s0 =	sand.u32 $0x1, s1  }
0x8c: {  	s17 =	sshll.u32 s0, $0xA;
	s2 =	sadd.s32 s3, s2  }
0x8d: {  	s2 =	sadd.s32 s2, s17  }
0x8e: {  	[smem:$0x3FC2] =	sst s2  }
0x8f: {  	_ = 	snop  }
0x90: {  	s2 =	sld [smem:$0x3FD0];
	(tm) =	ssettm $0x1  }
0x91: {  	s18 =	sld [smem:$0x3FFB];
	_ =	sdelay $0x3  }
0x92: {  	_ =	strace s18  }
0x93: {  	s3 =	sld [smem:$0x3FFC];
	_ =	sdelay $0x3  }
0x94: {  	_ =	strace s3  }
0x95: {  	s3 =	sld [smem:$0x3FFD];
	_ =	sdelay $0x3  }
0x96: {  	_ =	strace s3  }
0x97: {  	_ =	strace $0x8FFFFFFF  }
0x98: {  	s19 =	sld [smem:$0x3FDB];
	_ =	sdelay $0x1  }
0x99: {  	s4 =	simm.s32 $_scs_section_size  }
0x9a: {  	s5 =	simm.s32 $_size__tile_overlayer_lowered;
	s6 =	simm.s32 $_tile_overlayer_lowered  }
0x9b: {  	s22 =	simm.s32 $0x1BFF;
	s21 =	sshll.u32 s6, $0x1;
	s3 =	sadd.s32 s4, s19  }
0x9c: {  	s7 =	simm.s32 $0x0;
	s20 =	sshll.u32 s5, $0x1;
	s5 =	sadd.s32 s21, s3  }
0x9d: {  	[timem:s7], [sflag:s22] =	dma.local [hbm:s5], s20  }
0x9e: {  	_ =	swait.ge [sflag:s22], s20  }
0x9f: {  	s4 =	ssub.s32 $0x0, s20;
	[sflag:s22] =	ssyncset.done $0x0  }
0xa0: {  	[sflag:s22] =	ssyncadd.s32 s4;
	_ =	sdelay $0x1  }
0xa1: {  	s23 =	simm.s32 $0x1B8B  }
0xa2: {  	_ =	swait.ge [sflag:s23], $0x1  }
0xa3: {  	[sflag:s23] =	ssyncset.done $0x0  }
0xa4: {  	s25 =	simm.s32 $0x1B8E;
	s24 =	sld [smem:$0x3FFE];
	[sflag:s23] =	ssyncadd.s32 $0xFFFFFFFF  }
0xa5: {  	s26 =	simm.s32 $execute0_lowered;
	[smem:$0x3FD2] =	sst s25  }
0xa6: {  	s5 =	sshll.u32 s26, $0x1;
	_ =	strace $0x80000046;
	[dreg:$0x1] =	wrdreg $0xFFFFFFFF  }
0xa7: {  	s28 =	simm.s32 $_size_execute0_lowered;
	s3 =	sadd.s32 s3, s5;
	[dreg:$0x0] =	wrdreg $0x0  }
0xa8: {  	s5 =	sshll.u32 s28, $0x1;
	[dreg:$0x2] =	wrdreg s3  }
0xa9: {  	[dreg:$0x3] =	wrdreg s5  }
0xaa: {  	[dreg:$0x4] =	wrdreg $0xC0  }
0xab: {  	_ =	task [dreg:s7], $0x5FFFF  }
0xac: {  	[dreg:$0x1] =	wrdreg $0xFFFFFFFF  }
0xad: {  	[dreg:$0x0] =	wrdreg $0x60  }
0xae: {  	[dreg:$0x2] =	wrdreg s2  }
0xaf: {  	[dreg:$0x3] =	wrdreg s24  }
0xb0: {  	[dreg:$0x4] =	wrdreg $0x4FB00  }
0xb1: {  	[dreg:$0x5] =	wrdreg $0x52280  }
0xb2: {  	[dreg:$0x6] =	wrdreg $0x9  }
0xb3: {  	_ =	task.clear_ibuf [dreg:s7], $0x7FFFF;
	_ =	strace $0x90000046  }
0xb4: {  	s29 =	simm.s32 $0x9;
	_ =	strace $0x80000048  }
0xb5: {  	_ =	swait.ge [sflag:s29], $0x1  }
0xb6: {  	[sflag:s29] =	ssyncadd.s32 $0xFFFFFFFF  }
0xb7: {  	_ =	strace $0x90000048  }
0xb8: {  	_ =	sfence  }
0xb9: {  	s30 =	sld [smem:$0x0];
	_ =	sdelay $0x2  }
0xba: {  	s31 =	sshll.u32 s1, $0xD;
	s1 =	sshrl.u32 s1, $0x2  }
0xbb: {  	s3 =	sand.u32 $0x4000, s31;
	s1 =	sadd.s32 s1, s30  }
0xbc: {  	s0 =	sor.u32 s3, s0;
	s1 =	sshll.u32 s1, $0x11  }
0xbd: {  	s0 =	sor.u32 s1, s0  }
0xbe: {  	s0 =	sadd.s32 $0x8F2B, s0  }
0xbf: {  	[sflag:s0] =	ssyncadd.remote.s32 $0x1  }
0xc0: {  	_ =	sfence.sel $0xFFFF  }
0xc1: {  	[dreg:$0x0] =	wrdreg $0xFFFFFFFF;
	(pc) =	sbr.abs _section_cstart, $3  }
0xc2: {  	[dreg:$0x1] =	wrdreg $0xFFFFFFFF  }
0xc3: {  	_ =	task.clear_ibuf [dreg:s7], $0x2FFFF;
	_ =	strace $0x9FFFFFFF  }
0xc4: {  	(tm) =	ssettm $0x7FFFFFFF  }
0xc5: {  	_ =	shalt  }
tec
execute0_lowered:
.L_overlay_start_1:
0x0: {  	(tag) =	ssettag $0x1  }
0x1: {  	s5 =	rddreg [dreg:$0x0]  }
0x2: {  	s7 =	rddreg [dreg:$0x1]  }
0x3: {  	s1 =	rddreg [dreg:$0x2]  }
0x4: {  	s0 =	srdreg.scid;
	s2 =	rddreg [dreg:$0x3]  }
0x5: {  	s11 =	stileid.u32;
	s3 =	simm.s32 $0x0;
	s15 =	simm.s32 $0x190  }
0x6: {  	s16 =	simm.s32 $0x4E20;
	s17 =	simm.s32 $0x1;
	s18 =	simm.s32 $0x2  }
0x7: {  	s19 =	simm.s32 $0x0;
	s6 =	sand.u32 $0x1, s0;
	s0 =	rddreg [dreg:$0x4]  }
0x8: {  	[smem:$0x7FF] =	sst s3;
	p0 =	sne.s32 s11, $0x0;
	s4 =	sshll.u32 s6, $0x4  }
0x9: {  	s8 =	smul.u32 $0x4E20, s6;
	_ =	strace $0x80000047;
	s6 =	ssub.s32 $0x2, s6  }
0xa: {  	s13 =	sshrl.u32 @!p0 s1, $0x3;
	s14 =	sshrl.u32 @!p0 s2, $0x3;
	s4 =	sor.u32 s11, s4  }
0xb: {  	s10 =	sshrl.u32 s6, $0x1;
	s11 =	simm.s32 $0x3;
	s9 =	smul.u32 $0x2710, s4  }
0xc: {  	s4 =	sadd.s32 $0x1E00, s7;
	s8 =	sshrl.u32 s8, $0x3;
	s10 =	ssub.s32 s6, s10  }
0xd: {  	s12 =	sadd.s32 s8, s7;
	s7 =	sadd.s32 $0x22E2, s7;
	s9 =	sshrl.u32 s9, $0x3  }
0xe: {  	s10 =	smax.u32 s10, $0x1;
	s8 =	sadd.s32 $0x2800, s12;
	s5 =	sadd.s32 s5, s9  }
0xf: {  	v0 =	vimm.f32 $1.000000000e+00;
	s9 =	sadd.s32 $0x2CE2, s12;
	s12 =	simm.s32 $0x2710;
	s6 =	sadd.s32 $0x9C40, s5  }
.LBB2_1:
0x10: {  	[tilespmem:s3], [sflag:$0x3] =	stream.linear.gather [hbm4b:s5+s3], $0x2710, $0x38;
	[tilespmem:$0x54A0] =	vst v63  }
0x11: {  	_ =	swait.ge [sflag:s11], $0x2710  }
0x12: {  	[sflag:s11] =	ssyncset.done $0x0  }
0x13: {  	[sflag:s11] =	ssyncadd.s32 $0xFFFFD8F0  }
0x14: {  	[tilespmem:s12], [sflag:$0x3] =	stream.linear.gather [hbm4b:s6+s3], $0x2710, $0x38;
	[tilespmem:$0x54A0] =	vst v63  }
0x15: {  	_ =	swait.ge [sflag:s11], $0x2710  }
0x16: {  	[sflag:s11] =	ssyncset.done $0x0  }
0x17: {  	[sflag:s11] =	ssyncadd.s32 $0xFFFFD8F0  }
0x18: {  	[tilespmem:$0x4E20] =	vst v0  }
0x19: {  	[tilespmem:$0x4E30] =	vst v0  }
0x1a: {  	[tilespmem:$0x4E40] =	vst v0  }
0x1b: {  	[tilespmem:$0x4E50] =	vst v0  }
0x1c: {  	[tilespmem:$0x4E60] =	vst v0  }
0x1d: {  	[tilespmem:$0x4E70] =	vst v0  }
0x1e: {  	[tilespmem:$0x4E80] =	vst v0  }
0x1f: {  	[tilespmem:$0x4E90] =	vst v0  }
0x20: {  	[tilespmem:$0x4EA0] =	vst v0  }
0x21: {  	[tilespmem:$0x4EB0] =	vst v0  }
0x22: {  	[tilespmem:$0x4EC0] =	vst v0  }
0x23: {  	[tilespmem:$0x4ED0] =	vst v0  }
0x24: {  	[tilespmem:$0x4EE0] =	vst v0  }
0x25: {  	[tilespmem:$0x4EF0] =	vst v0  }
0x26: {  	[tilespmem:$0x4F00] =	vst v0  }
0x27: {  	[tilespmem:$0x4F10] =	vst v0  }
0x28: {  	[tilespmem:$0x4F20] =	vst v0  }
0x29: {  	[tilespmem:$0x4F30] =	vst v0  }
0x2a: {  	[tilespmem:$0x4F40] =	vst v0  }
0x2b: {  	[tilespmem:$0x4F50] =	vst v0  }
0x2c: {  	[tilespmem:$0x4F60] =	vst v0  }
0x2d: {  	[tilespmem:$0x4F70] =	vst v0  }
0x2e: {  	[tilespmem:$0x4F80] =	vst v0  }
0x2f: {  	[tilespmem:$0x4F90] =	vst v0  }
0x30: {  	s20 =	simm.s32 @!p0 $0x1C03;
	s21 =	simm.s32 @!p0 $0x3;
	[tilespmem:$0x4FA0] =	vst v0  }
0x31: {  	[spmem:s13], [sflag:s20] =	dma.local @!p0 [hbm:s4], $0x4E2  }
0x32: {  	_ =	swait.ge @!p0 [sflag:s21], $0x4E2  }
0x33: {  	[sflag:s21] =	ssyncset.done @!p0 $0x0  }
0x34: {  	[sflag:s21] =	ssyncadd.s32 @!p0 $0xFFFFFB1E  }
0x35: {  	[spmem:s14], [sflag:s20] =	dma.local @!p0 [hbm:s7], $0x4E2  }
0x36: {  	_ =	swait.ge @!p0 [sflag:s21], $0x4E2  }
0x37: {  	[sflag:s21] =	ssyncset.done @!p0 $0x0  }
0x38: {  	s31 =	simm.s32 $0x2710;
	[sflag:s21] =	ssyncadd.s32 @!p0 $0xFFFFFB1E  }
0x39: {  	s20 =	simm.s32 $0x640;
	s21 =	simm.s32 $0x0;
	[bflag:$0x0] =	sbarrier.arrive $0xFFFF  }
0x3a: {  	[spmem:s1] =	stream.indirect.scatter.add.f32 [tilespmem:s16], [sflag:$0x1], $0x1, s31, s15, $0xb8;
	[tilespmem:$0x54A0] =	vst v63  }
.LBB2_2:
0x3b: {  	[spmem:s2] =	stream.indirect.scatter.add.f32 [tilespmem:s16], [sflag:$0x2], $0x1, s21, s15, $0xb8;
	[tilespmem:$0x54A0] =	vst v63  }
0x3c: {  	p1 =	sne.s32 s20, $0x9600  }
.Ltmp0:
0x3d: {  	s21 =	smov.u32 s20;
	(pc) =	sbr.rel @p1 .LBB2_2-.Ltmp0, $4  }
0x3e: {  	s20 =	sadd.s32 $0x640, s20  }
0x3f: {  	s21 =	sshra.s32 s21, $0x2  }
0x40: {  	s22 =	sadd.s32 $0x2710, s21  }
0x41: {  	[spmem:s1] =	stream.indirect.scatter.add.f32 [tilespmem:s16], [sflag:$0x1], $0x1, s22, s15, $0xb8;
	[tilespmem:$0x54A0] =	vst v63  }
0x42: {  	[spmem:s2] =	stream.indirect.scatter.add.f32 [tilespmem:s16], [sflag:$0x2], $0x1, s21, s15, $0xb8;
	[tilespmem:$0x54A0] =	vst v63  }
0x43: {  	_ =	swait.ge [sflag:s17], $0x190  }
0x44: {  	[sflag:s17] =	ssyncset.done $0x0  }
0x45: {  	[sflag:s17] =	ssyncadd.s32 $0xFFFFFE70  }
0x46: {  	_ =	swait.ge [sflag:s18], $0x190  }
0x47: {  	s20 =	simm.s32 $0x18;
	[sflag:s18] =	ssyncset.done $0x0  }
.LBB2_4:
0x48: {  	p1 =	sne.s32 s20, $0x1;
	s20 =	sadd.s32 $0xFFFFFFFF, s20;
	[sflag:s18] =	ssyncadd.s32 $0xFFFFFE70  }
.Ltmp1:
0x49: {  	_ =	swait.ge [sflag:s17], $0x190;
	(pc) =	sbr.rel @p1 .LBB2_4-.Ltmp1, $4  }
0x4a: {  	[sflag:s17] =	ssyncset.done $0x0  }
0x4b: {  	[sflag:s17] =	ssyncadd.s32 $0xFFFFFE70  }
0x4c: {  	_ =	swait.ge [sflag:s18], $0x190  }
0x4d: {  	[sflag:s18] =	ssyncset.done $0x0  }
0x4e: {  	[sflag:s18] =	ssyncadd.s32 $0xFFFFFE70  }
0x4f: {  	s20 =	simm.s32 @!p0 $0x1C03;
	s21 =	simm.s32 @!p0 $0x3;
	[bflag:$0x0] =	sbarrier.arrive $0xFFFF  }
0x50: {  	[hbm:s8], [sflag:s20] =	dma.local @!p0 [spmem:s13], $0x4E2  }
0x51: {  	s19 =	sadd.s32 $0x1, s19;
	_ =	swait.ge @!p0 [sflag:s21], $0x4E2  }
0x52: {  	p1 =	sne.s32 s19, s10;
	[sflag:s21] =	ssyncset.done @!p0 $0x0  }
.Ltmp2:
0x53: {  	[sflag:s21] =	ssyncadd.s32 @!p0 $0xFFFFFB1E;
	(pc) =	sbr.rel @p1 .LBB2_1-.Ltmp2, $4  }
0x54: {  	[hbm:s9], [sflag:s20] =	dma.local @!p0 [spmem:s14], $0x4E2  }
0x55: {  	_ =	swait.ge @!p0 [sflag:s21], $0x4E2  }
0x56: {  	[sflag:s21] =	ssyncset.done @!p0 $0x0  }
0x57: {  	[sflag:s21] =	ssyncadd.s32 @!p0 $0xFFFFFB1E  }
0x58: {  	_ =	sfence.sel $0x180000  }
0x59: {  	[bflag:$0x0] =	sbarrier.arrive $0xFFFF  }
0x5a: {  	_ =	strace $0x90000047  }
0x5b: {  	s0 =	sadd.s32 @!p0 $0x100000, s0;
	[bflag:$0x2] =	sbarrier.arrive $0xFFFF  }
0x5c: {  	[sflag:s0] =	ssyncadd.tile.s32 @!p0 $0x1;
	_ =	shalt  }
.Lfunc_end2:
_tile_overlayer_lowered:
.L_overlay_start_2:
0x5d: {  	(tag) =	ssettag $0x2  }
0x5e: {  	s0 =	rddreg [dreg:$0x0];
	s2 =	stileid.u32  }
0x5f: {  	s1 =	rddreg [dreg:$0x1];
	p0 =	sne.s32 s2, $0x0  }
0x60: {  	s3 =	rddreg [dreg:$0x2];
	[bflag:$0x3] =	sbarrier.arrive $0xFFFF;
	s2 =	simm.s32 @!p0 $0x1C03  }
0x61: {  	[timem:s3], [sflag:s2] =	dma.local @!p0 [hbm:s0], s1  }
0x62: {  	s0 =	simm.s32 @!p0 $0x3  }
0x63: {  	_ =	swait.ge @!p0 [sflag:s0], s1  }
0x64: {  	s1 =	ssub.s32 @!p0 $0x0, s1;
	[sflag:s0] =	ssyncset.done @!p0 $0x0  }
0x65: {  	[sflag:s0] =	ssyncadd.s32 @!p0 s1  }
0x66: {  	[bflag:$0x3] =	sbarrier.arrive $0xFFFF  }
0x67: {  	_ =	shalt  }

</sc_bundles>
